<compile_context>
chip_gen: v7x
topology: tpu7x:2x2x1
jax: 0.10.2.dev20260603
libtpu: 0.0.44.dev20260713+nightly
codegen_flags: <defaults>
</compile_context>

<pallas_src>
import dataclasses
import functools

import numpy as np

import jax
import jax.numpy as jnp
from jax import lax
from jax.experimental import pallas as pl
from jax.experimental.pallas import tpu as pltpu
from jax.experimental.pallas import tpu_sc as plsc

_NUM_ACT = 2048
_NUM_KNOTS = 64
_X_MIN = -4.0
_X_MAX = 4.0
_STEP = (_X_MAX - _X_MIN) / (_NUM_KNOTS - 1)
_INV_STEP = 1.0 / _STEP
_BMAX = int(np.floor((np.float32(_X_MAX - _STEP) - np.float32(_X_MIN))
                     / np.float32(_STEP)))
_PAD_LO = 64
_TAB = 192

_NC = 2
_NS = 16
_NW = _NC * _NS
_CSTRIPES = 16
_RSPLIT = _NW // _CSTRIPES
_CPT = _NUM_ACT // _CSTRIPES
_RB = 128
_NBUF = 2


def _project_body(cs_ref, a_ref, b_ref):
    cs = cs_ref[...]
    nk = cs.shape[1]
    s = (cs[:, 1:] - cs[:, :-1]) * jnp.float32(_INV_STEP)
    col = lax.broadcasted_iota(jnp.int32, s.shape, 1)
    s = jnp.where((col > 0) & (col < nk - 2), s, jnp.float32(0.0))
    r = lax.broadcasted_iota(jnp.int32, (nk - 1, nk - 1), 0)
    c2 = lax.broadcasted_iota(jnp.int32, (nk - 1, nk - 1), 1)
    tri = jnp.where(r <= c2, jnp.float32(_STEP), jnp.float32(0.0))
    cum = jnp.dot(s, tri, preferred_element_type=jnp.float32)
    zeros1 = jnp.zeros((cs.shape[0], 1), jnp.float32)
    new_cs = jnp.concatenate([zeros1, cum], axis=1)
    new_cs = new_cs + jnp.mean(cs - new_cs, axis=1, keepdims=True)
    diff = new_cs[:, 1:] - new_cs[:, :-1]
    nint = _BMAX + 1
    b_int = diff[:, :nint]
    a_int = new_cs[:, :nint]
    kvec = (lax.broadcasted_iota(jnp.int32, b_int.shape, 1)
            .astype(jnp.float32) + jnp.float32(_PAD_LO))
    a2_int = a_int - kvec * b_int
    lo_a = jnp.broadcast_to(a2_int[:, :1], (cs.shape[0], _PAD_LO))
    lo_b = jnp.broadcast_to(b_int[:, :1], (cs.shape[0], _PAD_LO))
    nhi = _TAB - _PAD_LO - nint
    hi_a = jnp.broadcast_to(a2_int[:, nint - 1:], (cs.shape[0], nhi))
    hi_b = jnp.broadcast_to(b_int[:, nint - 1:], (cs.shape[0], nhi))
    a_ref[...] = jnp.concatenate([lo_a, a2_int, hi_a], axis=1).T
    b_ref[...] = jnp.concatenate([lo_b, b_int, hi_b], axis=1).T


def _project(cs):
    shape = jax.ShapeDtypeStruct((_TAB, cs.shape[0]), jnp.float32)
    return pl.pallas_call(_project_body, out_shape=(shape, shape))(cs)


def _make_spline_sc(n_rows, n_cols):
    assert n_cols == _NUM_ACT
    assert n_rows % (_RB * _RSPLIT) == 0
    nchunk = n_rows // _RSPLIT // _RB
    rows_per_worker = n_rows // _RSPLIT
    mesh = plsc.VectorSubcoreMesh(core_axis_name="c", subcore_axis_name="s")
    cp = pltpu.CompilerParams()
    if "needs_layout_passes" in pltpu.CompilerParams.__dataclass_fields__:
        cp = dataclasses.replace(cp, needs_layout_passes=False)

    @functools.partial(
        pl.kernel,
        mesh=mesh,
        compiler_params=cp,
        out_type=jax.ShapeDtypeStruct((n_rows, n_cols), jnp.float32),
        scratch_types=[
            pltpu.VMEM((_TAB, _CPT), jnp.float32),
            pltpu.VMEM((_TAB, _CPT), jnp.float32),
            pltpu.VMEM((_NBUF, _RB, _CPT), jnp.float32),
            pltpu.VMEM((_NBUF, _RB, _CPT), jnp.float32),
            pltpu.SemaphoreType.DMA((_NBUF,)),
            pltpu.SemaphoreType.DMA((_NBUF,)),
        ],
    )
    def spline(x_hbm, a_hbm, b_hbm, o_hbm, a_v, b_v, x_v, o_v, insem, outsem):
        wid = lax.axis_index("s") * _NC + lax.axis_index("c")
        c0 = (wid % _CSTRIPES) * _CPT
        r_base = (wid // _CSTRIPES) * rows_per_worker

        pltpu.sync_copy(a_hbm.at[:, pl.ds(c0, _CPT)], a_v)
        pltpu.sync_copy(b_hbm.at[:, pl.ds(c0, _CPT)], b_v)

        lanes = lax.iota(jnp.int32, 16)
        chan_ids = [lanes + k * 16 for k in range(_CPT // 16)]

        def in_copy(g, p):
            return pltpu.make_async_copy(
                x_hbm.at[pl.ds(r_base + g * _RB, _RB), pl.ds(c0, _CPT)],
                x_v.at[p], insem.at[p])

        def out_copy(g, p):
            return pltpu.make_async_copy(
                o_v.at[p], o_hbm.at[pl.ds(r_base + g * _RB, _RB), pl.ds(c0, _CPT)],
                outsem.at[p])

        def compute(p):
            @plsc.parallel_loop(0, _RB, step=1, unroll=4)
            def _(r):
                for k in range(_CPT // 16):
                    xv = x_v.at[p, r, pl.ds(k * 16, 16)][...]
                    t = (xv * jnp.float32(_INV_STEP)
                         + jnp.float32(_PAD_LO - _X_MIN * _INV_STEP))
                    bi = t.astype(jnp.int32)
                    av = plsc.load_gather(a_v, [bi, chan_ids[k]])
                    bv = plsc.load_gather(b_v, [bi, chan_ids[k]])
                    o_v.at[p, r, pl.ds(k * 16, 16)][...] = av + t * bv

        assert nchunk % _NBUF == 0 and nchunk >= 2 * _NBUF
        for q in range(_NBUF - 1):
            in_copy(q, q).start()

        @pl.loop(0, nchunk, step=_NBUF)
        def _(g0):
            for p in range(_NBUF):
                g = g0 + p
                in_copy(g, p).wait()

                @pl.when(g + _NBUF - 1 < nchunk)
                def _():
                    in_copy(g + _NBUF - 1, (p + _NBUF - 1) % _NBUF).start()

                @pl.when(g0 >= _NBUF)
                def _():
                    out_copy(g - _NBUF, p).wait()

                compute(p)
                out_copy(g, p).start()

        for q in range(_NBUF):
            out_copy(nchunk - _NBUF + q, q).wait()


    return spline


def kernel(x, coefficients):
    a, b = _project(coefficients)
    spline = _make_spline_sc(x.shape[0], x.shape[1])
    return spline(x, a, b)

# --- scband reference (transcript-rebuilt; emitter-appended) ---
"""Pipeline reference for scband-linear-spline-8718783611445 (READ-ONLY COPY).

The authoritative reference and input builder live on the scoring server;
editing this copy changes nothing except your own understanding.
"""

import jax, jax.numpy as jnp
import numpy as np

NUM_ACTIVATIONS = 2048
NUM_KNOTS = 64
X_MIN = -4.0
X_MAX = 4.0
STEP = (X_MAX - X_MIN) / (NUM_KNOTS - 1)


def setup_inputs(seed: int = 0) -> dict:
    key = jax.random.key(seed)
    k1, _ = jax.random.split(key)
    x = jax.random.normal(k1, (32768, 2048), dtype=jnp.float32)
    # init == 'identity': coefficients are the knot grid values per activation
    grid = jnp.linspace(X_MIN, X_MAX, NUM_KNOTS, dtype=jnp.float32)
    coefficients = jnp.broadcast_to(grid, (NUM_ACTIVATIONS, NUM_KNOTS)).copy()
    return {"x": x, "coefficients": coefficients}


def _project_coefficients(cs):
    # clipped_coefficients with slope_min=None, slope_max=None, clamp=True
    new_slopes = (cs[:, 1:] - cs[:, :-1]) / STEP
    new_slopes = new_slopes.at[:, 0].set(0.0)
    new_slopes = new_slopes.at[:, -1].set(0.0)
    new_cs = jnp.zeros_like(cs)
    new_cs = new_cs.at[:, 1:].set(jnp.cumsum(new_slopes, axis=1) * STEP)
    new_cs = new_cs + jnp.mean(cs - new_cs, axis=1, keepdims=True)
    return new_cs


def _spline_forward(x, coefficients):
    in_shape = x.shape
    in_channels = in_shape[1]
    # view(B, num_activations, in_channels // num_activations)
    xr = x.reshape(in_shape[0], NUM_ACTIVATIONS, in_channels // NUM_ACTIVATIONS)
    coeffs = _project_coefficients(coefficients)
    coeff_vect = coeffs.reshape(-1)
    zero_knot_indexes = jnp.arange(NUM_ACTIVATIONS, dtype=jnp.float32) * NUM_KNOTS
    x_clamped = jnp.clip(xr, X_MIN, X_MAX - STEP)
    floored_x = jnp.floor((x_clamped - X_MIN) / STEP)
    fracs = (xr - X_MIN) / STEP - floored_x
    indexes = (zero_knot_indexes.reshape(1, -1, 1) + floored_x).astype(jnp.int32)
    out = jnp.take(coeff_vect, indexes + 1) * fracs + jnp.take(coeff_vect, indexes) * (1.0 - fracs)
    return out.reshape(in_shape)


def reference(x, coefficients):
    return _spline_forward(x, coefficients)

if __name__ == "__main__":
    import jax
    _d = setup_inputs()
    print(jax.jit(kernel)(*tuple(_d.values())))

</pallas_src>

<mosaic_0001>
#map = affine_map<(d0, d1) -> (0, 0)>
module attributes {stable_mosaic.version = 14 : i64} {
  func.func @spline(%arg0: i32, %arg1: i32, %arg2: memref<32768x2048xf32, #tpu.memory_space<hbm>>, %arg3: memref<192x2048xf32, #tpu.memory_space<hbm>>, %arg4: memref<192x2048xf32, #tpu.memory_space<hbm>>, %arg5: memref<32768x2048xf32, #tpu.memory_space<hbm>>, %arg6: memref<192x128xf32, #tpu.memory_space<vmem>>, %arg7: memref<192x128xf32, #tpu.memory_space<vmem>>, %arg8: memref<2x128x128xf32, #tpu.memory_space<vmem>>, %arg9: memref<2x128x128xf32, #tpu.memory_space<vmem>>, %arg10: memref<2x!tpu.dma_semaphore, #tpu.memory_space<semaphore_mem>>, %arg11: memref<2x!tpu.dma_semaphore, #tpu.memory_space<semaphore_mem>>) attributes {dimension_semantics = [#tpu.dimension_semantics<core_parallel>, #tpu.dimension_semantics<subcore_parallel>], iteration_bounds = array<i64: 2, 16>, scalar_prefetch = 0 : i64, scratch_operands = 6 : i64, tpu.core_type = #tpu.core_type<sc_vector_subcore>, window_params = [{transform_indices = #map}, {transform_indices = #map}, {transform_indices = #map}, {transform_indices = #map}]} {
    %mul3A = arith.constant 2 : i32
    %mul3A_0 = arith.muli %arg1, %mul3A : i32
    %add3A = arith.addi %mul3A_0, %arg0 : i32
    %jit3A = arith.constant 16 : i32
    %eq3A = arith.constant 0 : i32
    %eq3A_1 = arith.cmpi eq, %jit3A, %eq3A : i32
    %jit3A_2 = arith.constant 1 : i32
    %select_n3A = arith.select %eq3A_1, %jit3A_2, %jit3A : i32
    %rem3A = arith.remsi %add3A, %select_n3A : i32
    %ne3A = arith.constant 0 : i32
    %ne3A_3 = arith.cmpi ne, %rem3A, %ne3A : i32
    %lt3A = arith.constant 0 : i32
    %lt3A_4 = arith.cmpi slt, %rem3A, %lt3A : i32
    %lt3A_5 = arith.constant 0 : i32
    %lt3A_6 = arith.cmpi slt, %select_n3A, %lt3A_5 : i32
    %ne3A_7 = arith.xori %lt3A_4, %lt3A_6 : i1
    %and3A = arith.andi %ne3A_7, %ne3A_3 : i1
    %add3A_8 = arith.addi %rem3A, %select_n3A : i32
    %select_n3A_9 = arith.select %and3A, %add3A_8, %rem3A : i32
    %mul3A_10 = arith.constant 128 : i32
    %mul3A_11 = arith.muli %select_n3A_9, %mul3A_10 : i32
    %jit3A_12 = arith.constant 16 : i32
    %div3A = arith.divsi %add3A, %jit3A_12 : i32
    %sign3A = arith.constant 0 : i32
    %sign3A_13 = arith.cmpi sgt, %add3A, %sign3A : i32
    %sign3A_14 = arith.extui %sign3A_13 : i1 to i32
    %sign3A_15 = arith.constant 0 : i32
    %sign3A_16 = arith.cmpi slt, %add3A, %sign3A_15 : i32
    %sign3A_17 = arith.extui %sign3A_16 : i1 to i32
    %sign3A_18 = arith.subi %sign3A_14, %sign3A_17 : i32
    %sign3A_19 = arith.constant 0 : i32
    %sign3A_20 = arith.cmpi sgt, %jit3A_12, %sign3A_19 : i32
    %sign3A_21 = arith.extui %sign3A_20 : i1 to i32
    %sign3A_22 = arith.constant 0 : i32
    %sign3A_23 = arith.cmpi slt, %jit3A_12, %sign3A_22 : i32
    %sign3A_24 = arith.extui %sign3A_23 : i1 to i32
    %sign3A_25 = arith.subi %sign3A_21, %sign3A_24 : i32
    %ne3A_26 = arith.cmpi ne, %sign3A_18, %sign3A_25 : i32
    %rem3A_27 = arith.remsi %add3A, %jit3A_12 : i32
    %ne3A_28 = arith.constant 0 : i32
    %ne3A_29 = arith.cmpi ne, %rem3A_27, %ne3A_28 : i32
    %and3A_30 = arith.andi %ne3A_26, %ne3A_29 : i1
    %sub3A = arith.constant 1 : i32
    %sub3A_31 = arith.subi %div3A, %sub3A : i32
    %select_n3A_32 = arith.select %and3A_30, %sub3A_31, %div3A : i32
    %mul3A_33 = arith.constant 16384 : i32
    %mul3A_34 = arith.muli %select_n3A_32, %mul3A_33 : i32
    "tpu.region"() ({
      %run_scoped3A = tpu.sem_alloc : memref<!tpu.dma_semaphore, #tpu.memory_space<semaphore_mem>>
      %dma_start3A_109 = arith.constant 0 : i32
      %dma_start3A_110 = tpu.memref_slice %arg3[%dma_start3A_109, %mul3A_11] : memref<192x2048xf32, #tpu.memory_space<hbm>> -> memref<192x128xf32, #tpu.memory_space<hbm>>
      %dma_start3A_111 = arith.constant 0 : i32
      %dma_start3A_112 = tpu.memref_slice %arg3[%dma_start3A_111, %mul3A_11] : memref<192x2048xf32, #tpu.memory_space<hbm>> -> memref<192x128xf32, #tpu.memory_space<hbm>>
      tpu.enqueue_dma source(%dma_start3A_112 : memref<192x128xf32, #tpu.memory_space<hbm>>) target(%arg6 : memref<192x128xf32, #tpu.memory_space<vmem>>) target_semaphore(%run_scoped3A : memref<!tpu.dma_semaphore, #tpu.memory_space<semaphore_mem>>)
      %dma_wait3A_113 = arith.constant 0 : i32
      %dma_wait3A_114 = tpu.memref_slice %arg3[%dma_wait3A_113, %mul3A_11] : memref<192x2048xf32, #tpu.memory_space<hbm>> -> memref<192x128xf32, #tpu.memory_space<hbm>>
      %dma_wait3A_115 = arith.constant 0 : i32
      %dma_wait3A_116 = tpu.memref_slice %arg3[%dma_wait3A_115, %mul3A_11] : memref<192x2048xf32, #tpu.memory_space<hbm>> -> memref<192x128xf32, #tpu.memory_space<hbm>>
      tpu.wait_dma2 semaphore(%run_scoped3A : memref<!tpu.dma_semaphore, #tpu.memory_space<semaphore_mem>>) src(%dma_wait3A_116 : memref<192x128xf32, #tpu.memory_space<hbm>>) dst(%arg6 : memref<192x128xf32, #tpu.memory_space<vmem>>)
      tpu.yield
    }) : () -> ()
    "tpu.region"() ({
      %run_scoped3A = tpu.sem_alloc : memref<!tpu.dma_semaphore, #tpu.memory_space<semaphore_mem>>
      %dma_start3A_109 = arith.constant 0 : i32
      %dma_start3A_110 = tpu.memref_slice %arg4[%dma_start3A_109, %mul3A_11] : memref<192x2048xf32, #tpu.memory_space<hbm>> -> memref<192x128xf32, #tpu.memory_space<hbm>>
      %dma_start3A_111 = arith.constant 0 : i32
      %dma_start3A_112 = tpu.memref_slice %arg4[%dma_start3A_111, %mul3A_11] : memref<192x2048xf32, #tpu.memory_space<hbm>> -> memref<192x128xf32, #tpu.memory_space<hbm>>
      tpu.enqueue_dma source(%dma_start3A_112 : memref<192x128xf32, #tpu.memory_space<hbm>>) target(%arg7 : memref<192x128xf32, #tpu.memory_space<vmem>>) target_semaphore(%run_scoped3A : memref<!tpu.dma_semaphore, #tpu.memory_space<semaphore_mem>>)
      %dma_wait3A_113 = arith.constant 0 : i32
      %dma_wait3A_114 = tpu.memref_slice %arg4[%dma_wait3A_113, %mul3A_11] : memref<192x2048xf32, #tpu.memory_space<hbm>> -> memref<192x128xf32, #tpu.memory_space<hbm>>
      %dma_wait3A_115 = arith.constant 0 : i32
      %dma_wait3A_116 = tpu.memref_slice %arg4[%dma_wait3A_115, %mul3A_11] : memref<192x2048xf32, #tpu.memory_space<hbm>> -> memref<192x128xf32, #tpu.memory_space<hbm>>
      tpu.wait_dma2 semaphore(%run_scoped3A : memref<!tpu.dma_semaphore, #tpu.memory_space<semaphore_mem>>) src(%dma_wait3A_116 : memref<192x128xf32, #tpu.memory_space<hbm>>) dst(%arg7 : memref<192x128xf32, #tpu.memory_space<vmem>>)
      tpu.yield
    }) : () -> ()
    %iota3A = tpu.iota {dimensions = array<i32: 0>} : vector<16xi32>
    %add3A_35 = arith.constant 0 : i32
    %add3A_36 = vector.broadcast %add3A_35 : i32 to vector<16xi32>
    %add3A_37 = arith.addi %iota3A, %add3A_36 : vector<16xi32>
    %add3A_38 = arith.constant 16 : i32
    %add3A_39 = vector.broadcast %add3A_38 : i32 to vector<16xi32>
    %add3A_40 = arith.addi %iota3A, %add3A_39 : vector<16xi32>
    %add3A_41 = arith.constant 32 : i32
    %add3A_42 = vector.broadcast %add3A_41 : i32 to vector<16xi32>
    %add3A_43 = arith.addi %iota3A, %add3A_42 : vector<16xi32>
    %add3A_44 = arith.constant 48 : i32
    %add3A_45 = vector.broadcast %add3A_44 : i32 to vector<16xi32>
    %add3A_46 = arith.addi %iota3A, %add3A_45 : vector<16xi32>
    %add3A_47 = arith.constant 64 : i32
    %add3A_48 = vector.broadcast %add3A_47 : i32 to vector<16xi32>
    %add3A_49 = arith.addi %iota3A, %add3A_48 : vector<16xi32>
    %add3A_50 = arith.constant 80 : i32
    %add3A_51 = vector.broadcast %add3A_50 : i32 to vector<16xi32>
    %add3A_52 = arith.addi %iota3A, %add3A_51 : vector<16xi32>
    %add3A_53 = arith.constant 96 : i32
    %add3A_54 = vector.broadcast %add3A_53 : i32 to vector<16xi32>
    %add3A_55 = arith.addi %iota3A, %add3A_54 : vector<16xi32>
    %add3A_56 = arith.constant 112 : i32
    %add3A_57 = vector.broadcast %add3A_56 : i32 to vector<16xi32>
    %add3A_58 = arith.addi %iota3A, %add3A_57 : vector<16xi32>
    %add3A_59 = arith.constant 0 : i32
    %add3A_60 = arith.addi %mul3A_34, %add3A_59 : i32
    %dma_start3A = arith.constant 0 : i32
    %dma_start3A_61 = arith.constant 0 : i32
    %dma_start3A_62 = arith.constant 0 : i32
    %dma_start3A_63 = arith.constant 0 : i32
    %dma_start3A_64 = tpu.memref_slice %arg8[%dma_start3A, %dma_start3A_62, %dma_start3A_63] : memref<2x128x128xf32, #tpu.memory_space<vmem>> -> memref<1x128x128xf32, #tpu.memory_space<vmem>>
    %dma_start3A_65 = tpu.memref_squeeze %dma_start3A_64 : memref<1x128x128xf32, #tpu.memory_space<vmem>> -> memref<128x128xf32, #tpu.memory_space<vmem>>
    %dma_start3A_66 = tpu.memref_slice %arg2[%add3A_60, %mul3A_11] : memref<32768x2048xf32, #tpu.memory_space<hbm>> -> memref<128x128xf32, #tpu.memory_space<hbm>>
    %dma_start3A_67 = tpu.memref_slice %arg10[%dma_start3A_61] : memref<2x!tpu.dma_semaphore, #tpu.memory_space<semaphore_mem>> -> memref<1x!tpu.dma_semaphore, #tpu.memory_space<semaphore_mem>>
    %dma_start3A_68 = tpu.memref_squeeze %dma_start3A_67 : memref<1x!tpu.dma_semaphore, #tpu.memory_space<semaphore_mem>> -> memref<!tpu.dma_semaphore, #tpu.memory_space<semaphore_mem>>
    %dma_start3A_69 = arith.constant 0 : i32
    %dma_start3A_70 = arith.constant 0 : i32
    %dma_start3A_71 = tpu.memref_slice %arg8[%dma_start3A, %dma_start3A_69, %dma_start3A_70] : memref<2x128x128xf32, #tpu.memory_space<vmem>> -> memref<1x128x128xf32, #tpu.memory_space<vmem>>
    %dma_start3A_72 = tpu.memref_squeeze %dma_start3A_71 : memref<1x128x128xf32, #tpu.memory_space<vmem>> -> memref<128x128xf32, #tpu.memory_space<vmem>>
    %dma_start3A_73 = tpu.memref_slice %arg2[%add3A_60, %mul3A_11] : memref<32768x2048xf32, #tpu.memory_space<hbm>> -> memref<128x128xf32, #tpu.memory_space<hbm>>
    tpu.enqueue_dma source(%dma_start3A_73 : memref<128x128xf32, #tpu.memory_space<hbm>>) target(%dma_start3A_72 : memref<128x128xf32, #tpu.memory_space<vmem>>) target_semaphore(%dma_start3A_68 : memref<!tpu.dma_semaphore, #tpu.memory_space<semaphore_mem>>)
    %scan3A = arith.constant 0 : i32
    %scan3A_74 = arith.constant 64 : i32
    %scan3A_75 = arith.addi %scan3A, %scan3A_74 : i32
    %scan3A_76 = arith.constant 1 : i32
    scf.for %scan3A_109 = %scan3A to %scan3A_75 step %scan3A_76  : i32 {
      %mul3A_110 = arith.constant 2 : i32
      %mul3A_111 = arith.muli %scan3A_109, %mul3A_110 : i32
      %add3A_112 = arith.constant 0 : i32
      %add3A_113 = arith.addi %add3A_112, %mul3A_111 : i32
      %add3A_114 = arith.constant 0 : i32
      %add3A_115 = arith.addi %add3A_113, %add3A_114 : i32
      %mul3A_116 = arith.constant 128 : i32
      %mul3A_117 = arith.muli %add3A_115, %mul3A_116 : i32
      %add3A_118 = arith.addi %mul3A_34, %mul3A_117 : i32
      %dma_wait3A_119 = arith.constant 0 : i32
      %dma_wait3A_120 = arith.constant 0 : i32
      %dma_wait3A_121 = arith.constant 0 : i32
      %dma_wait3A_122 = arith.constant 0 : i32
      %dma_wait3A_123 = tpu.memref_slice %arg8[%dma_wait3A_119, %dma_wait3A_121, %dma_wait3A_122] : memref<2x128x128xf32, #tpu.memory_space<vmem>> -> memref<1x128x128xf32, #tpu.memory_space<vmem>>
      %dma_wait3A_124 = tpu.memref_squeeze %dma_wait3A_123 : memref<1x128x128xf32, #tpu.memory_space<vmem>> -> memref<128x128xf32, #tpu.memory_space<vmem>>
      %dma_wait3A_125 = tpu.memref_slice %arg2[%add3A_118, %mul3A_11] : memref<32768x2048xf32, #tpu.memory_space<hbm>> -> memref<128x128xf32, #tpu.memory_space<hbm>>
      %dma_wait3A_126 = tpu.memref_slice %arg10[%dma_wait3A_120] : memref<2x!tpu.dma_semaphore, #tpu.memory_space<semaphore_mem>> -> memref<1x!tpu.dma_semaphore, #tpu.memory_space<semaphore_mem>>
      %dma_wait3A_127 = tpu.memref_squeeze %dma_wait3A_126 : memref<1x!tpu.dma_semaphore, #tpu.memory_space<semaphore_mem>> -> memref<!tpu.dma_semaphore, #tpu.memory_space<semaphore_mem>>
      %dma_wait3A_128 = arith.constant 0 : i32
      %dma_wait3A_129 = arith.constant 0 : i32
      %dma_wait3A_130 = tpu.memref_slice %arg8[%dma_wait3A_119, %dma_wait3A_128, %dma_wait3A_129] : memref<2x128x128xf32, #tpu.memory_space<vmem>> -> memref<1x128x128xf32, #tpu.memory_space<vmem>>
      %dma_wait3A_131 = tpu.memref_squeeze %dma_wait3A_130 : memref<1x128x128xf32, #tpu.memory_space<vmem>> -> memref<128x128xf32, #tpu.memory_space<vmem>>
      %dma_wait3A_132 = tpu.memref_slice %arg2[%add3A_118, %mul3A_11] : memref<32768x2048xf32, #tpu.memory_space<hbm>> -> memref<128x128xf32, #tpu.memory_space<hbm>>
      tpu.wait_dma2 semaphore(%dma_wait3A_127 : memref<!tpu.dma_semaphore, #tpu.memory_space<semaphore_mem>>) src(%dma_wait3A_132 : memref<128x128xf32, #tpu.memory_space<hbm>>) dst(%dma_wait3A_131 : memref<128x128xf32, #tpu.memory_space<vmem>>)
      %add3A_133 = arith.constant 2 : i32
      %add3A_134 = arith.addi %add3A_115, %add3A_133 : i32
      %sub3A_135 = arith.constant 1 : i32
      %sub3A_136 = arith.subi %add3A_134, %sub3A_135 : i32
      %lt3A_137 = arith.constant 128 : i32
      %lt3A_138 = arith.cmpi slt, %sub3A_136, %lt3A_137 : i32
      %convert_element_type3A = arith.extui %lt3A_138 : i1 to i32
      %cond3A = arith.constant 0 : i32
      %cond3A_139 = arith.cmpi ne, %convert_element_type3A, %cond3A : i32
      scf.if %cond3A_139 {
        %add3A_216 = arith.constant 2 : i32
        %add3A_217 = arith.addi %add3A_115, %add3A_216 : i32
        %sub3A_218 = arith.constant 1 : i32
        %sub3A_219 = arith.subi %add3A_217, %sub3A_218 : i32
        %mul3A_220 = arith.constant 128 : i32
        %mul3A_221 = arith.muli %sub3A_219, %mul3A_220 : i32
        %add3A_222 = arith.addi %mul3A_34, %mul3A_221 : i32
        %dma_start3A_223 = arith.constant 1 : i32
        %dma_start3A_224 = arith.constant 1 : i32
        %dma_start3A_225 = arith.constant 0 : i32
        %dma_start3A_226 = arith.constant 0 : i32
        %dma_start3A_227 = tpu.memref_slice %arg8[%dma_start3A_223, %dma_start3A_225, %dma_start3A_226] : memref<2x128x128xf32, #tpu.memory_space<vmem>> -> memref<1x128x128xf32, #tpu.memory_space<vmem>>
        %dma_start3A_228 = tpu.memref_squeeze %dma_start3A_227 : memref<1x128x128xf32, #tpu.memory_space<vmem>> -> memref<128x128xf32, #tpu.memory_space<vmem>>
        %dma_start3A_229 = tpu.memref_slice %arg2[%add3A_222, %mul3A_11] : memref<32768x2048xf32, #tpu.memory_space<hbm>> -> memref<128x128xf32, #tpu.memory_space<hbm>>
        %dma_start3A_230 = tpu.memref_slice %arg10[%dma_start3A_224] : memref<2x!tpu.dma_semaphore, #tpu.memory_space<semaphore_mem>> -> memref<1x!tpu.dma_semaphore, #tpu.memory_space<semaphore_mem>>
        %dma_start3A_231 = tpu.memref_squeeze %dma_start3A_230 : memref<1x!tpu.dma_semaphore, #tpu.memory_space<semaphore_mem>> -> memref<!tpu.dma_semaphore, #tpu.memory_space<semaphore_mem>>
        %dma_start3A_232 = arith.constant 0 : i32
        %dma_start3A_233 = arith.constant 0 : i32
        %dma_start3A_234 = tpu.memref_slice %arg8[%dma_start3A_223, %dma_start3A_232, %dma_start3A_233] : memref<2x128x128xf32, #tpu.memory_space<vmem>> -> memref<1x128x128xf32, #tpu.memory_space<vmem>>
        %dma_start3A_235 = tpu.memref_squeeze %dma_start3A_234 : memref<1x128x128xf32, #tpu.memory_space<vmem>> -> memref<128x128xf32, #tpu.memory_space<vmem>>
        %dma_start3A_236 = tpu.memref_slice %arg2[%add3A_222, %mul3A_11] : memref<32768x2048xf32, #tpu.memory_space<hbm>> -> memref<128x128xf32, #tpu.memory_space<hbm>>
        tpu.enqueue_dma source(%dma_start3A_236 : memref<128x128xf32, #tpu.memory_space<hbm>>) target(%dma_start3A_235 : memref<128x128xf32, #tpu.memory_space<vmem>>) target_semaphore(%dma_start3A_231 : memref<!tpu.dma_semaphore, #tpu.memory_space<semaphore_mem>>)
      } else {
      }
      %ge3A = arith.constant 2 : i32
      %ge3A_140 = arith.cmpi sge, %add3A_113, %ge3A : i32
      %convert_element_type3A_141 = arith.extui %ge3A_140 : i1 to i32
      %cond3A_142 = arith.constant 0 : i32
      %cond3A_143 = arith.cmpi ne, %convert_element_type3A_141, %cond3A_142 : i32
      scf.if %cond3A_143 {
        %sub3A_216 = arith.constant 2 : i32
        %sub3A_217 = arith.subi %add3A_115, %sub3A_216 : i32
        %mul3A_218 = arith.constant 128 : i32
        %mul3A_219 = arith.muli %sub3A_217, %mul3A_218 : i32
        %add3A_220 = arith.addi %mul3A_34, %mul3A_219 : i32
        %dma_wait3A_221 = arith.constant 0 : i32
        %dma_wait3A_222 = arith.constant 0 : i32
        %dma_wait3A_223 = arith.constant 0 : i32
        %dma_wait3A_224 = arith.constant 0 : i32
        %dma_wait3A_225 = tpu.memref_slice %arg9[%dma_wait3A_221, %dma_wait3A_223, %dma_wait3A_224] : memref<2x128x128xf32, #tpu.memory_space<vmem>> -> memref<1x128x128xf32, #tpu.memory_space<vmem>>
        %dma_wait3A_226 = tpu.memref_squeeze %dma_wait3A_225 : memref<1x128x128xf32, #tpu.memory_space<vmem>> -> memref<128x128xf32, #tpu.memory_space<vmem>>
        %dma_wait3A_227 = tpu.memref_slice %arg5[%add3A_220, %mul3A_11] : memref<32768x2048xf32, #tpu.memory_space<hbm>> -> memref<128x128xf32, #tpu.memory_space<hbm>>
        %dma_wait3A_228 = tpu.memref_slice %arg11[%dma_wait3A_222] : memref<2x!tpu.dma_semaphore, #tpu.memory_space<semaphore_mem>> -> memref<1x!tpu.dma_semaphore, #tpu.memory_space<semaphore_mem>>
        %dma_wait3A_229 = tpu.memref_squeeze %dma_wait3A_228 : memref<1x!tpu.dma_semaphore, #tpu.memory_space<semaphore_mem>> -> memref<!tpu.dma_semaphore, #tpu.memory_space<semaphore_mem>>
        %dma_wait3A_230 = tpu.memref_slice %arg5[%add3A_220, %mul3A_11] : memref<32768x2048xf32, #tpu.memory_space<hbm>> -> memref<128x128xf32, #tpu.memory_space<hbm>>
        %dma_wait3A_231 = arith.constant 0 : i32
        %dma_wait3A_232 = arith.constant 0 : i32
        %dma_wait3A_233 = tpu.memref_slice %arg9[%dma_wait3A_221, %dma_wait3A_231, %dma_wait3A_232] : memref<2x128x128xf32, #tpu.memory_space<vmem>> -> memref<1x128x128xf32, #tpu.memory_space<vmem>>
        %dma_wait3A_234 = tpu.memref_squeeze %dma_wait3A_233 : memref<1x128x128xf32, #tpu.memory_space<vmem>> -> memref<128x128xf32, #tpu.memory_space<vmem>>
        tpu.wait_dma2 semaphore(%dma_wait3A_229 : memref<!tpu.dma_semaphore, #tpu.memory_space<semaphore_mem>>) src(%dma_wait3A_234 : memref<128x128xf32, #tpu.memory_space<vmem>>) dst(%dma_wait3A_230 : memref<128x128xf32, #tpu.memory_space<hbm>>)
      } else {
      }
      %parallel_loop3A = arith.constant 0 : i32
      %parallel_loop3A_144 = arith.constant 128 : i32
      %parallel_loop3A_145 = arith.constant 1 : i32
      scf.for %parallel_loop3A_216 = %parallel_loop3A to %parallel_loop3A_144 step %parallel_loop3A_145  : i32 {
        %parallel_loop3A_217 = arith.constant 0 : i32
        %parallel_loop3A_218 = arith.index_cast %parallel_loop3A_217 : i32 to index
        %parallel_loop3A_219 = arith.index_cast %parallel_loop3A_216 : i32 to index
        %parallel_loop3A_220 = arith.constant 0 : index
        %parallel_loop3A_221 = tpu.vector_load %arg8[%parallel_loop3A_218, %parallel_loop3A_219, %parallel_loop3A_220] {strides = array<i32>} : memref<2x128x128xf32, #tpu.memory_space<vmem>>, vector<16xf32>,
        %parallel_loop3A_222 = arith.constant 7.875000e+00 : f32
        %parallel_loop3A_223 = vector.broadcast %parallel_loop3A_222 : f32 to vector<16xf32>
        %parallel_loop3A_224 = arith.mulf %parallel_loop3A_221, %parallel_loop3A_223 : vector<16xf32>
        %parallel_loop3A_225 = arith.constant 9.550000e+01 : f32
        %parallel_loop3A_226 = vector.broadcast %parallel_loop3A_225 : f32 to vector<16xf32>
        %parallel_loop3A_227 = arith.addf %parallel_loop3A_224, %parallel_loop3A_226 : vector<16xf32>
        %parallel_loop3A_228 = arith.fptosi %parallel_loop3A_227 : vector<16xf32> to vector<16xi32>
        %parallel_loop3A_229 = tpu.vector_load_idx %arg6[%parallel_loop3A_228, %add3A_37] : memref<192x128xf32, #tpu.memory_space<vmem>>[vector<16xi32>, vector<16xi32>], vector<16xf32>,
        %parallel_loop3A_230 = tpu.vector_load_idx %arg7[%parallel_loop3A_228, %add3A_37] : memref<192x128xf32, #tpu.memory_space<vmem>>[vector<16xi32>, vector<16xi32>], vector<16xf32>,
        %parallel_loop3A_231 = arith.mulf %parallel_loop3A_227, %parallel_loop3A_230 : vector<16xf32>
        %parallel_loop3A_232 = arith.addf %parallel_loop3A_229, %parallel_loop3A_231 : vector<16xf32>
        %parallel_loop3A_233 = arith.constant 0 : i32
        %parallel_loop3A_234 = arith.index_cast %parallel_loop3A_233 : i32 to index
        %parallel_loop3A_235 = arith.index_cast %parallel_loop3A_216 : i32 to index
        %parallel_loop3A_236 = arith.constant 0 : index
        %parallel_loop3A_237 = tpu.vector_load %arg9[%parallel_loop3A_234, %parallel_loop3A_235, %parallel_loop3A_236] {strides = array<i32>} : memref<2x128x128xf32, #tpu.memory_space<vmem>>, vector<16xf32>,
        tpu.vector_store %arg9[%parallel_loop3A_234, %parallel_loop3A_235, %parallel_loop3A_236], %parallel_loop3A_232 {strides = array<i32>} : memref<2x128x128xf32, #tpu.memory_space<vmem>>, vector<16xf32>,
        %parallel_loop3A_238 = arith.constant 0 : i32
        %parallel_loop3A_239 = arith.index_cast %parallel_loop3A_238 : i32 to index
        %parallel_loop3A_240 = arith.index_cast %parallel_loop3A_216 : i32 to index
        %parallel_loop3A_241 = arith.constant 16 : index
        %parallel_loop3A_242 = tpu.vector_load %arg8[%parallel_loop3A_239, %parallel_loop3A_240, %parallel_loop3A_241] {strides = array<i32>} : memref<2x128x128xf32, #tpu.memory_space<vmem>>, vector<16xf32>,
        %parallel_loop3A_243 = arith.constant 7.875000e+00 : f32
        %parallel_loop3A_244 = vector.broadcast %parallel_loop3A_243 : f32 to vector<16xf32>
        %parallel_loop3A_245 = arith.mulf %parallel_loop3A_242, %parallel_loop3A_244 : vector<16xf32>
        %parallel_loop3A_246 = arith.constant 9.550000e+01 : f32
        %parallel_loop3A_247 = vector.broadcast %parallel_loop3A_246 : f32 to vector<16xf32>
        %parallel_loop3A_248 = arith.addf %parallel_loop3A_245, %parallel_loop3A_247 : vector<16xf32>
        %parallel_loop3A_249 = arith.fptosi %parallel_loop3A_248 : vector<16xf32> to vector<16xi32>
        %parallel_loop3A_250 = tpu.vector_load_idx %arg6[%parallel_loop3A_249, %add3A_40] : memref<192x128xf32, #tpu.memory_space<vmem>>[vector<16xi32>, vector<16xi32>], vector<16xf32>,
        %parallel_loop3A_251 = tpu.vector_load_idx %arg7[%parallel_loop3A_249, %add3A_40] : memref<192x128xf32, #tpu.memory_space<vmem>>[vector<16xi32>, vector<16xi32>], vector<16xf32>,
        %parallel_loop3A_252 = arith.mulf %parallel_loop3A_248, %parallel_loop3A_251 : vector<16xf32>
        %parallel_loop3A_253 = arith.addf %parallel_loop3A_250, %parallel_loop3A_252 : vector<16xf32>
        %parallel_loop3A_254 = arith.constant 0 : i32
        %parallel_loop3A_255 = arith.index_cast %parallel_loop3A_254 : i32 to index
        %parallel_loop3A_256 = arith.index_cast %parallel_loop3A_216 : i32 to index
        %parallel_loop3A_257 = arith.constant 16 : index
        %parallel_loop3A_258 = tpu.vector_load %arg9[%parallel_loop3A_255, %parallel_loop3A_256, %parallel_loop3A_257] {strides = array<i32>} : memref<2x128x128xf32, #tpu.memory_space<vmem>>, vector<16xf32>,
        tpu.vector_store %arg9[%parallel_loop3A_255, %parallel_loop3A_256, %parallel_loop3A_257], %parallel_loop3A_253 {strides = array<i32>} : memref<2x128x128xf32, #tpu.memory_space<vmem>>, vector<16xf32>,
        %parallel_loop3A_259 = arith.constant 0 : i32
        %parallel_loop3A_260 = arith.index_cast %parallel_loop3A_259 : i32 to index
        %parallel_loop3A_261 = arith.index_cast %parallel_loop3A_216 : i32 to index
        %parallel_loop3A_262 = arith.constant 32 : index
        %parallel_loop3A_263 = tpu.vector_load %arg8[%parallel_loop3A_260, %parallel_loop3A_261, %parallel_loop3A_262] {strides = array<i32>} : memref<2x128x128xf32, #tpu.memory_space<vmem>>, vector<16xf32>,
        %parallel_loop3A_264 = arith.constant 7.875000e+00 : f32
        %parallel_loop3A_265 = vector.broadcast %parallel_loop3A_264 : f32 to vector<16xf32>
        %parallel_loop3A_266 = arith.mulf %parallel_loop3A_263, %parallel_loop3A_265 : vector<16xf32>
        %parallel_loop3A_267 = arith.constant 9.550000e+01 : f32
        %parallel_loop3A_268 = vector.broadcast %parallel_loop3A_267 : f32 to vector<16xf32>
        %parallel_loop3A_269 = arith.addf %parallel_loop3A_266, %parallel_loop3A_268 : vector<16xf32>
        %parallel_loop3A_270 = arith.fptosi %parallel_loop3A_269 : vector<16xf32> to vector<16xi32>
        %parallel_loop3A_271 = tpu.vector_load_idx %arg6[%parallel_loop3A_270, %add3A_43] : memref<192x128xf32, #tpu.memory_space<vmem>>[vector<16xi32>, vector<16xi32>], vector<16xf32>,
        %parallel_loop3A_272 = tpu.vector_load_idx %arg7[%parallel_loop3A_270, %add3A_43] : memref<192x128xf32, #tpu.memory_space<vmem>>[vector<16xi32>, vector<16xi32>], vector<16xf32>,
        %parallel_loop3A_273 = arith.mulf %parallel_loop3A_269, %parallel_loop3A_272 : vector<16xf32>
        %parallel_loop3A_274 = arith.addf %parallel_loop3A_271, %parallel_loop3A_273 : vector<16xf32>
        %parallel_loop3A_275 = arith.constant 0 : i32
        %parallel_loop3A_276 = arith.index_cast %parallel_loop3A_275 : i32 to index
        %parallel_loop3A_277 = arith.index_cast %parallel_loop3A_216 : i32 to index
        %parallel_loop3A_278 = arith.constant 32 : index
        %parallel_loop3A_279 = tpu.vector_load %arg9[%parallel_loop3A_276, %parallel_loop3A_277, %parallel_loop3A_278] {strides = array<i32>} : memref<2x128x128xf32, #tpu.memory_space<vmem>>, vector<16xf32>,
        tpu.vector_store %arg9[%parallel_loop3A_276, %parallel_loop3A_277, %parallel_loop3A_278], %parallel_loop3A_274 {strides = array<i32>} : memref<2x128x128xf32, #tpu.memory_space<vmem>>, vector<16xf32>,
        %parallel_loop3A_280 = arith.constant 0 : i32
        %parallel_loop3A_281 = arith.index_cast %parallel_loop3A_280 : i32 to index
        %parallel_loop3A_282 = arith.index_cast %parallel_loop3A_216 : i32 to index
        %parallel_loop3A_283 = arith.constant 48 : index
        %parallel_loop3A_284 = tpu.vector_load %arg8[%parallel_loop3A_281, %parallel_loop3A_282, %parallel_loop3A_283] {strides = array<i32>} : memref<2x128x128xf32, #tpu.memory_space<vmem>>, vector<16xf32>,
        %parallel_loop3A_285 = arith.constant 7.875000e+00 : f32
        %parallel_loop3A_286 = vector.broadcast %parallel_loop3A_285 : f32 to vector<16xf32>
        %parallel_loop3A_287 = arith.mulf %parallel_loop3A_284, %parallel_loop3A_286 : vector<16xf32>
        %parallel_loop3A_288 = arith.constant 9.550000e+01 : f32
        %parallel_loop3A_289 = vector.broadcast %parallel_loop3A_288 : f32 to vector<16xf32>
        %parallel_loop3A_290 = arith.addf %parallel_loop3A_287, %parallel_loop3A_289 : vector<16xf32>
        %parallel_loop3A_291 = arith.fptosi %parallel_loop3A_290 : vector<16xf32> to vector<16xi32>
        %parallel_loop3A_292 = tpu.vector_load_idx %arg6[%parallel_loop3A_291, %add3A_46] : memref<192x128xf32, #tpu.memory_space<vmem>>[vector<16xi32>, vector<16xi32>], vector<16xf32>,
        %parallel_loop3A_293 = tpu.vector_load_idx %arg7[%parallel_loop3A_291, %add3A_46] : memref<192x128xf32, #tpu.memory_space<vmem>>[vector<16xi32>, vector<16xi32>], vector<16xf32>,
        %parallel_loop3A_294 = arith.mulf %parallel_loop3A_290, %parallel_loop3A_293 : vector<16xf32>
        %parallel_loop3A_295 = arith.addf %parallel_loop3A_292, %parallel_loop3A_294 : vector<16xf32>
        %parallel_loop3A_296 = arith.constant 0 : i32
        %parallel_loop3A_297 = arith.index_cast %parallel_loop3A_296 : i32 to index
        %parallel_loop3A_298 = arith.index_cast %parallel_loop3A_216 : i32 to index
        %parallel_loop3A_299 = arith.constant 48 : index
        %parallel_loop3A_300 = tpu.vector_load %arg9[%parallel_loop3A_297, %parallel_loop3A_298, %parallel_loop3A_299] {strides = array<i32>} : memref<2x128x128xf32, #tpu.memory_space<vmem>>, vector<16xf32>,
        tpu.vector_store %arg9[%parallel_loop3A_297, %parallel_loop3A_298, %parallel_loop3A_299], %parallel_loop3A_295 {strides = array<i32>} : memref<2x128x128xf32, #tpu.memory_space<vmem>>, vector<16xf32>,
        %parallel_loop3A_301 = arith.constant 0 : i32
        %parallel_loop3A_302 = arith.index_cast %parallel_loop3A_301 : i32 to index
        %parallel_loop3A_303 = arith.index_cast %parallel_loop3A_216 : i32 to index
        %parallel_loop3A_304 = arith.constant 64 : index
        %parallel_loop3A_305 = tpu.vector_load %arg8[%parallel_loop3A_302, %parallel_loop3A_303, %parallel_loop3A_304] {strides = array<i32>} : memref<2x128x128xf32, #tpu.memory_space<vmem>>, vector<16xf32>,
        %parallel_loop3A_306 = arith.constant 7.875000e+00 : f32
        %parallel_loop3A_307 = vector.broadcast %parallel_loop3A_306 : f32 to vector<16xf32>
        %parallel_loop3A_308 = arith.mulf %parallel_loop3A_305, %parallel_loop3A_307 : vector<16xf32>
        %parallel_loop3A_309 = arith.constant 9.550000e+01 : f32
        %parallel_loop3A_310 = vector.broadcast %parallel_loop3A_309 : f32 to vector<16xf32>
        %parallel_loop3A_311 = arith.addf %parallel_loop3A_308, %parallel_loop3A_310 : vector<16xf32>
        %parallel_loop3A_312 = arith.fptosi %parallel_loop3A_311 : vector<16xf32> to vector<16xi32>
        %parallel_loop3A_313 = tpu.vector_load_idx %arg6[%parallel_loop3A_312, %add3A_49] : memref<192x128xf32, #tpu.memory_space<vmem>>[vector<16xi32>, vector<16xi32>], vector<16xf32>,
        %parallel_loop3A_314 = tpu.vector_load_idx %arg7[%parallel_loop3A_312, %add3A_49] : memref<192x128xf32, #tpu.memory_space<vmem>>[vector<16xi32>, vector<16xi32>], vector<16xf32>,
        %parallel_loop3A_315 = arith.mulf %parallel_loop3A_311, %parallel_loop3A_314 : vector<16xf32>
        %parallel_loop3A_316 = arith.addf %parallel_loop3A_313, %parallel_loop3A_315 : vector<16xf32>
        %parallel_loop3A_317 = arith.constant 0 : i32
        %parallel_loop3A_318 = arith.index_cast %parallel_loop3A_317 : i32 to index
        %parallel_loop3A_319 = arith.index_cast %parallel_loop3A_216 : i32 to index
        %parallel_loop3A_320 = arith.constant 64 : index
        %parallel_loop3A_321 = tpu.vector_load %arg9[%parallel_loop3A_318, %parallel_loop3A_319, %parallel_loop3A_320] {strides = array<i32>} : memref<2x128x128xf32, #tpu.memory_space<vmem>>, vector<16xf32>,
        tpu.vector_store %arg9[%parallel_loop3A_318, %parallel_loop3A_319, %parallel_loop3A_320], %parallel_loop3A_316 {strides = array<i32>} : memref<2x128x128xf32, #tpu.memory_space<vmem>>, vector<16xf32>,
        %parallel_loop3A_322 = arith.constant 0 : i32
        %parallel_loop3A_323 = arith.index_cast %parallel_loop3A_322 : i32 to index
        %parallel_loop3A_324 = arith.index_cast %parallel_loop3A_216 : i32 to index
        %parallel_loop3A_325 = arith.constant 80 : index
        %parallel_loop3A_326 = tpu.vector_load %arg8[%parallel_loop3A_323, %parallel_loop3A_324, %parallel_loop3A_325] {strides = array<i32>} : memref<2x128x128xf32, #tpu.memory_space<vmem>>, vector<16xf32>,
        %parallel_loop3A_327 = arith.constant 7.875000e+00 : f32
        %parallel_loop3A_328 = vector.broadcast %parallel_loop3A_327 : f32 to vector<16xf32>
        %parallel_loop3A_329 = arith.mulf %parallel_loop3A_326, %parallel_loop3A_328 : vector<16xf32>
        %parallel_loop3A_330 = arith.constant 9.550000e+01 : f32
        %parallel_loop3A_331 = vector.broadcast %parallel_loop3A_330 : f32 to vector<16xf32>
        %parallel_loop3A_332 = arith.addf %parallel_loop3A_329, %parallel_loop3A_331 : vector<16xf32>
        %parallel_loop3A_333 = arith.fptosi %parallel_loop3A_332 : vector<16xf32> to vector<16xi32>
        %parallel_loop3A_334 = tpu.vector_load_idx %arg6[%parallel_loop3A_333, %add3A_52] : memref<192x128xf32, #tpu.memory_space<vmem>>[vector<16xi32>, vector<16xi32>], vector<16xf32>,
        %parallel_loop3A_335 = tpu.vector_load_idx %arg7[%parallel_loop3A_333, %add3A_52] : memref<192x128xf32, #tpu.memory_space<vmem>>[vector<16xi32>, vector<16xi32>], vector<16xf32>,
        %parallel_loop3A_336 = arith.mulf %parallel_loop3A_332, %parallel_loop3A_335 : vector<16xf32>
        %parallel_loop3A_337 = arith.addf %parallel_loop3A_334, %parallel_loop3A_336 : vector<16xf32>
        %parallel_loop3A_338 = arith.constant 0 : i32
        %parallel_loop3A_339 = arith.index_cast %parallel_loop3A_338 : i32 to index
        %parallel_loop3A_340 = arith.index_cast %parallel_loop3A_216 : i32 to index
        %parallel_loop3A_341 = arith.constant 80 : index
        %parallel_loop3A_342 = tpu.vector_load %arg9[%parallel_loop3A_339, %parallel_loop3A_340, %parallel_loop3A_341] {strides = array<i32>} : memref<2x128x128xf32, #tpu.memory_space<vmem>>, vector<16xf32>,
        tpu.vector_store %arg9[%parallel_loop3A_339, %parallel_loop3A_340, %parallel_loop3A_341], %parallel_loop3A_337 {strides = array<i32>} : memref<2x128x128xf32, #tpu.memory_space<vmem>>, vector<16xf32>,
        %parallel_loop3A_343 = arith.constant 0 : i32
        %parallel_loop3A_344 = arith.index_cast %parallel_loop3A_343 : i32 to index
        %parallel_loop3A_345 = arith.index_cast %parallel_loop3A_216 : i32 to index
        %parallel_loop3A_346 = arith.constant 96 : index
        %parallel_loop3A_347 = tpu.vector_load %arg8[%parallel_loop3A_344, %parallel_loop3A_345, %parallel_loop3A_346] {strides = array<i32>} : memref<2x128x128xf32, #tpu.memory_space<vmem>>, vector<16xf32>,
        %parallel_loop3A_348 = arith.constant 7.875000e+00 : f32
        %parallel_loop3A_349 = vector.broadcast %parallel_loop3A_348 : f32 to vector<16xf32>
        %parallel_loop3A_350 = arith.mulf %parallel_loop3A_347, %parallel_loop3A_349 : vector<16xf32>
        %parallel_loop3A_351 = arith.constant 9.550000e+01 : f32
        %parallel_loop3A_352 = vector.broadcast %parallel_loop3A_351 : f32 to vector<16xf32>
        %parallel_loop3A_353 = arith.addf %parallel_loop3A_350, %parallel_loop3A_352 : vector<16xf32>
        %parallel_loop3A_354 = arith.fptosi %parallel_loop3A_353 : vector<16xf32> to vector<16xi32>
        %parallel_loop3A_355 = tpu.vector_load_idx %arg6[%parallel_loop3A_354, %add3A_55] : memref<192x128xf32, #tpu.memory_space<vmem>>[vector<16xi32>, vector<16xi32>], vector<16xf32>,
        %parallel_loop3A_356 = tpu.vector_load_idx %arg7[%parallel_loop3A_354, %add3A_55] : memref<192x128xf32, #tpu.memory_space<vmem>>[vector<16xi32>, vector<16xi32>], vector<16xf32>,
        %parallel_loop3A_357 = arith.mulf %parallel_loop3A_353, %parallel_loop3A_356 : vector<16xf32>
        %parallel_loop3A_358 = arith.addf %parallel_loop3A_355, %parallel_loop3A_357 : vector<16xf32>
        %parallel_loop3A_359 = arith.constant 0 : i32
        %parallel_loop3A_360 = arith.index_cast %parallel_loop3A_359 : i32 to index
        %parallel_loop3A_361 = arith.index_cast %parallel_loop3A_216 : i32 to index
        %parallel_loop3A_362 = arith.constant 96 : index
        %parallel_loop3A_363 = tpu.vector_load %arg9[%parallel_loop3A_360, %parallel_loop3A_361, %parallel_loop3A_362] {strides = array<i32>} : memref<2x128x128xf32, #tpu.memory_space<vmem>>, vector<16xf32>,
        tpu.vector_store %arg9[%parallel_loop3A_360, %parallel_loop3A_361, %parallel_loop3A_362], %parallel_loop3A_358 {strides = array<i32>} : memref<2x128x128xf32, #tpu.memory_space<vmem>>, vector<16xf32>,
        %parallel_loop3A_364 = arith.constant 0 : i32
        %parallel_loop3A_365 = arith.index_cast %parallel_loop3A_364 : i32 to index
        %parallel_loop3A_366 = arith.index_cast %parallel_loop3A_216 : i32 to index
        %parallel_loop3A_367 = arith.constant 112 : index
        %parallel_loop3A_368 = tpu.vector_load %arg8[%parallel_loop3A_365, %parallel_loop3A_366, %parallel_loop3A_367] {strides = array<i32>} : memref<2x128x128xf32, #tpu.memory_space<vmem>>, vector<16xf32>,
        %parallel_loop3A_369 = arith.constant 7.875000e+00 : f32
        %parallel_loop3A_370 = vector.broadcast %parallel_loop3A_369 : f32 to vector<16xf32>
        %parallel_loop3A_371 = arith.mulf %parallel_loop3A_368, %parallel_loop3A_370 : vector<16xf32>
        %parallel_loop3A_372 = arith.constant 9.550000e+01 : f32
        %parallel_loop3A_373 = vector.broadcast %parallel_loop3A_372 : f32 to vector<16xf32>
        %parallel_loop3A_374 = arith.addf %parallel_loop3A_371, %parallel_loop3A_373 : vector<16xf32>
        %parallel_loop3A_375 = arith.fptosi %parallel_loop3A_374 : vector<16xf32> to vector<16xi32>
        %parallel_loop3A_376 = tpu.vector_load_idx %arg6[%parallel_loop3A_375, %add3A_58] : memref<192x128xf32, #tpu.memory_space<vmem>>[vector<16xi32>, vector<16xi32>], vector<16xf32>,
        %parallel_loop3A_377 = tpu.vector_load_idx %arg7[%parallel_loop3A_375, %add3A_58] : memref<192x128xf32, #tpu.memory_space<vmem>>[vector<16xi32>, vector<16xi32>], vector<16xf32>,
        %parallel_loop3A_378 = arith.mulf %parallel_loop3A_374, %parallel_loop3A_377 : vector<16xf32>
        %parallel_loop3A_379 = arith.addf %parallel_loop3A_376, %parallel_loop3A_378 : vector<16xf32>
        %parallel_loop3A_380 = arith.constant 0 : i32
        %parallel_loop3A_381 = arith.index_cast %parallel_loop3A_380 : i32 to index
        %parallel_loop3A_382 = arith.index_cast %parallel_loop3A_216 : i32 to index
        %parallel_loop3A_383 = arith.constant 112 : index
        %parallel_loop3A_384 = tpu.vector_load %arg9[%parallel_loop3A_381, %parallel_loop3A_382, %parallel_loop3A_383] {strides = array<i32>} : memref<2x128x128xf32, #tpu.memory_space<vmem>>, vector<16xf32>,
        tpu.vector_store %arg9[%parallel_loop3A_381, %parallel_loop3A_382, %parallel_loop3A_383], %parallel_loop3A_379 {strides = array<i32>} : memref<2x128x128xf32, #tpu.memory_space<vmem>>, vector<16xf32>,
      } {sc.loop_unroll_factor = 4 : i64, sc.parallel_access}
      %mul3A_146 = arith.constant 128 : i32
      %mul3A_147 = arith.muli %add3A_115, %mul3A_146 : i32
      %add3A_148 = arith.addi %mul3A_34, %mul3A_147 : i32
      %dma_start3A_149 = arith.constant 0 : i32
      %dma_start3A_150 = arith.constant 0 : i32
      %dma_start3A_151 = arith.constant 0 : i32
      %dma_start3A_152 = arith.constant 0 : i32
      %dma_start3A_153 = tpu.memref_slice %arg9[%dma_start3A_149, %dma_start3A_151, %dma_start3A_152] : memref<2x128x128xf32, #tpu.memory_space<vmem>> -> memref<1x128x128xf32, #tpu.memory_space<vmem>>
      %dma_start3A_154 = tpu.memref_squeeze %dma_start3A_153 : memref<1x128x128xf32, #tpu.memory_space<vmem>> -> memref<128x128xf32, #tpu.memory_space<vmem>>
      %dma_start3A_155 = tpu.memref_slice %arg5[%add3A_148, %mul3A_11] : memref<32768x2048xf32, #tpu.memory_space<hbm>> -> memref<128x128xf32, #tpu.memory_space<hbm>>
      %dma_start3A_156 = tpu.memref_slice %arg11[%dma_start3A_150] : memref<2x!tpu.dma_semaphore, #tpu.memory_space<semaphore_mem>> -> memref<1x!tpu.dma_semaphore, #tpu.memory_space<semaphore_mem>>
      %dma_start3A_157 = tpu.memref_squeeze %dma_start3A_156 : memref<1x!tpu.dma_semaphore, #tpu.memory_space<semaphore_mem>> -> memref<!tpu.dma_semaphore, #tpu.memory_space<semaphore_mem>>
      %dma_start3A_158 = tpu.memref_slice %arg5[%add3A_148, %mul3A_11] : memref<32768x2048xf32, #tpu.memory_space<hbm>> -> memref<128x128xf32, #tpu.memory_space<hbm>>
      %dma_start3A_159 = arith.constant 0 : i32
      %dma_start3A_160 = arith.constant 0 : i32
      %dma_start3A_161 = tpu.memref_slice %arg9[%dma_start3A_149, %dma_start3A_159, %dma_start3A_160] : memref<2x128x128xf32, #tpu.memory_space<vmem>> -> memref<1x128x128xf32, #tpu.memory_space<vmem>>
      %dma_start3A_162 = tpu.memref_squeeze %dma_start3A_161 : memref<1x128x128xf32, #tpu.memory_space<vmem>> -> memref<128x128xf32, #tpu.memory_space<vmem>>
      tpu.enqueue_dma source(%dma_start3A_162 : memref<128x128xf32, #tpu.memory_space<vmem>>) target(%dma_start3A_158 : memref<128x128xf32, #tpu.memory_space<hbm>>) target_semaphore(%dma_start3A_157 : memref<!tpu.dma_semaphore, #tpu.memory_space<semaphore_mem>>)
      %add3A_163 = arith.constant 1 : i32
      %add3A_164 = arith.addi %add3A_113, %add3A_163 : i32
      %mul3A_165 = arith.constant 128 : i32
      %mul3A_166 = arith.muli %add3A_164, %mul3A_165 : i32
      %add3A_167 = arith.addi %mul3A_34, %mul3A_166 : i32
      %dma_wait3A_168 = arith.constant 1 : i32
      %dma_wait3A_169 = arith.constant 1 : i32
      %dma_wait3A_170 = arith.constant 0 : i32
      %dma_wait3A_171 = arith.constant 0 : i32
      %dma_wait3A_172 = tpu.memref_slice %arg8[%dma_wait3A_168, %dma_wait3A_170, %dma_wait3A_171] : memref<2x128x128xf32, #tpu.memory_space<vmem>> -> memref<1x128x128xf32, #tpu.memory_space<vmem>>
      %dma_wait3A_173 = tpu.memref_squeeze %dma_wait3A_172 : memref<1x128x128xf32, #tpu.memory_space<vmem>> -> memref<128x128xf32, #tpu.memory_space<vmem>>
      %dma_wait3A_174 = tpu.memref_slice %arg2[%add3A_167, %mul3A_11] : memref<32768x2048xf32, #tpu.memory_space<hbm>> -> memref<128x128xf32, #tpu.memory_space<hbm>>
      %dma_wait3A_175 = tpu.memref_slice %arg10[%dma_wait3A_169] : memref<2x!tpu.dma_semaphore, #tpu.memory_space<semaphore_mem>> -> memref<1x!tpu.dma_semaphore, #tpu.memory_space<semaphore_mem>>
      %dma_wait3A_176 = tpu.memref_squeeze %dma_wait3A_175 : memref<1x!tpu.dma_semaphore, #tpu.memory_space<semaphore_mem>> -> memref<!tpu.dma_semaphore, #tpu.memory_space<semaphore_mem>>
      %dma_wait3A_177 = arith.constant 0 : i32
      %dma_wait3A_178 = arith.constant 0 : i32
      %dma_wait3A_179 = tpu.memref_slice %arg8[%dma_wait3A_168, %dma_wait3A_177, %dma_wait3A_178] : memref<2x128x128xf32, #tpu.memory_space<vmem>> -> memref<1x128x128xf32, #tpu.memory_space<vmem>>
      %dma_wait3A_180 = tpu.memref_squeeze %dma_wait3A_179 : memref<1x128x128xf32, #tpu.memory_space<vmem>> -> memref<128x128xf32, #tpu.memory_space<vmem>>
      %dma_wait3A_181 = tpu.memref_slice %arg2[%add3A_167, %mul3A_11] : memref<32768x2048xf32, #tpu.memory_space<hbm>> -> memref<128x128xf32, #tpu.memory_space<hbm>>
      tpu.wait_dma2 semaphore(%dma_wait3A_176 : memref<!tpu.dma_semaphore, #tpu.memory_space<semaphore_mem>>) src(%dma_wait3A_181 : memref<128x128xf32, #tpu.memory_space<hbm>>) dst(%dma_wait3A_180 : memref<128x128xf32, #tpu.memory_space<vmem>>)
      %add3A_182 = arith.constant 2 : i32
      %add3A_183 = arith.addi %add3A_164, %add3A_182 : i32
      %sub3A_184 = arith.constant 1 : i32
      %sub3A_185 = arith.subi %add3A_183, %sub3A_184 : i32
      %lt3A_186 = arith.constant 128 : i32
      %lt3A_187 = arith.cmpi slt, %sub3A_185, %lt3A_186 : i32
      %convert_element_type3A_188 = arith.extui %lt3A_187 : i1 to i32
      %cond3A_189 = arith.constant 0 : i32
      %cond3A_190 = arith.cmpi ne, %convert_element_type3A_188, %cond3A_189 : i32
      scf.if %cond3A_190 {
        %add3A_216 = arith.constant 2 : i32
        %add3A_217 = arith.addi %add3A_164, %add3A_216 : i32
        %sub3A_218 = arith.constant 1 : i32
        %sub3A_219 = arith.subi %add3A_217, %sub3A_218 : i32
        %mul3A_220 = arith.constant 128 : i32
        %mul3A_221 = arith.muli %sub3A_219, %mul3A_220 : i32
        %add3A_222 = arith.addi %mul3A_34, %mul3A_221 : i32
        %dma_start3A_223 = arith.constant 0 : i32
        %dma_start3A_224 = arith.constant 0 : i32
        %dma_start3A_225 = arith.constant 0 : i32
        %dma_start3A_226 = arith.constant 0 : i32
        %dma_start3A_227 = tpu.memref_slice %arg8[%dma_start3A_223, %dma_start3A_225, %dma_start3A_226] : memref<2x128x128xf32, #tpu.memory_space<vmem>> -> memref<1x128x128xf32, #tpu.memory_space<vmem>>
        %dma_start3A_228 = tpu.memref_squeeze %dma_start3A_227 : memref<1x128x128xf32, #tpu.memory_space<vmem>> -> memref<128x128xf32, #tpu.memory_space<vmem>>
        %dma_start3A_229 = tpu.memref_slice %arg2[%add3A_222, %mul3A_11] : memref<32768x2048xf32, #tpu.memory_space<hbm>> -> memref<128x128xf32, #tpu.memory_space<hbm>>
        %dma_start3A_230 = tpu.memref_slice %arg10[%dma_start3A_224] : memref<2x!tpu.dma_semaphore, #tpu.memory_space<semaphore_mem>> -> memref<1x!tpu.dma_semaphore, #tpu.memory_space<semaphore_mem>>
        %dma_start3A_231 = tpu.memref_squeeze %dma_start3A_230 : memref<1x!tpu.dma_semaphore, #tpu.memory_space<semaphore_mem>> -> memref<!tpu.dma_semaphore, #tpu.memory_space<semaphore_mem>>
        %dma_start3A_232 = arith.constant 0 : i32
        %dma_start3A_233 = arith.constant 0 : i32
        %dma_start3A_234 = tpu.memref_slice %arg8[%dma_start3A_223, %dma_start3A_232, %dma_start3A_233] : memref<2x128x128xf32, #tpu.memory_space<vmem>> -> memref<1x128x128xf32, #tpu.memory_space<vmem>>
        %dma_start3A_235 = tpu.memref_squeeze %dma_start3A_234 : memref<1x128x128xf32, #tpu.memory_space<vmem>> -> memref<128x128xf32, #tpu.memory_space<vmem>>
        %dma_start3A_236 = tpu.memref_slice %arg2[%add3A_222, %mul3A_11] : memref<32768x2048xf32, #tpu.memory_space<hbm>> -> memref<128x128xf32, #tpu.memory_space<hbm>>
        tpu.enqueue_dma source(%dma_start3A_236 : memref<128x128xf32, #tpu.memory_space<hbm>>) target(%dma_start3A_235 : memref<128x128xf32, #tpu.memory_space<vmem>>) target_semaphore(%dma_start3A_231 : memref<!tpu.dma_semaphore, #tpu.memory_space<semaphore_mem>>)
      } else {
      }
      %ge3A_191 = arith.constant 2 : i32
      %ge3A_192 = arith.cmpi sge, %add3A_113, %ge3A_191 : i32
      %convert_element_type3A_193 = arith.extui %ge3A_192 : i1 to i32
      %cond3A_194 = arith.constant 0 : i32
      %cond3A_195 = arith.cmpi ne, %convert_element_type3A_193, %cond3A_194 : i32
      scf.if %cond3A_195 {
        %sub3A_216 = arith.constant 2 : i32
        %sub3A_217 = arith.subi %add3A_164, %sub3A_216 : i32
        %mul3A_218 = arith.constant 128 : i32
        %mul3A_219 = arith.muli %sub3A_217, %mul3A_218 : i32
        %add3A_220 = arith.addi %mul3A_34, %mul3A_219 : i32
        %dma_wait3A_221 = arith.constant 1 : i32
        %dma_wait3A_222 = arith.constant 1 : i32
        %dma_wait3A_223 = arith.constant 0 : i32
        %dma_wait3A_224 = arith.constant 0 : i32
        %dma_wait3A_225 = tpu.memref_slice %arg9[%dma_wait3A_221, %dma_wait3A_223, %dma_wait3A_224] : memref<2x128x128xf32, #tpu.memory_space<vmem>> -> memref<1x128x128xf32, #tpu.memory_space<vmem>>
        %dma_wait3A_226 = tpu.memref_squeeze %dma_wait3A_225 : memref<1x128x128xf32, #tpu.memory_space<vmem>> -> memref<128x128xf32, #tpu.memory_space<vmem>>
        %dma_wait3A_227 = tpu.memref_slice %arg5[%add3A_220, %mul3A_11] : memref<32768x2048xf32, #tpu.memory_space<hbm>> -> memref<128x128xf32, #tpu.memory_space<hbm>>
        %dma_wait3A_228 = tpu.memref_slice %arg11[%dma_wait3A_222] : memref<2x!tpu.dma_semaphore, #tpu.memory_space<semaphore_mem>> -> memref<1x!tpu.dma_semaphore, #tpu.memory_space<semaphore_mem>>
        %dma_wait3A_229 = tpu.memref_squeeze %dma_wait3A_228 : memref<1x!tpu.dma_semaphore, #tpu.memory_space<semaphore_mem>> -> memref<!tpu.dma_semaphore, #tpu.memory_space<semaphore_mem>>
        %dma_wait3A_230 = tpu.memref_slice %arg5[%add3A_220, %mul3A_11] : memref<32768x2048xf32, #tpu.memory_space<hbm>> -> memref<128x128xf32, #tpu.memory_space<hbm>>
        %dma_wait3A_231 = arith.constant 0 : i32
        %dma_wait3A_232 = arith.constant 0 : i32
        %dma_wait3A_233 = tpu.memref_slice %arg9[%dma_wait3A_221, %dma_wait3A_231, %dma_wait3A_232] : memref<2x128x128xf32, #tpu.memory_space<vmem>> -> memref<1x128x128xf32, #tpu.memory_space<vmem>>
        %dma_wait3A_234 = tpu.memref_squeeze %dma_wait3A_233 : memref<1x128x128xf32, #tpu.memory_space<vmem>> -> memref<128x128xf32, #tpu.memory_space<vmem>>
        tpu.wait_dma2 semaphore(%dma_wait3A_229 : memref<!tpu.dma_semaphore, #tpu.memory_space<semaphore_mem>>) src(%dma_wait3A_234 : memref<128x128xf32, #tpu.memory_space<vmem>>) dst(%dma_wait3A_230 : memref<128x128xf32, #tpu.memory_space<hbm>>)
      } else {
      }
      %parallel_loop3A_196 = arith.constant 0 : i32
      %parallel_loop3A_197 = arith.constant 128 : i32
      %parallel_loop3A_198 = arith.constant 1 : i32
      scf.for %parallel_loop3A_216 = %parallel_loop3A_196 to %parallel_loop3A_197 step %parallel_loop3A_198  : i32 {
        %parallel_loop3A_217 = arith.constant 1 : i32
        %parallel_loop3A_218 = arith.index_cast %parallel_loop3A_217 : i32 to index
        %parallel_loop3A_219 = arith.index_cast %parallel_loop3A_216 : i32 to index
        %parallel_loop3A_220 = arith.constant 0 : index
        %parallel_loop3A_221 = tpu.vector_load %arg8[%parallel_loop3A_218, %parallel_loop3A_219, %parallel_loop3A_220] {strides = array<i32>} : memref<2x128x128xf32, #tpu.memory_space<vmem>>, vector<16xf32>,
        %parallel_loop3A_222 = arith.constant 7.875000e+00 : f32
        %parallel_loop3A_223 = vector.broadcast %parallel_loop3A_222 : f32 to vector<16xf32>
        %parallel_loop3A_224 = arith.mulf %parallel_loop3A_221, %parallel_loop3A_223 : vector<16xf32>
        %parallel_loop3A_225 = arith.constant 9.550000e+01 : f32
        %parallel_loop3A_226 = vector.broadcast %parallel_loop3A_225 : f32 to vector<16xf32>
        %parallel_loop3A_227 = arith.addf %parallel_loop3A_224, %parallel_loop3A_226 : vector<16xf32>
        %parallel_loop3A_228 = arith.fptosi %parallel_loop3A_227 : vector<16xf32> to vector<16xi32>
        %parallel_loop3A_229 = tpu.vector_load_idx %arg6[%parallel_loop3A_228, %add3A_37] : memref<192x128xf32, #tpu.memory_space<vmem>>[vector<16xi32>, vector<16xi32>], vector<16xf32>,
        %parallel_loop3A_230 = tpu.vector_load_idx %arg7[%parallel_loop3A_228, %add3A_37] : memref<192x128xf32, #tpu.memory_space<vmem>>[vector<16xi32>, vector<16xi32>], vector<16xf32>,
        %parallel_loop3A_231 = arith.mulf %parallel_loop3A_227, %parallel_loop3A_230 : vector<16xf32>
        %parallel_loop3A_232 = arith.addf %parallel_loop3A_229, %parallel_loop3A_231 : vector<16xf32>
        %parallel_loop3A_233 = arith.constant 1 : i32
        %parallel_loop3A_234 = arith.index_cast %parallel_loop3A_233 : i32 to index
        %parallel_loop3A_235 = arith.index_cast %parallel_loop3A_216 : i32 to index
        %parallel_loop3A_236 = arith.constant 0 : index
        %parallel_loop3A_237 = tpu.vector_load %arg9[%parallel_loop3A_234, %parallel_loop3A_235, %parallel_loop3A_236] {strides = array<i32>} : memref<2x128x128xf32, #tpu.memory_space<vmem>>, vector<16xf32>,
        tpu.vector_store %arg9[%parallel_loop3A_234, %parallel_loop3A_235, %parallel_loop3A_236], %parallel_loop3A_232 {strides = array<i32>} : memref<2x128x128xf32, #tpu.memory_space<vmem>>, vector<16xf32>,
        %parallel_loop3A_238 = arith.constant 1 : i32
        %parallel_loop3A_239 = arith.index_cast %parallel_loop3A_238 : i32 to index
        %parallel_loop3A_240 = arith.index_cast %parallel_loop3A_216 : i32 to index
        %parallel_loop3A_241 = arith.constant 16 : index
        %parallel_loop3A_242 = tpu.vector_load %arg8[%parallel_loop3A_239, %parallel_loop3A_240, %parallel_loop3A_241] {strides = array<i32>} : memref<2x128x128xf32, #tpu.memory_space<vmem>>, vector<16xf32>,
        %parallel_loop3A_243 = arith.constant 7.875000e+00 : f32
        %parallel_loop3A_244 = vector.broadcast %parallel_loop3A_243 : f32 to vector<16xf32>
        %parallel_loop3A_245 = arith.mulf %parallel_loop3A_242, %parallel_loop3A_244 : vector<16xf32>
        %parallel_loop3A_246 = arith.constant 9.550000e+01 : f32
        %parallel_loop3A_247 = vector.broadcast %parallel_loop3A_246 : f32 to vector<16xf32>
        %parallel_loop3A_248 = arith.addf %parallel_loop3A_245, %parallel_loop3A_247 : vector<16xf32>
        %parallel_loop3A_249 = arith.fptosi %parallel_loop3A_248 : vector<16xf32> to vector<16xi32>
        %parallel_loop3A_250 = tpu.vector_load_idx %arg6[%parallel_loop3A_249, %add3A_40] : memref<192x128xf32, #tpu.memory_space<vmem>>[vector<16xi32>, vector<16xi32>], vector<16xf32>,
        %parallel_loop3A_251 = tpu.vector_load_idx %arg7[%parallel_loop3A_249, %add3A_40] : memref<192x128xf32, #tpu.memory_space<vmem>>[vector<16xi32>, vector<16xi32>], vector<16xf32>,
        %parallel_loop3A_252 = arith.mulf %parallel_loop3A_248, %parallel_loop3A_251 : vector<16xf32>
        %parallel_loop3A_253 = arith.addf %parallel_loop3A_250, %parallel_loop3A_252 : vector<16xf32>
        %parallel_loop3A_254 = arith.constant 1 : i32
        %parallel_loop3A_255 = arith.index_cast %parallel_loop3A_254 : i32 to index
        %parallel_loop3A_256 = arith.index_cast %parallel_loop3A_216 : i32 to index
        %parallel_loop3A_257 = arith.constant 16 : index
        %parallel_loop3A_258 = tpu.vector_load %arg9[%parallel_loop3A_255, %parallel_loop3A_256, %parallel_loop3A_257] {strides = array<i32>} : memref<2x128x128xf32, #tpu.memory_space<vmem>>, vector<16xf32>,
        tpu.vector_store %arg9[%parallel_loop3A_255, %parallel_loop3A_256, %parallel_loop3A_257], %parallel_loop3A_253 {strides = array<i32>} : memref<2x128x128xf32, #tpu.memory_space<vmem>>, vector<16xf32>,
        %parallel_loop3A_259 = arith.constant 1 : i32
        %parallel_loop3A_260 = arith.index_cast %parallel_loop3A_259 : i32 to index
        %parallel_loop3A_261 = arith.index_cast %parallel_loop3A_216 : i32 to index
        %parallel_loop3A_262 = arith.constant 32 : index
        %parallel_loop3A_263 = tpu.vector_load %arg8[%parallel_loop3A_260, %parallel_loop3A_261, %parallel_loop3A_262] {strides = array<i32>} : memref<2x128x128xf32, #tpu.memory_space<vmem>>, vector<16xf32>,
        %parallel_loop3A_264 = arith.constant 7.875000e+00 : f32
        %parallel_loop3A_265 = vector.broadcast %parallel_loop3A_264 : f32 to vector<16xf32>
        %parallel_loop3A_266 = arith.mulf %parallel_loop3A_263, %parallel_loop3A_265 : vector<16xf32>
        %parallel_loop3A_267 = arith.constant 9.550000e+01 : f32
        %parallel_loop3A_268 = vector.broadcast %parallel_loop3A_267 : f32 to vector<16xf32>
        %parallel_loop3A_269 = arith.addf %parallel_loop3A_266, %parallel_loop3A_268 : vector<16xf32>
        %parallel_loop3A_270 = arith.fptosi %parallel_loop3A_269 : vector<16xf32> to vector<16xi32>
        %parallel_loop3A_271 = tpu.vector_load_idx %arg6[%parallel_loop3A_270, %add3A_43] : memref<192x128xf32, #tpu.memory_space<vmem>>[vector<16xi32>, vector<16xi32>], vector<16xf32>,
        %parallel_loop3A_272 = tpu.vector_load_idx %arg7[%parallel_loop3A_270, %add3A_43] : memref<192x128xf32, #tpu.memory_space<vmem>>[vector<16xi32>, vector<16xi32>], vector<16xf32>,
        %parallel_loop3A_273 = arith.mulf %parallel_loop3A_269, %parallel_loop3A_272 : vector<16xf32>
        %parallel_loop3A_274 = arith.addf %parallel_loop3A_271, %parallel_loop3A_273 : vector<16xf32>
        %parallel_loop3A_275 = arith.constant 1 : i32
        %parallel_loop3A_276 = arith.index_cast %parallel_loop3A_275 : i32 to index
        %parallel_loop3A_277 = arith.index_cast %parallel_loop3A_216 : i32 to index
        %parallel_loop3A_278 = arith.constant 32 : index
        %parallel_loop3A_279 = tpu.vector_load %arg9[%parallel_loop3A_276, %parallel_loop3A_277, %parallel_loop3A_278] {strides = array<i32>} : memref<2x128x128xf32, #tpu.memory_space<vmem>>, vector<16xf32>,
        tpu.vector_store %arg9[%parallel_loop3A_276, %parallel_loop3A_277, %parallel_loop3A_278], %parallel_loop3A_274 {strides = array<i32>} : memref<2x128x128xf32, #tpu.memory_space<vmem>>, vector<16xf32>,
        %parallel_loop3A_280 = arith.constant 1 : i32
        %parallel_loop3A_281 = arith.index_cast %parallel_loop3A_280 : i32 to index
        %parallel_loop3A_282 = arith.index_cast %parallel_loop3A_216 : i32 to index
        %parallel_loop3A_283 = arith.constant 48 : index
        %parallel_loop3A_284 = tpu.vector_load %arg8[%parallel_loop3A_281, %parallel_loop3A_282, %parallel_loop3A_283] {strides = array<i32>} : memref<2x128x128xf32, #tpu.memory_space<vmem>>, vector<16xf32>,
        %parallel_loop3A_285 = arith.constant 7.875000e+00 : f32
        %parallel_loop3A_286 = vector.broadcast %parallel_loop3A_285 : f32 to vector<16xf32>
        %parallel_loop3A_287 = arith.mulf %parallel_loop3A_284, %parallel_loop3A_286 : vector<16xf32>
        %parallel_loop3A_288 = arith.constant 9.550000e+01 : f32
        %parallel_loop3A_289 = vector.broadcast %parallel_loop3A_288 : f32 to vector<16xf32>
        %parallel_loop3A_290 = arith.addf %parallel_loop3A_287, %parallel_loop3A_289 : vector<16xf32>
        %parallel_loop3A_291 = arith.fptosi %parallel_loop3A_290 : vector<16xf32> to vector<16xi32>
        %parallel_loop3A_292 = tpu.vector_load_idx %arg6[%parallel_loop3A_291, %add3A_46] : memref<192x128xf32, #tpu.memory_space<vmem>>[vector<16xi32>, vector<16xi32>], vector<16xf32>,
        %parallel_loop3A_293 = tpu.vector_load_idx %arg7[%parallel_loop3A_291, %add3A_46] : memref<192x128xf32, #tpu.memory_space<vmem>>[vector<16xi32>, vector<16xi32>], vector<16xf32>,
        %parallel_loop3A_294 = arith.mulf %parallel_loop3A_290, %parallel_loop3A_293 : vector<16xf32>
        %parallel_loop3A_295 = arith.addf %parallel_loop3A_292, %parallel_loop3A_294 : vector<16xf32>
        %parallel_loop3A_296 = arith.constant 1 : i32
        %parallel_loop3A_297 = arith.index_cast %parallel_loop3A_296 : i32 to index
        %parallel_loop3A_298 = arith.index_cast %parallel_loop3A_216 : i32 to index
        %parallel_loop3A_299 = arith.constant 48 : index
        %parallel_loop3A_300 = tpu.vector_load %arg9[%parallel_loop3A_297, %parallel_loop3A_298, %parallel_loop3A_299] {strides = array<i32>} : memref<2x128x128xf32, #tpu.memory_space<vmem>>, vector<16xf32>,
        tpu.vector_store %arg9[%parallel_loop3A_297, %parallel_loop3A_298, %parallel_loop3A_299], %parallel_loop3A_295 {strides = array<i32>} : memref<2x128x128xf32, #tpu.memory_space<vmem>>, vector<16xf32>,
        %parallel_loop3A_301 = arith.constant 1 : i32
        %parallel_loop3A_302 = arith.index_cast %parallel_loop3A_301 : i32 to index
        %parallel_loop3A_303 = arith.index_cast %parallel_loop3A_216 : i32 to index
        %parallel_loop3A_304 = arith.constant 64 : index
        %parallel_loop3A_305 = tpu.vector_load %arg8[%parallel_loop3A_302, %parallel_loop3A_303, %parallel_loop3A_304] {strides = array<i32>} : memref<2x128x128xf32, #tpu.memory_space<vmem>>, vector<16xf32>,
        %parallel_loop3A_306 = arith.constant 7.875000e+00 : f32
        %parallel_loop3A_307 = vector.broadcast %parallel_loop3A_306 : f32 to vector<16xf32>
        %parallel_loop3A_308 = arith.mulf %parallel_loop3A_305, %parallel_loop3A_307 : vector<16xf32>
        %parallel_loop3A_309 = arith.constant 9.550000e+01 : f32
        %parallel_loop3A_310 = vector.broadcast %parallel_loop3A_309 : f32 to vector<16xf32>
        %parallel_loop3A_311 = arith.addf %parallel_loop3A_308, %parallel_loop3A_310 : vector<16xf32>
        %parallel_loop3A_312 = arith.fptosi %parallel_loop3A_311 : vector<16xf32> to vector<16xi32>
        %parallel_loop3A_313 = tpu.vector_load_idx %arg6[%parallel_loop3A_312, %add3A_49] : memref<192x128xf32, #tpu.memory_space<vmem>>[vector<16xi32>, vector<16xi32>], vector<16xf32>,
        %parallel_loop3A_314 = tpu.vector_load_idx %arg7[%parallel_loop3A_312, %add3A_49] : memref<192x128xf32, #tpu.memory_space<vmem>>[vector<16xi32>, vector<16xi32>], vector<16xf32>,
        %parallel_loop3A_315 = arith.mulf %parallel_loop3A_311, %parallel_loop3A_314 : vector<16xf32>
        %parallel_loop3A_316 = arith.addf %parallel_loop3A_313, %parallel_loop3A_315 : vector<16xf32>
        %parallel_loop3A_317 = arith.constant 1 : i32
        %parallel_loop3A_318 = arith.index_cast %parallel_loop3A_317 : i32 to index
        %parallel_loop3A_319 = arith.index_cast %parallel_loop3A_216 : i32 to index
        %parallel_loop3A_320 = arith.constant 64 : index
        %parallel_loop3A_321 = tpu.vector_load %arg9[%parallel_loop3A_318, %parallel_loop3A_319, %parallel_loop3A_320] {strides = array<i32>} : memref<2x128x128xf32, #tpu.memory_space<vmem>>, vector<16xf32>,
        tpu.vector_store %arg9[%parallel_loop3A_318, %parallel_loop3A_319, %parallel_loop3A_320], %parallel_loop3A_316 {strides = array<i32>} : memref<2x128x128xf32, #tpu.memory_space<vmem>>, vector<16xf32>,
        %parallel_loop3A_322 = arith.constant 1 : i32
        %parallel_loop3A_323 = arith.index_cast %parallel_loop3A_322 : i32 to index
        %parallel_loop3A_324 = arith.index_cast %parallel_loop3A_216 : i32 to index
        %parallel_loop3A_325 = arith.constant 80 : index
        %parallel_loop3A_326 = tpu.vector_load %arg8[%parallel_loop3A_323, %parallel_loop3A_324, %parallel_loop3A_325] {strides = array<i32>} : memref<2x128x128xf32, #tpu.memory_space<vmem>>, vector<16xf32>,
        %parallel_loop3A_327 = arith.constant 7.875000e+00 : f32
        %parallel_loop3A_328 = vector.broadcast %parallel_loop3A_327 : f32 to vector<16xf32>
        %parallel_loop3A_329 = arith.mulf %parallel_loop3A_326, %parallel_loop3A_328 : vector<16xf32>
        %parallel_loop3A_330 = arith.constant 9.550000e+01 : f32
        %parallel_loop3A_331 = vector.broadcast %parallel_loop3A_330 : f32 to vector<16xf32>
        %parallel_loop3A_332 = arith.addf %parallel_loop3A_329, %parallel_loop3A_331 : vector<16xf32>
        %parallel_loop3A_333 = arith.fptosi %parallel_loop3A_332 : vector<16xf32> to vector<16xi32>
        %parallel_loop3A_334 = tpu.vector_load_idx %arg6[%parallel_loop3A_333, %add3A_52] : memref<192x128xf32, #tpu.memory_space<vmem>>[vector<16xi32>, vector<16xi32>], vector<16xf32>,
        %parallel_loop3A_335 = tpu.vector_load_idx %arg7[%parallel_loop3A_333, %add3A_52] : memref<192x128xf32, #tpu.memory_space<vmem>>[vector<16xi32>, vector<16xi32>], vector<16xf32>,
        %parallel_loop3A_336 = arith.mulf %parallel_loop3A_332, %parallel_loop3A_335 : vector<16xf32>
        %parallel_loop3A_337 = arith.addf %parallel_loop3A_334, %parallel_loop3A_336 : vector<16xf32>
        %parallel_loop3A_338 = arith.constant 1 : i32
        %parallel_loop3A_339 = arith.index_cast %parallel_loop3A_338 : i32 to index
        %parallel_loop3A_340 = arith.index_cast %parallel_loop3A_216 : i32 to index
        %parallel_loop3A_341 = arith.constant 80 : index
        %parallel_loop3A_342 = tpu.vector_load %arg9[%parallel_loop3A_339, %parallel_loop3A_340, %parallel_loop3A_341] {strides = array<i32>} : memref<2x128x128xf32, #tpu.memory_space<vmem>>, vector<16xf32>,
        tpu.vector_store %arg9[%parallel_loop3A_339, %parallel_loop3A_340, %parallel_loop3A_341], %parallel_loop3A_337 {strides = array<i32>} : memref<2x128x128xf32, #tpu.memory_space<vmem>>, vector<16xf32>,
        %parallel_loop3A_343 = arith.constant 1 : i32
        %parallel_loop3A_344 = arith.index_cast %parallel_loop3A_343 : i32 to index
        %parallel_loop3A_345 = arith.index_cast %parallel_loop3A_216 : i32 to index
        %parallel_loop3A_346 = arith.constant 96 : index
        %parallel_loop3A_347 = tpu.vector_load %arg8[%parallel_loop3A_344, %parallel_loop3A_345, %parallel_loop3A_346] {strides = array<i32>} : memref<2x128x128xf32, #tpu.memory_space<vmem>>, vector<16xf32>,
        %parallel_loop3A_348 = arith.constant 7.875000e+00 : f32
        %parallel_loop3A_349 = vector.broadcast %parallel_loop3A_348 : f32 to vector<16xf32>
        %parallel_loop3A_350 = arith.mulf %parallel_loop3A_347, %parallel_loop3A_349 : vector<16xf32>
        %parallel_loop3A_351 = arith.constant 9.550000e+01 : f32
        %parallel_loop3A_352 = vector.broadcast %parallel_loop3A_351 : f32 to vector<16xf32>
        %parallel_loop3A_353 = arith.addf %parallel_loop3A_350, %parallel_loop3A_352 : vector<16xf32>
        %parallel_loop3A_354 = arith.fptosi %parallel_loop3A_353 : vector<16xf32> to vector<16xi32>
        %parallel_loop3A_355 = tpu.vector_load_idx %arg6[%parallel_loop3A_354, %add3A_55] : memref<192x128xf32, #tpu.memory_space<vmem>>[vector<16xi32>, vector<16xi32>], vector<16xf32>,
        %parallel_loop3A_356 = tpu.vector_load_idx %arg7[%parallel_loop3A_354, %add3A_55] : memref<192x128xf32, #tpu.memory_space<vmem>>[vector<16xi32>, vector<16xi32>], vector<16xf32>,
        %parallel_loop3A_357 = arith.mulf %parallel_loop3A_353, %parallel_loop3A_356 : vector<16xf32>
        %parallel_loop3A_358 = arith.addf %parallel_loop3A_355, %parallel_loop3A_357 : vector<16xf32>
        %parallel_loop3A_359 = arith.constant 1 : i32
        %parallel_loop3A_360 = arith.index_cast %parallel_loop3A_359 : i32 to index
        %parallel_loop3A_361 = arith.index_cast %parallel_loop3A_216 : i32 to index
        %parallel_loop3A_362 = arith.constant 96 : index
        %parallel_loop3A_363 = tpu.vector_load %arg9[%parallel_loop3A_360, %parallel_loop3A_361, %parallel_loop3A_362] {strides = array<i32>} : memref<2x128x128xf32, #tpu.memory_space<vmem>>, vector<16xf32>,
        tpu.vector_store %arg9[%parallel_loop3A_360, %parallel_loop3A_361, %parallel_loop3A_362], %parallel_loop3A_358 {strides = array<i32>} : memref<2x128x128xf32, #tpu.memory_space<vmem>>, vector<16xf32>,
        %parallel_loop3A_364 = arith.constant 1 : i32
        %parallel_loop3A_365 = arith.index_cast %parallel_loop3A_364 : i32 to index
        %parallel_loop3A_366 = arith.index_cast %parallel_loop3A_216 : i32 to index
        %parallel_loop3A_367 = arith.constant 112 : index
        %parallel_loop3A_368 = tpu.vector_load %arg8[%parallel_loop3A_365, %parallel_loop3A_366, %parallel_loop3A_367] {strides = array<i32>} : memref<2x128x128xf32, #tpu.memory_space<vmem>>, vector<16xf32>,
        %parallel_loop3A_369 = arith.constant 7.875000e+00 : f32
        %parallel_loop3A_370 = vector.broadcast %parallel_loop3A_369 : f32 to vector<16xf32>
        %parallel_loop3A_371 = arith.mulf %parallel_loop3A_368, %parallel_loop3A_370 : vector<16xf32>
        %parallel_loop3A_372 = arith.constant 9.550000e+01 : f32
        %parallel_loop3A_373 = vector.broadcast %parallel_loop3A_372 : f32 to vector<16xf32>
        %parallel_loop3A_374 = arith.addf %parallel_loop3A_371, %parallel_loop3A_373 : vector<16xf32>
        %parallel_loop3A_375 = arith.fptosi %parallel_loop3A_374 : vector<16xf32> to vector<16xi32>
        %parallel_loop3A_376 = tpu.vector_load_idx %arg6[%parallel_loop3A_375, %add3A_58] : memref<192x128xf32, #tpu.memory_space<vmem>>[vector<16xi32>, vector<16xi32>], vector<16xf32>,
        %parallel_loop3A_377 = tpu.vector_load_idx %arg7[%parallel_loop3A_375, %add3A_58] : memref<192x128xf32, #tpu.memory_space<vmem>>[vector<16xi32>, vector<16xi32>], vector<16xf32>,
        %parallel_loop3A_378 = arith.mulf %parallel_loop3A_374, %parallel_loop3A_377 : vector<16xf32>
        %parallel_loop3A_379 = arith.addf %parallel_loop3A_376, %parallel_loop3A_378 : vector<16xf32>
        %parallel_loop3A_380 = arith.constant 1 : i32
        %parallel_loop3A_381 = arith.index_cast %parallel_loop3A_380 : i32 to index
        %parallel_loop3A_382 = arith.index_cast %parallel_loop3A_216 : i32 to index
        %parallel_loop3A_383 = arith.constant 112 : index
        %parallel_loop3A_384 = tpu.vector_load %arg9[%parallel_loop3A_381, %parallel_loop3A_382, %parallel_loop3A_383] {strides = array<i32>} : memref<2x128x128xf32, #tpu.memory_space<vmem>>, vector<16xf32>,
        tpu.vector_store %arg9[%parallel_loop3A_381, %parallel_loop3A_382, %parallel_loop3A_383], %parallel_loop3A_379 {strides = array<i32>} : memref<2x128x128xf32, #tpu.memory_space<vmem>>, vector<16xf32>,
      } {sc.loop_unroll_factor = 4 : i64, sc.parallel_access}
      %mul3A_199 = arith.constant 128 : i32
      %mul3A_200 = arith.muli %add3A_164, %mul3A_199 : i32
      %add3A_201 = arith.addi %mul3A_34, %mul3A_200 : i32
      %dma_start3A_202 = arith.constant 1 : i32
      %dma_start3A_203 = arith.constant 1 : i32
      %dma_start3A_204 = arith.constant 0 : i32
      %dma_start3A_205 = arith.constant 0 : i32
      %dma_start3A_206 = tpu.memref_slice %arg9[%dma_start3A_202, %dma_start3A_204, %dma_start3A_205] : memref<2x128x128xf32, #tpu.memory_space<vmem>> -> memref<1x128x128xf32, #tpu.memory_space<vmem>>
      %dma_start3A_207 = tpu.memref_squeeze %dma_start3A_206 : memref<1x128x128xf32, #tpu.memory_space<vmem>> -> memref<128x128xf32, #tpu.memory_space<vmem>>
      %dma_start3A_208 = tpu.memref_slice %arg5[%add3A_201, %mul3A_11] : memref<32768x2048xf32, #tpu.memory_space<hbm>> -> memref<128x128xf32, #tpu.memory_space<hbm>>
      %dma_start3A_209 = tpu.memref_slice %arg11[%dma_start3A_203] : memref<2x!tpu.dma_semaphore, #tpu.memory_space<semaphore_mem>> -> memref<1x!tpu.dma_semaphore, #tpu.memory_space<semaphore_mem>>
      %dma_start3A_210 = tpu.memref_squeeze %dma_start3A_209 : memref<1x!tpu.dma_semaphore, #tpu.memory_space<semaphore_mem>> -> memref<!tpu.dma_semaphore, #tpu.memory_space<semaphore_mem>>
      %dma_start3A_211 = tpu.memref_slice %arg5[%add3A_201, %mul3A_11] : memref<32768x2048xf32, #tpu.memory_space<hbm>> -> memref<128x128xf32, #tpu.memory_space<hbm>>
      %dma_start3A_212 = arith.constant 0 : i32
      %dma_start3A_213 = arith.constant 0 : i32
      %dma_start3A_214 = tpu.memref_slice %arg9[%dma_start3A_202, %dma_start3A_212, %dma_start3A_213] : memref<2x128x128xf32, #tpu.memory_space<vmem>> -> memref<1x128x128xf32, #tpu.memory_space<vmem>>
      %dma_start3A_215 = tpu.memref_squeeze %dma_start3A_214 : memref<1x128x128xf32, #tpu.memory_space<vmem>> -> memref<128x128xf32, #tpu.memory_space<vmem>>
      tpu.enqueue_dma source(%dma_start3A_215 : memref<128x128xf32, #tpu.memory_space<vmem>>) target(%dma_start3A_211 : memref<128x128xf32, #tpu.memory_space<hbm>>) target_semaphore(%dma_start3A_210 : memref<!tpu.dma_semaphore, #tpu.memory_space<semaphore_mem>>)
    }
    %scan3A_77 = arith.constant 64 : i32
    %add3A_78 = arith.constant 16128 : i32
    %add3A_79 = arith.addi %mul3A_34, %add3A_78 : i32
    %dma_wait3A = arith.constant 0 : i32
    %dma_wait3A_80 = arith.constant 0 : i32
    %dma_wait3A_81 = arith.constant 0 : i32
    %dma_wait3A_82 = arith.constant 0 : i32
    %dma_wait3A_83 = tpu.memref_slice %arg9[%dma_wait3A, %dma_wait3A_81, %dma_wait3A_82] : memref<2x128x128xf32, #tpu.memory_space<vmem>> -> memref<1x128x128xf32, #tpu.memory_space<vmem>>
    %dma_wait3A_84 = tpu.memref_squeeze %dma_wait3A_83 : memref<1x128x128xf32, #tpu.memory_space<vmem>> -> memref<128x128xf32, #tpu.memory_space<vmem>>
    %dma_wait3A_85 = tpu.memref_slice %arg5[%add3A_79, %mul3A_11] : memref<32768x2048xf32, #tpu.memory_space<hbm>> -> memref<128x128xf32, #tpu.memory_space<hbm>>
    %dma_wait3A_86 = tpu.memref_slice %arg11[%dma_wait3A_80] : memref<2x!tpu.dma_semaphore, #tpu.memory_space<semaphore_mem>> -> memref<1x!tpu.dma_semaphore, #tpu.memory_space<semaphore_mem>>
    %dma_wait3A_87 = tpu.memref_squeeze %dma_wait3A_86 : memref<1x!tpu.dma_semaphore, #tpu.memory_space<semaphore_mem>> -> memref<!tpu.dma_semaphore, #tpu.memory_space<semaphore_mem>>
    %dma_wait3A_88 = tpu.memref_slice %arg5[%add3A_79, %mul3A_11] : memref<32768x2048xf32, #tpu.memory_space<hbm>> -> memref<128x128xf32, #tpu.memory_space<hbm>>
    %dma_wait3A_89 = arith.constant 0 : i32
    %dma_wait3A_90 = arith.constant 0 : i32
    %dma_wait3A_91 = tpu.memref_slice %arg9[%dma_wait3A, %dma_wait3A_89, %dma_wait3A_90] : memref<2x128x128xf32, #tpu.memory_space<vmem>> -> memref<1x128x128xf32, #tpu.memory_space<vmem>>
    %dma_wait3A_92 = tpu.memref_squeeze %dma_wait3A_91 : memref<1x128x128xf32, #tpu.memory_space<vmem>> -> memref<128x128xf32, #tpu.memory_space<vmem>>
    tpu.wait_dma2 semaphore(%dma_wait3A_87 : memref<!tpu.dma_semaphore, #tpu.memory_space<semaphore_mem>>) src(%dma_wait3A_92 : memref<128x128xf32, #tpu.memory_space<vmem>>) dst(%dma_wait3A_88 : memref<128x128xf32, #tpu.memory_space<hbm>>)
    %add3A_93 = arith.constant 16256 : i32
    %add3A_94 = arith.addi %mul3A_34, %add3A_93 : i32
    %dma_wait3A_95 = arith.constant 1 : i32
    %dma_wait3A_96 = arith.constant 1 : i32
    %dma_wait3A_97 = arith.constant 0 : i32
    %dma_wait3A_98 = arith.constant 0 : i32
    %dma_wait3A_99 = tpu.memref_slice %arg9[%dma_wait3A_95, %dma_wait3A_97, %dma_wait3A_98] : memref<2x128x128xf32, #tpu.memory_space<vmem>> -> memref<1x128x128xf32, #tpu.memory_space<vmem>>
    %dma_wait3A_100 = tpu.memref_squeeze %dma_wait3A_99 : memref<1x128x128xf32, #tpu.memory_space<vmem>> -> memref<128x128xf32, #tpu.memory_space<vmem>>
    %dma_wait3A_101 = tpu.memref_slice %arg5[%add3A_94, %mul3A_11] : memref<32768x2048xf32, #tpu.memory_space<hbm>> -> memref<128x128xf32, #tpu.memory_space<hbm>>
    %dma_wait3A_102 = tpu.memref_slice %arg11[%dma_wait3A_96] : memref<2x!tpu.dma_semaphore, #tpu.memory_space<semaphore_mem>> -> memref<1x!tpu.dma_semaphore, #tpu.memory_space<semaphore_mem>>
    %dma_wait3A_103 = tpu.memref_squeeze %dma_wait3A_102 : memref<1x!tpu.dma_semaphore, #tpu.memory_space<semaphore_mem>> -> memref<!tpu.dma_semaphore, #tpu.memory_space<semaphore_mem>>
    %dma_wait3A_104 = tpu.memref_slice %arg5[%add3A_94, %mul3A_11] : memref<32768x2048xf32, #tpu.memory_space<hbm>> -> memref<128x128xf32, #tpu.memory_space<hbm>>
    %dma_wait3A_105 = arith.constant 0 : i32
    %dma_wait3A_106 = arith.constant 0 : i32
    %dma_wait3A_107 = tpu.memref_slice %arg9[%dma_wait3A_95, %dma_wait3A_105, %dma_wait3A_106] : memref<2x128x128xf32, #tpu.memory_space<vmem>> -> memref<1x128x128xf32, #tpu.memory_space<vmem>>
    %dma_wait3A_108 = tpu.memref_squeeze %dma_wait3A_107 : memref<1x128x128xf32, #tpu.memory_space<vmem>> -> memref<128x128xf32, #tpu.memory_space<vmem>>
    tpu.wait_dma2 semaphore(%dma_wait3A_103 : memref<!tpu.dma_semaphore, #tpu.memory_space<semaphore_mem>>) src(%dma_wait3A_108 : memref<128x128xf32, #tpu.memory_space<vmem>>) dst(%dma_wait3A_104 : memref<128x128xf32, #tpu.memory_space<hbm>>)
    return
  }
}

module attributes {stable_mosaic.version = 14 : i64} {
  func.func @_project_body(%arg0: memref<2048x64xf32, #tpu.memory_space<vmem>>, %arg1: memref<192x2048xf32, #tpu.memory_space<vmem>>, %arg2: memref<192x2048xf32, #tpu.memory_space<vmem>>) attributes {dimension_semantics = [], scalar_prefetch = 0 : i64, scratch_operands = 0 : i64, tpu.core_type = #tpu.core_type<tc>} {
    %get3A = arith.constant 0 : index
    %get3A_0 = arith.constant 0 : index
    %get3A_1 = vector.load %arg0[%get3A, %get3A_0] : memref<2048x64xf32, #tpu.memory_space<vmem>>, vector<2048x64xf32>
    %slice3A = vector.extract_strided_slice %get3A_1 {offsets = [0, 1], sizes = [2048, 63], strides = [1, 1]} : vector<2048x64xf32> to vector<2048x63xf32>
    %slice3A_2 = vector.extract_strided_slice %get3A_1 {offsets = [0, 0], sizes = [2048, 63], strides = [1, 1]} : vector<2048x64xf32> to vector<2048x63xf32>
    %sub3A = arith.subf %slice3A, %slice3A_2 : vector<2048x63xf32>
    %mul3A = arith.constant 7.875000e+00 : f32
    %mul3A_3 = vector.broadcast %mul3A : f32 to vector<2048x63xf32>
    %mul3A_4 = arith.mulf %sub3A, %mul3A_3 : vector<2048x63xf32>
    %iota3A = tpu.iota {dimensions = array<i32: 1>} : vector<2048x63xi32>
    %gt3A = arith.constant 0 : i32
    %gt3A_5 = vector.broadcast %gt3A : i32 to vector<2048x63xi32>
    %gt3A_6 = arith.cmpi sgt, %iota3A, %gt3A_5 : vector<2048x63xi32>
    %lt3A = arith.constant 62 : i32
    %lt3A_7 = vector.broadcast %lt3A : i32 to vector<2048x63xi32>
    %lt3A_8 = arith.cmpi slt, %iota3A, %lt3A_7 : vector<2048x63xi32>
    %and3A = arith.andi %gt3A_6, %lt3A_8 : vector<2048x63xi1>
    %jit3A = arith.constant 0.000000e+00 : f32
    %broadcast_in_dim3A = vector.broadcast %jit3A : f32 to vector<2048x63xf32>
    %select_n3A = arith.select %and3A, %mul3A_4, %broadcast_in_dim3A : vector<2048x63xi1>, vector<2048x63xf32>
    %iota3A_9 = tpu.iota {dimensions = array<i32: 0>} : vector<63x63xi32>
    %iota3A_10 = tpu.iota {dimensions = array<i32: 1>} : vector<63x63xi32>
    %le3A = arith.cmpi sle, %iota3A_9, %iota3A_10 : vector<63x63xi32>
    %jit3A_11 = arith.constant 0.126984134 : f32
    %jit3A_12 = arith.constant 0.000000e+00 : f32
    %broadcast_in_dim3A_13 = vector.broadcast %jit3A_11 : f32 to vector<63x63xf32>
    %broadcast_in_dim3A_14 = vector.broadcast %jit3A_12 : f32 to vector<63x63xf32>
    %select_n3A_15 = arith.select %le3A, %broadcast_in_dim3A_13, %broadcast_in_dim3A_14 : vector<63x63xi1>, vector<63x63xf32>
    %dot_general3A = arith.constant dense<0.000000e+00> : vector<2048x63xf32>
    %dot_general3A_16 = tpu.matmul %select_n3A, %select_n3A_15, %dot_general3A {dimension_numbers = #tpu.dot_dimension_numbers<[1], [0], [0], [1], [0, 0, 1, 1], [], []>, transpose_lhs_hint = false} : vector<2048x63xf32>, vector<63x63xf32>, vector<2048x63xf32> -> vector<2048x63xf32>
    %broadcast_in_dim3A_17 = arith.constant 0.000000e+00 : f32
    %broadcast_in_dim3A_18 = vector.broadcast %broadcast_in_dim3A_17 : f32 to vector<2048x1xf32>
    %concatenate3A = tpu.concatenate %broadcast_in_dim3A_18, %dot_general3A_16 in 1 : vector<2048x1xf32>, vector<2048x63xf32> -> vector<2048x64xf32>
    %sub3A_19 = arith.subf %get3A_1, %concatenate3A : vector<2048x64xf32>
    %reduce_sum3A = arith.constant dense<0.000000e+00> : vector<2048xf32>
    %reduce_sum3A_20 = vector.multi_reduction <add>, %sub3A_19, %reduce_sum3A [1] : vector<2048x64xf32> to vector<2048xf32>
    %broadcast_in_dim3A_21 = vector.shape_cast %reduce_sum3A_20 : vector<2048xf32> to vector<2048x1xf32>
    %div3A = arith.constant 6.400000e+01 : f32
    %div3A_22 = vector.broadcast %div3A : f32 to vector<2048x1xf32>
    %div3A_23 = arith.divf %broadcast_in_dim3A_21, %div3A_22 : vector<2048x1xf32>
    %add3A = vector.broadcast %div3A_23 : vector<2048x1xf32> to vector<2048x64xf32>
    %add3A_24 = arith.addf %concatenate3A, %add3A : vector<2048x64xf32>
    %slice3A_25 = vector.extract_strided_slice %add3A_24 {offsets = [0, 1], sizes = [2048, 63], strides = [1, 1]} : vector<2048x64xf32> to vector<2048x63xf32>
    %slice3A_26 = vector.extract_strided_slice %add3A_24 {offsets = [0, 0], sizes = [2048, 63], strides = [1, 1]} : vector<2048x64xf32> to vector<2048x63xf32>
    %sub3A_27 = arith.subf %slice3A_25, %slice3A_26 : vector<2048x63xf32>
    %slice3A_28 = vector.extract_strided_slice %sub3A_27 {offsets = [0, 0], sizes = [2048, 62], strides = [1, 1]} : vector<2048x63xf32> to vector<2048x62xf32>
    %slice3A_29 = vector.extract_strided_slice %add3A_24 {offsets = [0, 0], sizes = [2048, 62], strides = [1, 1]} : vector<2048x64xf32> to vector<2048x62xf32>
    %iota3A_30 = tpu.iota {dimensions = array<i32: 1>} : vector<2048x62xi32>
    %convert_element_type3A = arith.sitofp %iota3A_30 : vector<2048x62xi32> to vector<2048x62xf32>
    %add3A_31 = arith.constant 6.400000e+01 : f32
    %add3A_32 = vector.broadcast %add3A_31 : f32 to vector<2048x62xf32>
    %add3A_33 = arith.addf %convert_element_type3A, %add3A_32 : vector<2048x62xf32>
    %mul3A_34 = arith.mulf %add3A_33, %slice3A_28 : vector<2048x62xf32>
    %sub3A_35 = arith.subf %slice3A_29, %mul3A_34 : vector<2048x62xf32>
    %slice3A_36 = vector.extract_strided_slice %sub3A_35 {offsets = [0, 0], sizes = [2048, 1], strides = [1, 1]} : vector<2048x62xf32> to vector<2048x1xf32>
    %broadcast_in_dim3A_37 = vector.shape_cast %slice3A_36 : vector<2048x1xf32> to vector<2048x1xf32>
    %broadcast_in_dim3A_38 = vector.broadcast %broadcast_in_dim3A_37 : vector<2048x1xf32> to vector<2048x64xf32>
    %slice3A_39 = vector.extract_strided_slice %slice3A_28 {offsets = [0, 0], sizes = [2048, 1], strides = [1, 1]} : vector<2048x62xf32> to vector<2048x1xf32>
    %broadcast_in_dim3A_40 = vector.shape_cast %slice3A_39 : vector<2048x1xf32> to vector<2048x1xf32>
    %broadcast_in_dim3A_41 = vector.broadcast %broadcast_in_dim3A_40 : vector<2048x1xf32> to vector<2048x64xf32>
    %slice3A_42 = vector.extract_strided_slice %sub3A_35 {offsets = [0, 61], sizes = [2048, 1], strides = [1, 1]} : vector<2048x62xf32> to vector<2048x1xf32>
    %broadcast_in_dim3A_43 = vector.shape_cast %slice3A_42 : vector<2048x1xf32> to vector<2048x1xf32>
    %broadcast_in_dim3A_44 = vector.broadcast %broadcast_in_dim3A_43 : vector<2048x1xf32> to vector<2048x66xf32>
    %slice3A_45 = vector.extract_strided_slice %slice3A_28 {offsets = [0, 61], sizes = [2048, 1], strides = [1, 1]} : vector<2048x62xf32> to vector<2048x1xf32>
    %broadcast_in_dim3A_46 = vector.shape_cast %slice3A_45 : vector<2048x1xf32> to vector<2048x1xf32>
    %broadcast_in_dim3A_47 = vector.broadcast %broadcast_in_dim3A_46 : vector<2048x1xf32> to vector<2048x66xf32>
    %concatenate3A_48 = tpu.concatenate %broadcast_in_dim3A_38, %sub3A_35, %broadcast_in_dim3A_44 in 1 : vector<2048x64xf32>, vector<2048x62xf32>, vector<2048x66xf32> -> vector<2048x192xf32>
    %transpose3A = tpu.transpose %concatenate3A_48, [1, 0] : vector<2048x192xf32> -> vector<192x2048xf32>
    %swap3A = arith.constant 0 : index
    %swap3A_49 = arith.constant 0 : index
    %swap3A_50 = vector.load %arg1[%swap3A, %swap3A_49] : memref<192x2048xf32, #tpu.memory_space<vmem>>, vector<192x2048xf32>
    tpu.vector_store %arg1[%swap3A, %swap3A_49], %transpose3A {strides = array<i32>} : memref<192x2048xf32, #tpu.memory_space<vmem>>, vector<192x2048xf32>,
    %concatenate3A_51 = tpu.concatenate %broadcast_in_dim3A_41, %slice3A_28, %broadcast_in_dim3A_47 in 1 : vector<2048x64xf32>, vector<2048x62xf32>, vector<2048x66xf32> -> vector<2048x192xf32>
    %transpose3A_52 = tpu.transpose %concatenate3A_51, [1, 0] : vector<2048x192xf32> -> vector<192x2048xf32>
    %swap3A_53 = arith.constant 0 : index
    %swap3A_54 = arith.constant 0 : index
    %swap3A_55 = vector.load %arg2[%swap3A_53, %swap3A_54] : memref<192x2048xf32, #tpu.memory_space<vmem>>, vector<192x2048xf32>
    tpu.vector_store %arg2[%swap3A_53, %swap3A_54], %transpose3A_52 {strides = array<i32>} : memref<192x2048xf32, #tpu.memory_space<vmem>>, vector<192x2048xf32>,
    return
  }
}

</mosaic_0001>

<sc_bundles>
// kernel: kernel.4.cloned.1.call-start
scs
__scs_entry_jumppad:
0x0: {  	(pc) =	sbr.rel $0x88, $3  }
0x1: {  	(tag) =	ssettag $0x0;
	lr =	simm.s32 $0x1  }
0x2: {  	[smem:$0x3F9F] =	sst lr;
	_ =	strace $0xD0000000  }
0x3: {  	_ = 	snop  }
0x4: {  	_ = 	snop  }
0x5: {  	_ = 	snop  }
0x6: {  	_ = 	snop  }
0x7: {  	_ = 	snop  }
__scs_overlays_trampoline_lowered:
0x8: {  	[smem:$0x3FAE] =	sst s0  }
0x9: {  	[smem:$0x3FAF] =	sst s1  }
0xa: {  	[smem:$0x3FB0] =	sst s2  }
0xb: {  	[smem:$0x3FB1] =	sst s3  }
0xc: {  	[smem:$0x3FB2] =	sst s4  }
0xd: {  	[smem:$0x3FB3] =	sst s5  }
0xe: {  	[smem:$0x3FB4] =	sst s6  }
0xf: {  	[smem:$0x3FB5] =	sst s7  }
0x10: {  	[smem:$0x3FB6] =	sst s8  }
0x11: {  	[smem:$0x3FB7] =	sst s9;
	s0 =	simm.s32 @!p0 $0x0  }
0x12: {  	s1 =	sld [smem:$0x3F9D];
	s0 =	simm.s32 @p0 $0x1  }
0x13: {  	[smem:$0x3FB8] =	sst s0;
	s0 =	simm.s32 @!p1 $0x0  }
0x14: {  	s2 =	sld [smem:$0x3F9C];
	s0 =	simm.s32 @p1 $0x1  }
0x15: {  	[smem:$0x3FB9] =	sst s0;
	s0 =	simm.s32 @!p2 $0x0  }
0x16: {  	s3 =	sld [smem:$0x3FDB];
	s0 =	simm.s32 @p2 $0x1  }
0x17: {  	s4 =	simm.s32 $0x1BF5;
	[smem:$0x3FBB] =	sst s0  }
0x18: {  	s0 =	sld [smem:$0x3F9E];
	_ =	swait.ge [sflag:s4], $0x0  }
0x19: {  	s7 =	sld [smem:$0x3F9F]  }
0x1a: {  	s8 =	sadd.s32 $0xFFFFE003, lr  }
0x1b: {  	s9 =	sadd.s32 $0xFFFFFEF7, lr;
	s5 =	simm.s32 $0xFFFFFFFF;
	p2 =	slt.u32 s8, $0xFFFFF086  }
0x1c: {  	p1 =	slt.u32 s9, $0xF7A;
	s5 =	simm.s32 @!p2 $0x0  }
0x1d: {  	s5 =	simm.s32 @p1 $0x1;
	p0 =	seq.s32 s7, s2  }
0x1e: {  	s7 =	smul.u32 @!p0 $0xF7A, s2;
	p2 =	seq.s32 @!p0 s5, $0x0  }
0x1f: {  	s9 =	smul.u32 $0xF7A, s1;
	s8 =	simm.s32 @!p0 $0x1BF5;
	p2 =	por !p2, p0  }
0x20: {  	[sflag:s8] =	ssyncset.s32 @!p0 $0xFFFFF086;
	s6 =	sadd.s32 @!p0 s3, s7;
	s7 =	simm.s32 @!p0 $0x108  }
0x21: {  	s3 =	sadd.s32 s3, s9;
	s6 =	sadd.s32 @!p0 $0x88, s6;
	s7 =	simm.s32 @p2 $0x1082  }
0x22: {  	[simem:s7], [sflag:s8] =	dma.local @!p0 [hbm:s6], $0xF7A  }
0x23: {  	s9 =	sor.u32 $0xD0000000, s2;
	s6 =	simm.s32 $0x108;
	_ =	swait.ge @!p0 [sflag:s8], $0x0  }
0x24: {  	s3 =	sadd.s32 $0x88, s3;
	s6 =	simm.s32 @!p1 $0x1082;
	[sflag:s4] =	ssyncset.s32 $0xFFFFF086  }
0x25: {  	[simem:s6], [sflag:s4] =	dma.local [hbm:s3], $0xF7A  }
0x26: {  	[smem:$0x3F9F] =	sst s1;
	(tag) =	ssettag s2;
	_ =	strace s9  }
0x27: {  	s1 =	sld [smem:$0x3FAF]  }
0x28: {  	s2 =	sld [smem:$0x3FB0]  }
0x29: {  	s4 =	sld [smem:$0x3FB2]  }
0x2a: {  	p0 =	seq.s32 s5, $0x0;
	s5 =	sld [smem:$0x3FB3]  }
0x2b: {  	s6 =	sld [smem:$0x3FB4]  }
0x2c: {  	s7 =	sld [smem:$0x3FB5]  }
0x2d: {  	s3 =	simm.s32 $0x108;
	s8 =	sld [smem:$0x3FB6]  }
0x2e: {  	s3 =	simm.s32 @!p0 $0x1082;
	s9 =	sld [smem:$0x3FB7]  }
0x2f: {  	lr =	sadd.s32 s0, s3;
	s0 =	sld [smem:$0x3FAE]  }
0x30: {  	s3 =	sld [smem:$0x3FB1]  }
0x31: {  	[smem:$0x3FBA] =	sst s10  }
0x32: {  	s10 =	sld [smem:$0x3FB8];
	_ =	sdelay $0x3  }
0x33: {  	p0 =	seq.s32 s10, $0x1;
	s10 =	sld [smem:$0x3FBA];
	_ =	sdelay $0x3  }
0x34: {  	[smem:$0x3FBA] =	sst s10  }
0x35: {  	s10 =	sld [smem:$0x3FB9];
	_ =	sdelay $0x3  }
0x36: {  	p1 =	seq.s32 s10, $0x1;
	s10 =	sld [smem:$0x3FBA];
	_ =	sdelay $0x3  }
0x37: {  	[smem:$0x3FBA] =	sst s10  }
0x38: {  	s10 =	sld [smem:$0x3FBB]  }
0x39: {  	_ = 	snop;
	(pc) =	sbr.ind lr, $3  }
0x3a: {  	_ = 	snop  }
0x3b: {  	_ = 	snop  }
0x3c: {  	p2 =	seq.s32 s10, $0x1;
	s10 =	sld [smem:$0x3FBA]  }
0x3d: {  	_ =	shalt  }
0x3e: {  	_ =	shalt  }
0x3f: {  	_ =	shalt  }
0x40: {  	_ =	shalt  }
0x41: {  	_ =	shalt  }
0x42: {  	_ =	shalt  }
0x43: {  	_ =	shalt  }
0x44: {  	_ =	shalt  }
0x45: {  	_ =	shalt  }
0x46: {  	_ =	shalt  }
0x47: {  	_ =	shalt  }
0x48: {  	_ =	shalt  }
0x49: {  	_ =	shalt  }
0x4a: {  	_ =	shalt  }
0x4b: {  	_ =	shalt  }
0x4c: {  	_ =	shalt  }
0x4d: {  	_ =	shalt  }
0x4e: {  	_ =	shalt  }
0x4f: {  	_ =	shalt  }
0x50: {  	_ =	shalt  }
0x51: {  	_ =	shalt  }
0x52: {  	_ =	shalt  }
0x53: {  	_ =	shalt  }
0x54: {  	_ =	shalt  }
0x55: {  	_ =	shalt  }
0x56: {  	_ =	shalt  }
0x57: {  	_ =	shalt  }
0x58: {  	_ =	shalt  }
0x59: {  	_ =	shalt  }
0x5a: {  	_ =	shalt  }
0x5b: {  	_ =	shalt  }
0x5c: {  	_ =	shalt  }
0x5d: {  	_ =	shalt  }
0x5e: {  	_ =	shalt  }
0x5f: {  	_ =	shalt  }
0x60: {  	_ =	shalt  }
0x61: {  	_ =	shalt  }
0x62: {  	_ =	shalt  }
0x63: {  	_ =	shalt  }
0x64: {  	_ =	shalt  }
0x65: {  	_ =	shalt  }
0x66: {  	_ =	shalt  }
0x67: {  	_ =	shalt  }
0x68: {  	_ =	shalt  }
0x69: {  	_ =	shalt  }
0x6a: {  	_ =	shalt  }
0x6b: {  	_ =	shalt  }
0x6c: {  	_ =	shalt  }
0x6d: {  	_ =	shalt  }
0x6e: {  	_ =	shalt  }
0x6f: {  	_ =	shalt  }
0x70: {  	_ =	shalt  }
0x71: {  	_ =	shalt  }
0x72: {  	_ =	shalt  }
0x73: {  	_ =	shalt  }
0x74: {  	_ =	shalt  }
0x75: {  	_ =	shalt  }
0x76: {  	_ =	shalt  }
0x77: {  	_ =	shalt  }
0x78: {  	_ =	shalt  }
0x79: {  	_ =	shalt  }
0x7a: {  	_ =	shalt  }
0x7b: {  	_ =	shalt  }
0x7c: {  	_ =	shalt  }
0x7d: {  	_ =	shalt  }
0x7e: {  	_ =	shalt  }
0x7f: {  	_ =	shalt  }
0x80: {  	_ =	shalt  }
0x81: {  	_ =	shalt  }
0x82: {  	_ =	shalt  }
0x83: {  	_ =	shalt  }
0x84: {  	_ =	shalt  }
0x85: {  	_ =	shalt  }
0x86: {  	_ =	shalt  }
0x87: {  	_ =	shalt  }
.Lfunc_end0:
.L_simem_size_0:
called_computation_lowered:
.L_overlay_start_0:
0x88: {  	s2 =	sld [smem:$0x3FD9]  }
0x89: {  	s3 =	sld [smem:$0x3FFE];
	_ =	sdelay $0x1  }
0x8a: {  	s1 =	srdreg.scid  }
0x8b: {  	s0 =	sand.u32 $0x1, s1  }
0x8c: {  	s17 =	sshll.u32 s0, $0xA;
	s2 =	sadd.s32 s3, s2  }
0x8d: {  	s2 =	sadd.s32 s2, s17  }
0x8e: {  	[smem:$0x3FC6] =	sst s2  }
0x8f: {  	_ = 	snop  }
0x90: {  	s2 =	sld [smem:$0x3FC9]  }
0x91: {  	s18 =	sld [smem:$0x3FD0];
	(tm) =	ssettm $0x1  }
0x92: {  	s4 =	sld [smem:$0x3FFB];
	_ =	sdelay $0x3  }
0x93: {  	_ =	strace s4  }
0x94: {  	s4 =	sld [smem:$0x3FFC];
	_ =	sdelay $0x3  }
0x95: {  	_ =	strace s4  }
0x96: {  	s4 =	sld [smem:$0x3FFD];
	_ =	sdelay $0x3  }
0x97: {  	_ =	strace s4  }
0x98: {  	_ =	strace $0x8FFFFFFF  }
0x99: {  	s19 =	sld [smem:$0x3FDB];
	_ =	sdelay $0x1  }
0x9a: {  	s5 =	simm.s32 $_scs_section_size  }
0x9b: {  	s6 =	simm.s32 $_size__tile_overlayer_lowered;
	s7 =	simm.s32 $_tile_overlayer_lowered  }
0x9c: {  	s22 =	simm.s32 $0x1BFF;
	s21 =	sshll.u32 s7, $0x1;
	s4 =	sadd.s32 s5, s19  }
0x9d: {  	s8 =	simm.s32 $0x0;
	s20 =	sshll.u32 s6, $0x1;
	s6 =	sadd.s32 s21, s4  }
0x9e: {  	[timem:s8], [sflag:s22] =	dma.local [hbm:s6], s20  }
0x9f: {  	_ =	swait.ge [sflag:s22], s20  }
0xa0: {  	s5 =	ssub.s32 $0x0, s20;
	[sflag:s22] =	ssyncset.done $0x0  }
0xa1: {  	[sflag:s22] =	ssyncadd.s32 s5;
	_ =	sdelay $0x1  }
0xa2: {  	s23 =	simm.s32 $0x1B8B  }
0xa3: {  	_ =	swait.ge [sflag:s23], $0x1  }
0xa4: {  	[sflag:s23] =	ssyncset.done $0x0  }
0xa5: {  	s25 =	simm.s32 $0x1B8E;
	s24 =	sld [smem:$0x3FFE];
	[sflag:s23] =	ssyncadd.s32 $0xFFFFFFFF  }
0xa6: {  	s26 =	simm.s32 $execute0_lowered;
	[smem:$0x3FD2] =	sst s25  }
0xa7: {  	s6 =	sshll.u32 s26, $0x1;
	_ =	strace $0x80000046;
	[dreg:$0x1] =	wrdreg $0xFFFFFFFF  }
0xa8: {  	s28 =	simm.s32 $_size_execute0_lowered;
	s4 =	sadd.s32 s4, s6;
	[dreg:$0x0] =	wrdreg $0x0  }
0xa9: {  	s6 =	sshll.u32 s28, $0x1;
	[dreg:$0x2] =	wrdreg s4  }
0xaa: {  	[dreg:$0x3] =	wrdreg s6  }
0xab: {  	[dreg:$0x4] =	wrdreg $0xC0  }
0xac: {  	_ =	task [dreg:s8], $0x5FFFF  }
0xad: {  	[dreg:$0x1] =	wrdreg $0xFFFFFFFF  }
0xae: {  	[dreg:$0x0] =	wrdreg $0x60  }
0xaf: {  	[dreg:$0x2] =	wrdreg s2  }
0xb0: {  	[dreg:$0x3] =	wrdreg s24  }
0xb1: {  	[dreg:$0x4] =	wrdreg s18  }
0xb2: {  	[dreg:$0x5] =	wrdreg $0x9  }
0xb3: {  	_ =	task.clear_ibuf [dreg:s8], $0x6FFFF;
	_ =	strace $0x90000046  }
0xb4: {  	s29 =	simm.s32 $0x9;
	_ =	strace $0x80000048  }
0xb5: {  	_ =	swait.ge [sflag:s29], $0x1  }
0xb6: {  	[sflag:s29] =	ssyncadd.s32 $0xFFFFFFFF  }
0xb7: {  	_ =	strace $0x90000048  }
0xb8: {  	_ =	sfence  }
0xb9: {  	s30 =	sld [smem:$0x0];
	_ =	sdelay $0x2  }
0xba: {  	s31 =	sshll.u32 s1, $0xD;
	s1 =	sshrl.u32 s1, $0x2  }
0xbb: {  	s3 =	sand.u32 $0x4000, s31;
	s1 =	sadd.s32 s1, s30  }
0xbc: {  	s0 =	sor.u32 s3, s0;
	s1 =	sshll.u32 s1, $0x11  }
0xbd: {  	s0 =	sor.u32 s1, s0  }
0xbe: {  	s0 =	sadd.s32 $0x8F2B, s0  }
0xbf: {  	[sflag:s0] =	ssyncadd.remote.s32 $0x1  }
0xc0: {  	_ =	sfence.sel $0xFFFF  }
0xc1: {  	[dreg:$0x0] =	wrdreg $0xFFFFFFFF;
	(pc) =	sbr.abs _section_cstart, $3  }
0xc2: {  	[dreg:$0x1] =	wrdreg $0xFFFFFFFF  }
0xc3: {  	_ =	task.clear_ibuf [dreg:s8], $0x2FFFF;
	_ =	strace $0x9FFFFFFF  }
0xc4: {  	(tm) =	ssettm $0x7FFFFFFF  }
0xc5: {  	_ =	shalt  }
tec
execute0_lowered:
.L_overlay_start_1:
0x0: {  	(tag) =	ssettag $0x1  }
0x1: {  	s2 =	rddreg [dreg:$0x0]  }
0x2: {  	s0 =	rddreg [dreg:$0x1]  }
0x3: {  	s3 =	rddreg [dreg:$0x2];
	s6 =	stileid.u32  }
0x4: {  	s4 =	simm.s32 $0x0;
	s1 =	srdreg.scid;
	s11 =	simm.s32 $0x400  }
0x5: {  	s12 =	simm.s32 $0x4000;
	s13 =	simm.s32 $0x5;
	s14 =	simm.s32 $0x6000  }
0x6: {  	s16 =	simm.s32 $0x1;
	s17 =	simm.s32 $0x10000;
	s18 =	simm.s32 $0x14000  }
0x7: {  	s19 =	simm.s32 $0x2;
	s20 =	simm.s32 $0x18000;
	s5 =	sshll.u32 s6, $0x1  }
0x8: {  	s21 =	simm.s32 $0x3;
	s1 =	sand.u32 $0x1, s1;
	s5 =	sand.u32 $0xE, s5  }
0x9: {  	[smem:$0x7FF] =	sst s4;
	s6 =	sshll.u32 s6, $0x16;
	s5 =	sor.u32 s1, s5  }
0xa: {  	_ =	strace $0x80000047;
	s6 =	sand.u32 $0x2000000, s6;
	s8 =	sshll.u32 s5, $0x7  }
0xb: {  	s1 =	ssub.s32 $0x2, s1;
	s7 =	sshll.u32 s5, $0xA;
	s0 =	sadd.s32 s8, s0  }
0xc: {  	s9 =	sshrl.u32 s1, $0x1;
	s5 =	sor.u32 s6, s7;
	s29 =	sadd.s32 $0xA00, s0  }
0xd: {  	v0 =	vlaneseq.u32;
	s1 =	ssub.s32 s1, s9;
	s0 =	sadd.s32 $0xCA00, s0;
	[dreg:$0x4] =	wrdreg s29  }
0xe: {  	v1 =	vor.u32 $0x10, v0;
	s6 =	sshrl.u32 s5, $0x3;
	s31 =	smax.u32 s1, $0x1;
	[dreg:$0x5] =	wrdreg s0  }
0xf: {  	s22 =	simm.s32 $0x4;
	v2 =	vor.u32 $0x20, v0;
	v3 =	vor.u32 $0x30, v0;
	v4 =	vor.u32 $0x40, v0;
	s30 =	sadd.s32 s2, s6;
	[dreg:$0x7] =	wrdreg s31  }
0x10: {  	s23 =	simm.s32 $0x0;
	v5 =	vor.u32 $0x50, v0;
	v6 =	vor.u32 $0x60, v0;
	v7 =	vor.u32 $0x70, v0;
	s9 =	sor.u32 $0x80000, s5;
	[dreg:$0x6] =	wrdreg s30  }
.LBB2_1:
0x11: {  	s0 =	rddreg [dreg:$0x4]  }
0x12: {  	[tilespmem:s4], [sflag:$0x5] =	stream.strided.gather [hbm4b:s0+s11], $0x6000, s12, s11, $0x38;
	[tilespmem:$0x1C000] =	vst v63  }
0x13: {  	_ =	swait.ge [sflag:s13], $0x6000  }
0x14: {  	[sflag:s13] =	ssyncset.done $0x0  }
0x15: {  	s30 =	rddreg [dreg:$0x5];
	[sflag:s13] =	ssyncadd.s32 $0xFFFFA000  }
0x16: {  	[tilespmem:s14], [sflag:$0x5] =	stream.strided.gather [hbm4b:s30+s11], $0x6000, s12, s11, $0x38;
	[tilespmem:$0x1C000] =	vst v63  }
0x17: {  	_ =	swait.ge [sflag:s13], $0x6000  }
0x18: {  	s1 =	simm.s32 $0xC000;
	[sflag:s13] =	ssyncset.done $0x0  }
0x19: {  	s24 =	simm.s32 $0x0;
	s31 =	rddreg [dreg:$0x6];
	[sflag:s13] =	ssyncadd.s32 $0xFFFFA000  }
0x1a: {  	[tilespmem:s1], [sflag:$0x1] =	stream.strided.gather [hbm4b:s31+s11], $0x4000, s12, s11, $0x38;
	[tilespmem:$0x1C000] =	vst v63  }
.LBB2_2:
0x1b: {  	s26 =	sshll.u32 s24, $0x13  }
0x1c: {  	s0 =	sadd.s32 s5, s26  }
0x1d: {  	_ =	swait.ge [sflag:s16], $0x4000;
	s0 =	sshrl.u32 s0, $0x3  }
0x1e: {  	[sflag:s16] =	ssyncset.done $0x0;
	s25 =	sor.u32 $0x8000, s0  }
0x1f: {  	p0 =	seq.s32 s24, $0x0;
	[sflag:s16] =	ssyncadd.s32 $0xFFFFC000;
	s0 =	sadd.s32 s2, s25  }
0x20: {  	[tilespmem:s17], [sflag:$0x2] =	stream.strided.gather [hbm4b:s0+s11], $0x4000, s12, s11, $0x38;
	[tilespmem:$0x1C000] =	vst v63  }
0x21: {  	s0 =	simm.s32 @!p0 $0x3  }
0x22: {  	_ =	swait.ge @!p0 [sflag:s0], $0x4000  }
0x23: {  	[sflag:s0] =	ssyncset.done @!p0 $0x0  }
0x24: {  	s6 =	simm.s32 $0xC100;
	[sflag:s0] =	ssyncadd.s32 @!p0 $0xFFFFC000  }
0x25: {  	v8 =	vld [tilespmem:s6+$0x80];
	_ =	sdelay $0x4  }
0x26: {  	v8 =	vmul.f32 $7.875000000e+00, v8;
	_ =	sdelay $0x1  }
0x27: {  	v8 =	vadd.f32 $9.550000000e+01, v8;
	_ =	sdelay $0x1  }
0x28: {  	v9 =	vtrunc.f32 v8  }
0x29: {  	v9 =	vcvt.f32.s32 v9;
	_ =	sdelay $0x1  }
0x2a: {  	v9 =	vshll.u32 v9, $0x7  }
0x2b: {  	v9 =	vor.u32 v0, v9;
	_ =	sdelay $0x4  }
0x2c: {  	v10 =	vld.idx.msk [tilespmem:v9+s14+$0x0], $0xffff;
	_ =	sdelay $0x1  }
0x2d: {  	v9 =	vld.idx.msk [tilespmem:v9+s4+$0x0], $0xffff;
	_ =	sdelay $0x2  }
0x2e: {  	v8 =	vmul.f32 v10, v8;
	_ =	sdelay $0x1  }
0x2f: {  	v8 =	vadd.f32 v8, v9  }
0x30: {  	s28 =	simm.s32 $0x14100  }
0x31: {  	[tilespmem:s28+$0x80] =	vst v8  }
0x32: {  	v8 =	vld [tilespmem:s6+$0x90];
	_ =	sdelay $0x4  }
0x33: {  	v9 =	vld [tilespmem:s6+$0xFFFFFF00];
	v8 =	vmul.f32 $7.875000000e+00, v8;
	_ =	sdelay $0x1  }
0x34: {  	v10 =	vld [tilespmem:s6+$0xFFFFFF80];
	v8 =	vadd.f32 $9.550000000e+01, v8;
	_ =	sdelay $0x1  }
0x35: {  	v11 =	vld [tilespmem:s6+$0x0];
	v12 =	vtrunc.f32 v8  }
0x36: {  	v9 =	vmul.f32 $7.875000000e+00, v9;
	v12 =	vcvt.f32.s32 v12;
	_ =	sdelay $0x1  }
0x37: {  	v10 =	vmul.f32 $7.875000000e+00, v10;
	v9 =	vadd.f32 $9.550000000e+01, v9;
	v12 =	vshll.u32 v12, $0x7  }
0x38: {  	v12 =	vor.u32 v1, v12  }
0x39: {  	v11 =	vmul.f32 $7.875000000e+00, v11;
	v10 =	vadd.f32 $9.550000000e+01, v10;
	v13 =	vtrunc.f32 v9  }
0x3a: {  	v13 =	vcvt.f32.s32 v13  }
0x3b: {  	v11 =	vadd.f32 $9.550000000e+01, v11;
	v14 =	vtrunc.f32 v10  }
0x3c: {  	v14 =	vcvt.f32.s32 v14;
	v13 =	vshll.u32 v13, $0x7  }
0x3d: {  	v15 =	vtrunc.f32 v11;
	v13 =	vor.u32 v0, v13;
	v16 =	vld.idx.msk [tilespmem:v12+s14+$0x0], $0xffff  }
0x3e: {  	v15 =	vcvt.f32.s32 v15;
	v14 =	vshll.u32 v14, $0x7  }
0x3f: {  	v14 =	vor.u32 v0, v14;
	v12 =	vld.idx.msk [tilespmem:v12+s4+$0x0], $0xffff  }
0x40: {  	v15 =	vshll.u32 v15, $0x7  }
0x41: {  	v15 =	vor.u32 v0, v15  }
0x42: {  	v17 =	vld.idx.msk [tilespmem:v13+s14+$0x0], $0xffff;
	v8 =	vmul.f32 v16, v8  }
0x43: {  	v13 =	vld.idx.msk [tilespmem:v13+s4+$0x0], $0xffff  }
0x44: {  	v16 =	vld.idx.msk [tilespmem:v14+s14+$0x0], $0xffff;
	v8 =	vadd.f32 v8, v12  }
0x45: {  	v14 =	vld.idx.msk [tilespmem:v14+s4+$0x0], $0xffff  }
0x46: {  	v12 =	vld.idx.msk [tilespmem:v15+s14+$0x0], $0xffff;
	[tilespmem:s28+$0x90] =	vst v8  }
0x47: {  	v8 =	vmul.f32 v17, v9;
	v9 =	vld [tilespmem:s6+$0xA0]  }
0x48: {  	v15 =	vld.idx.msk [tilespmem:v15+s4+$0x0], $0xffff  }
0x49: {  	v8 =	vadd.f32 v8, v13  }
0x4a: {  	v10 =	vmul.f32 v16, v10  }
0x4b: {  	v11 =	vmul.f32 v12, v11;
	[tilespmem:s28+$0xFFFFFF00] =	vst v8  }
0x4c: {  	v8 =	vadd.f32 v10, v14;
	v10 =	vld [tilespmem:s6+$0xFFFFFF10];
	v9 =	vmul.f32 $7.875000000e+00, v9  }
0x4d: {  	v11 =	vadd.f32 v11, v15  }
0x4e: {  	[tilespmem:s28+$0xFFFFFF80] =	vst v8;
	v8 =	vadd.f32 $9.550000000e+01, v9  }
0x4f: {  	[tilespmem:s28+$0x0] =	vst v11;
	v9 =	vld [tilespmem:s6+$0xFFFFFF90]  }
0x50: {  	v11 =	vld [tilespmem:s6+$0x10];
	v12 =	vtrunc.f32 v8  }
0x51: {  	v10 =	vmul.f32 $7.875000000e+00, v10;
	v12 =	vcvt.f32.s32 v12;
	_ =	sdelay $0x1  }
0x52: {  	v10 =	vadd.f32 $9.550000000e+01, v10;
	v12 =	vshll.u32 v12, $0x7  }
0x53: {  	v9 =	vmul.f32 $7.875000000e+00, v9;
	v12 =	vor.u32 v2, v12  }
0x54: {  	v11 =	vmul.f32 $7.875000000e+00, v11;
	v13 =	vtrunc.f32 v10  }
0x55: {  	v9 =	vadd.f32 $9.550000000e+01, v9;
	v13 =	vcvt.f32.s32 v13  }
0x56: {  	v11 =	vadd.f32 $9.550000000e+01, v11  }
0x57: {  	v14 =	vtrunc.f32 v9;
	v13 =	vshll.u32 v13, $0x7  }
0x58: {  	v15 =	vtrunc.f32 v11;
	v14 =	vcvt.f32.s32 v14;
	v13 =	vor.u32 v1, v13;
	v16 =	vld.idx.msk [tilespmem:v12+s14+$0x0], $0xffff  }
0x59: {  	v15 =	vcvt.f32.s32 v15  }
0x5a: {  	v12 =	vld.idx.msk [tilespmem:v12+s4+$0x0], $0xffff;
	v14 =	vshll.u32 v14, $0x7  }
0x5b: {  	v15 =	vshll.u32 v15, $0x7;
	v14 =	vor.u32 v1, v14  }
0x5c: {  	v15 =	vor.u32 v1, v15  }
0x5d: {  	v17 =	vld.idx.msk [tilespmem:v13+s14+$0x0], $0xffff;
	v8 =	vmul.f32 v16, v8;
	_ =	sdelay $0x1  }
0x5e: {  	v13 =	vld.idx.msk [tilespmem:v13+s4+$0x0], $0xffff;
	v8 =	vadd.f32 v8, v12  }
0x5f: {  	v12 =	vld.idx.msk [tilespmem:v14+s14+$0x0], $0xffff  }
0x60: {  	v16 =	vld.idx.msk [tilespmem:v15+s14+$0x0], $0xffff;
	[tilespmem:s28+$0xA0] =	vst v8  }
0x61: {  	v8 =	vmul.f32 v17, v10;
	v10 =	vld [tilespmem:s6+$0xB0]  }
0x62: {  	s15 =	simm.s32 $0xC300;
	v14 =	vld.idx.msk [tilespmem:v14+s4+$0x0], $0xffff  }
0x63: {  	v8 =	vadd.f32 v8, v13;
	v13 =	vld [tilespmem:s15+$0x80]  }
0x64: {  	v15 =	vld.idx.msk [tilespmem:v15+s4+$0x0], $0xffff  }
0x65: {  	v9 =	vmul.f32 v12, v9;
	[tilespmem:s28+$0xFFFFFF10] =	vst v8  }
0x66: {  	v8 =	vld [tilespmem:s6+$0xFFFFFF20];
	v10 =	vmul.f32 $7.875000000e+00, v10  }
0x67: {  	v11 =	vmul.f32 v16, v11;
	v9 =	vadd.f32 v9, v14  }
0x68: {  	v12 =	vmul.f32 $7.875000000e+00, v13;
	v10 =	vadd.f32 $9.550000000e+01, v10  }
0x69: {  	v11 =	vadd.f32 v11, v15;
	[tilespmem:s28+$0xFFFFFF90] =	vst v9  }
0x6a: {  	v9 =	vld [tilespmem:s6+$0xFFFFFFA0];
	v12 =	vadd.f32 $9.550000000e+01, v12;
	v13 =	vtrunc.f32 v10  }
0x6b: {  	[tilespmem:s28+$0x10] =	vst v11;
	v8 =	vmul.f32 $7.875000000e+00, v8;
	v11 =	vcvt.f32.s32 v13  }
0x6c: {  	v13 =	vld [tilespmem:s6+$0x20];
	v14 =	vtrunc.f32 v12  }
0x6d: {  	v8 =	vadd.f32 $9.550000000e+01, v8;
	v14 =	vcvt.f32.s32 v14;
	v11 =	vshll.u32 v11, $0x7  }
0x6e: {  	v11 =	vor.u32 v3, v11  }
0x6f: {  	v9 =	vmul.f32 $7.875000000e+00, v9;
	v15 =	vtrunc.f32 v8;
	v14 =	vshll.u32 v14, $0x7  }
0x70: {  	v18 =	vld [tilespmem:s15+$0x0];
	v15 =	vcvt.f32.s32 v15;
	v14 =	vor.u32 v0, v14  }
0x71: {  	v17 =	vld [tilespmem:s15+$0xFFFFFF00];
	v9 =	vadd.f32 $9.550000000e+01, v9;
	v13 =	vmul.f32 $7.875000000e+00, v13  }
0x72: {  	v16 =	vld [tilespmem:s15+$0xFFFFFF80];
	v15 =	vshll.u32 v15, $0x7  }
0x73: {  	v19 =	vtrunc.f32 v9;
	v13 =	vadd.f32 $9.550000000e+01, v13;
	v15 =	vor.u32 v2, v15;
	v20 =	vld.idx.msk [tilespmem:v11+s14+$0x0], $0xffff  }
0x74: {  	v19 =	vcvt.f32.s32 v19;
	v11 =	vld.idx.msk [tilespmem:v11+s4+$0x0], $0xffff  }
0x75: {  	v21 =	vtrunc.f32 v13;
	v22 =	vld.idx.msk [tilespmem:v14+s14+$0x0], $0xffff  }
0x76: {  	v17 =	vmul.f32 $7.875000000e+00, v17;
	v19 =	vshll.u32 v19, $0x7;
	v21 =	vcvt.f32.s32 v21  }
0x77: {  	v16 =	vmul.f32 $7.875000000e+00, v16;
	v14 =	vld.idx.msk [tilespmem:v14+s4+$0x0], $0xffff;
	v19 =	vor.u32 v2, v19  }
0x78: {  	v17 =	vadd.f32 $9.550000000e+01, v17;
	v21 =	vshll.u32 v21, $0x7;
	v23 =	vld.idx.msk [tilespmem:v15+s14+$0x0], $0xffff;
	v10 =	vmul.f32 v20, v10  }
0x79: {  	v18 =	vmul.f32 $7.875000000e+00, v18;
	v16 =	vadd.f32 $9.550000000e+01, v16;
	v20 =	vor.u32 v2, v21  }
0x7a: {  	v15 =	vld.idx.msk [tilespmem:v15+s4+$0x0], $0xffff;
	v21 =	vtrunc.f32 v17;
	v10 =	vadd.f32 v10, v11;
	v11 =	vmul.f32 v22, v12  }
0x7b: {  	v21 =	vcvt.f32.s32 v21;
	v12 =	vtrunc.f32 v16  }
0x7c: {  	v22 =	vld.idx.msk [tilespmem:v19+s14+$0x0], $0xffff;
	v12 =	vcvt.f32.s32 v12;
	[tilespmem:s28+$0xB0] =	vst v10;
	v10 =	vadd.f32 v11, v14  }
0x7d: {  	s29 =	simm.s32 $0x14300;
	v8 =	vmul.f32 v23, v8;
	v11 =	vadd.f32 $9.550000000e+01, v18;
	v14 =	vshll.u32 v21, $0x7;
	v18 =	vld [tilespmem:s6+$0xC0]  }
0x7e: {  	v19 =	vld.idx.msk [tilespmem:v19+s4+$0x0], $0xffff;
	v12 =	vshll.u32 v12, $0x7;
	v14 =	vor.u32 v0, v14;
	[tilespmem:s29+$0x80] =	vst v10  }
0x7f: {  	v8 =	vadd.f32 v8, v15;
	v10 =	vtrunc.f32 v11;
	v12 =	vor.u32 v0, v12;
	v15 =	vld [tilespmem:s15+$0x90]  }
0x80: {  	v21 =	vld.idx.msk [tilespmem:v20+s14+$0x0], $0xffff;
	v10 =	vcvt.f32.s32 v10  }
0x81: {  	v20 =	vld.idx.msk [tilespmem:v20+s4+$0x0], $0xffff;
	[tilespmem:s28+$0xFFFFFF20] =	vst v8  }
0x82: {  	v8 =	vld [tilespmem:s6+$0xFFFFFF30];
	v10 =	vshll.u32 v10, $0x7;
	v18 =	vmul.f32 $7.875000000e+00, v18  }
0x83: {  	v10 =	vor.u32 v0, v10;
	v23 =	vld.idx.msk [tilespmem:v14+s14+$0x0], $0xffff  }
0x84: {  	v24 =	vld.idx.msk [tilespmem:v12+s14+$0x0], $0xffff;
	v18 =	vadd.f32 $9.550000000e+01, v18;
	v15 =	vmul.f32 $7.875000000e+00, v15  }
0x85: {  	v9 =	vmul.f32 v22, v9;
	v14 =	vld.idx.msk [tilespmem:v14+s4+$0x0], $0xffff  }
0x86: {  	v13 =	vmul.f32 v21, v13;
	v12 =	vld.idx.msk [tilespmem:v12+s4+$0x0], $0xffff;
	v21 =	vtrunc.f32 v18;
	v15 =	vadd.f32 $9.550000000e+01, v15  }
0x87: {  	v9 =	vadd.f32 v9, v19;
	v19 =	vcvt.f32.s32 v21  }
0x88: {  	v13 =	vadd.f32 v13, v20;
	v20 =	vld.idx.msk [tilespmem:v10+s14+$0x0], $0xffff;
	v17 =	vmul.f32 v23, v17;
	v21 =	vtrunc.f32 v15  }
0x89: {  	v16 =	vmul.f32 v24, v16;
	v19 =	vshll.u32 v19, $0x7;
	v21 =	vcvt.f32.s32 v21  }
0x8a: {  	[tilespmem:s28+$0xFFFFFFA0] =	vst v9;
	v8 =	vmul.f32 $7.875000000e+00, v8;
	v9 =	vld.idx.msk [tilespmem:v10+s4+$0x0], $0xffff;
	v10 =	vadd.f32 v17, v14;
	v14 =	vor.u32 v4, v19  }
0x8b: {  	[tilespmem:s28+$0x20] =	vst v13;
	v17 =	vld [tilespmem:s6+$0xFFFFFFB0];
	v12 =	vadd.f32 v16, v12;
	v13 =	vshll.u32 v21, $0x7  }
0x8c: {  	v8 =	vadd.f32 $9.550000000e+01, v8;
	v16 =	vld [tilespmem:s6+$0x30];
	[tilespmem:s29+$0xFFFFFF00] =	vst v10;
	v10 =	vor.u32 v1, v13  }
0x8d: {  	v11 =	vmul.f32 v20, v11;
	v13 =	vld [tilespmem:s15+$0xFFFFFF10];
	[tilespmem:s29+$0xFFFFFF80] =	vst v12  }
0x8e: {  	v19 =	vtrunc.f32 v8;
	v12 =	vld [tilespmem:s15+$0xFFFFFF90]  }
0x8f: {  	v19 =	vcvt.f32.s32 v19;
	v9 =	vadd.f32 v11, v9;
	v11 =	vld.idx.msk [tilespmem:v14+s14+$0x0], $0xffff  }
0x90: {  	v14 =	vld.idx.msk [tilespmem:v14+s4+$0x0], $0xffff  }
0x91: {  	v19 =	vshll.u32 v19, $0x7;
	v17 =	vmul.f32 $7.875000000e+00, v17;
	[tilespmem:s29+$0x0] =	vst v9;
	v9 =	vld.idx.msk [tilespmem:v10+s14+$0x0], $0xffff  }
0x92: {  	v19 =	vor.u32 v3, v19;
	v20 =	vld [tilespmem:s15+$0x10]  }
0x93: {  	v17 =	vadd.f32 $9.550000000e+01, v17;
	v13 =	vmul.f32 $7.875000000e+00, v13;
	v10 =	vld.idx.msk [tilespmem:v10+s4+$0x0], $0xffff  }
0x94: {  	v16 =	vmul.f32 $7.875000000e+00, v16;
	v12 =	vmul.f32 $7.875000000e+00, v12  }
0x95: {  	v13 =	vadd.f32 $9.550000000e+01, v13;
	v11 =	vmul.f32 v11, v18;
	v18 =	vtrunc.f32 v17  }
0x96: {  	v18 =	vcvt.f32.s32 v18;
	v9 =	vmul.f32 v9, v15  }
0x97: {  	v11 =	vadd.f32 v11, v14;
	v14 =	vtrunc.f32 v13;
	v15 =	vld.idx.msk [tilespmem:v19+s14+$0x0], $0xffff;
	v20 =	vmul.f32 $7.875000000e+00, v20  }
0x98: {  	v12 =	vadd.f32 $9.550000000e+01, v12;
	v14 =	vcvt.f32.s32 v14;
	v9 =	vadd.f32 v9, v10  }
0x99: {  	[tilespmem:s28+$0xC0] =	vst v11;
	v10 =	vadd.f32 $9.550000000e+01, v16;
	v11 =	vshll.u32 v18, $0x7;
	v18 =	vld.idx.msk [tilespmem:v19+s4+$0x0], $0xffff;
	v19 =	vadd.f32 $9.550000000e+01, v20  }
0x9a: {  	v20 =	vtrunc.f32 v12;
	v16 =	vld [tilespmem:s6+$0xD0];
	v11 =	vor.u32 v3, v11;
	v14 =	vshll.u32 v14, $0x7  }
0x9b: {  	v20 =	vcvt.f32.s32 v20;
	[tilespmem:s29+$0x90] =	vst v9;
	v14 =	vor.u32 v1, v14  }
0x9c: {  	v22 =	vtrunc.f32 v19;
	v21 =	vld [tilespmem:s15+$0xA0];
	v8 =	vmul.f32 v15, v8  }
0x9d: {  	v9 =	vtrunc.f32 v10;
	v15 =	vcvt.f32.s32 v22  }
0x9e: {  	v9 =	vcvt.f32.s32 v9;
	v20 =	vshll.u32 v20, $0x7;
	v8 =	vadd.f32 v8, v18  }
0x9f: {  	v15 =	vshll.u32 v15, $0x7;
	v18 =	vor.u32 v1, v20;
	v16 =	vmul.f32 $7.875000000e+00, v16;
	v22 =	vld.idx.msk [tilespmem:v11+s14+$0x0], $0xffff  }
0xa0: {  	v15 =	vor.u32 v1, v15;
	v20 =	vld.idx.msk [tilespmem:v14+s14+$0x0], $0xffff  }
0xa1: {  	v9 =	vshll.u32 v9, $0x7;
	v11 =	vld.idx.msk [tilespmem:v11+s4+$0x0], $0xffff;
	v16 =	vadd.f32 $9.550000000e+01, v16;
	v21 =	vmul.f32 $7.875000000e+00, v21  }
0xa2: {  	v9 =	vor.u32 v3, v9;
	[tilespmem:s28+$0xFFFFFF30] =	vst v8;
	v8 =	vld.idx.msk [tilespmem:v14+s4+$0x0], $0xffff  }
0xa3: {  	v23 =	vld [tilespmem:s6+$0xFFFFFF40];
	v14 =	vtrunc.f32 v16;
	v21 =	vadd.f32 $9.550000000e+01, v21  }
0xa4: {  	v14 =	vcvt.f32.s32 v14;
	v17 =	vmul.f32 v22, v17;
	v22 =	vld.idx.msk [tilespmem:v18+s14+$0x0], $0xffff  }
0xa5: {  	v25 =	vld.idx.msk [tilespmem:v15+s14+$0x0], $0xffff;
	v24 =	vtrunc.f32 v21;
	v13 =	vmul.f32 v20, v13  }
0xa6: {  	v14 =	vshll.u32 v14, $0x7;
	v20 =	vcvt.f32.s32 v24;
	v11 =	vadd.f32 v17, v11;
	v17 =	vld.idx.msk [tilespmem:v18+s4+$0x0], $0xffff  }
0xa7: {  	v18 =	vld.idx.msk [tilespmem:v9+s14+$0x0], $0xffff;
	v14 =	vor.u32 v5, v14  }
0xa8: {  	v9 =	vld.idx.msk [tilespmem:v9+s4+$0x0], $0xffff;
	v8 =	vadd.f32 v13, v8;
	v13 =	vshll.u32 v20, $0x7  }
0xa9: {  	[tilespmem:s28+$0xFFFFFFB0] =	vst v11;
	v11 =	vld.idx.msk [tilespmem:v15+s4+$0x0], $0xffff;
	v13 =	vor.u32 v2, v13  }
0xaa: {  	v15 =	vld [tilespmem:s6+$0xFFFFFFC0];
	v12 =	vmul.f32 v22, v12;
	[tilespmem:s29+$0xFFFFFF10] =	vst v8  }
0xab: {  	v20 =	vld [tilespmem:s15+$0xFFFFFF20]  }
0xac: {  	v19 =	vmul.f32 v25, v19;
	v12 =	vadd.f32 v12, v17;
	v17 =	vld.idx.msk [tilespmem:v14+s14+$0x0], $0xffff  }
0xad: {  	v14 =	vld.idx.msk [tilespmem:v14+s4+$0x0], $0xffff  }
0xae: {  	v11 =	vadd.f32 v19, v11;
	[tilespmem:s29+$0xFFFFFF90] =	vst v12;
	v12 =	vld.idx.msk [tilespmem:v13+s14+$0x0], $0xffff  }
0xaf: {  	v8 =	vmul.f32 $7.875000000e+00, v23;
	v19 =	vld [tilespmem:s15+$0xFFFFFFA0]  }
0xb0: {  	[tilespmem:s29+$0x10] =	vst v11;
	v11 =	vld.idx.msk [tilespmem:v13+s4+$0x0], $0xffff  }
0xb1: {  	v8 =	vadd.f32 $9.550000000e+01, v8;
	v13 =	vmul.f32 $7.875000000e+00, v15;
	v15 =	vld [tilespmem:s15+$0x20];
	v16 =	vmul.f32 v17, v16  }
0xb2: {  	v10 =	vmul.f32 v18, v10  }
0xb3: {  	v22 =	vtrunc.f32 v8;
	v14 =	vadd.f32 v16, v14;
	v12 =	vmul.f32 v12, v21  }
0xb4: {  	v9 =	vadd.f32 v10, v9;
	v13 =	vadd.f32 $9.550000000e+01, v13;
	v18 =	vmul.f32 $7.875000000e+00, v19  }
0xb5: {  	v20 =	vmul.f32 $7.875000000e+00, v20;
	v17 =	vcvt.f32.s32 v22;
	[tilespmem:s28+$0xD0] =	vst v14;
	v11 =	vadd.f32 v12, v11  }
0xb6: {  	v19 =	vtrunc.f32 v13;
	v12 =	vmul.f32 $7.875000000e+00, v15;
	v15 =	vadd.f32 $9.550000000e+01, v18;
	v18 =	vld [tilespmem:s6+$0xE0]  }
0xb7: {  	v16 =	vadd.f32 $9.550000000e+01, v20;
	v17 =	vshll.u32 v17, $0x7;
	v19 =	vcvt.f32.s32 v19;
	[tilespmem:s29+$0xA0] =	vst v11  }
0xb8: {  	[tilespmem:s28+$0x30] =	vst v9;
	v17 =	vor.u32 v4, v17;
	v10 =	vadd.f32 $9.550000000e+01, v12;
	v11 =	vtrunc.f32 v15;
	v12 =	vld [tilespmem:s15+$0xB0]  }
0xb9: {  	s31 =	simm.s32 $0xC500;
	v20 =	vld [tilespmem:s6+$0x40];
	v14 =	vtrunc.f32 v16;
	v19 =	vshll.u32 v19, $0x7;
	v11 =	vcvt.f32.s32 v11  }
0xba: {  	v29 =	vld [tilespmem:s31+$0xFFFFFF80];
	v14 =	vcvt.f32.s32 v14;
	v9 =	vor.u32 v4, v19  }
0xbb: {  	v31 =	vld [tilespmem:s31+$0xFFFFFF00];
	v19 =	vtrunc.f32 v10;
	v11 =	vshll.u32 v11, $0x7;
	v18 =	vmul.f32 $7.875000000e+00, v18  }
0xbc: {  	v34 =	vld [tilespmem:s31+$0x0];
	v14 =	vshll.u32 v14, $0x7;
	v19 =	vcvt.f32.s32 v19;
	v11 =	vor.u32 v2, v11  }
0xbd: {  	v22 =	vld [tilespmem:s31+$0x80];
	v14 =	vor.u32 v2, v14;
	v18 =	vadd.f32 $9.550000000e+01, v18;
	v12 =	vmul.f32 $7.875000000e+00, v12  }
0xbe: {  	v20 =	vmul.f32 $7.875000000e+00, v20;
	v21 =	vld.idx.msk [tilespmem:v17+s14+$0x0], $0xffff;
	v19 =	vshll.u32 v19, $0x7  }
0xbf: {  	v17 =	vld.idx.msk [tilespmem:v17+s4+$0x0], $0xffff;
	v19 =	vor.u32 v2, v19;
	v24 =	vtrunc.f32 v18;
	v12 =	vadd.f32 $9.550000000e+01, v12  }
0xc0: {  	v23 =	vld.idx.msk [tilespmem:v9+s14+$0x0], $0xffff;
	v24 =	vcvt.f32.s32 v24  }
0xc1: {  	v20 =	vadd.f32 $9.550000000e+01, v20;
	v27 =	vld.idx.msk [tilespmem:v11+s14+$0x0], $0xffff;
	v26 =	vtrunc.f32 v12  }
0xc2: {  	v22 =	vmul.f32 $7.875000000e+00, v22;
	v25 =	vld.idx.msk [tilespmem:v14+s14+$0x0], $0xffff;
	v24 =	vshll.u32 v24, $0x7;
	v26 =	vcvt.f32.s32 v26  }
0xc3: {  	v29 =	vmul.f32 $7.875000000e+00, v29;
	v30 =	vtrunc.f32 v20;
	v11 =	vld.idx.msk [tilespmem:v11+s4+$0x0], $0xffff;
	v24 =	vor.u32 v6, v24  }
0xc4: {  	v22 =	vadd.f32 $9.550000000e+01, v22;
	v30 =	vcvt.f32.s32 v30;
	v28 =	vld.idx.msk [tilespmem:v19+s14+$0x0], $0xffff;
	v26 =	vshll.u32 v26, $0x7  }
0xc5: {  	v29 =	vadd.f32 $9.550000000e+01, v29;
	v14 =	vld.idx.msk [tilespmem:v14+s4+$0x0], $0xffff;
	v26 =	vor.u32 v3, v26  }
0xc6: {  	v32 =	vtrunc.f32 v22;
	v30 =	vshll.u32 v30, $0x7;
	v19 =	vld.idx.msk [tilespmem:v19+s4+$0x0], $0xffff;
	v15 =	vmul.f32 v27, v15  }
0xc7: {  	v32 =	vcvt.f32.s32 v32;
	v9 =	vld.idx.msk [tilespmem:v9+s4+$0x0], $0xffff;
	v30 =	vor.u32 v4, v30;
	v27 =	vtrunc.f32 v29  }
0xc8: {  	v16 =	vmul.f32 v25, v16;
	v11 =	vadd.f32 v15, v11;
	v15 =	vcvt.f32.s32 v27;
	v33 =	vld.idx.msk [tilespmem:v24+s14+$0x0], $0xffff  }
0xc9: {  	v31 =	vmul.f32 $7.875000000e+00, v31;
	v32 =	vshll.u32 v32, $0x7;
	v10 =	vmul.f32 v28, v10;
	v24 =	vld.idx.msk [tilespmem:v24+s4+$0x0], $0xffff  }
0xca: {  	v32 =	vor.u32 v0, v32;
	v14 =	vadd.f32 v16, v14;
	[tilespmem:s29+$0xFFFFFFA0] =	vst v11;
	v15 =	vshll.u32 v15, $0x7;
	v25 =	vld.idx.msk [tilespmem:v26+s14+$0x0], $0xffff  }
0xcb: {  	v10 =	vadd.f32 v10, v19;
	v19 =	vld [tilespmem:s15+$0xFFFFFFB0];
	v15 =	vor.u32 v0, v15  }
0xcc: {  	[tilespmem:s29+$0xFFFFFF20] =	vst v14;
	v14 =	vmul.f32 $7.875000000e+00, v34;
	v16 =	vld.idx.msk [tilespmem:v26+s4+$0x0], $0xffff;
	v26 =	vadd.f32 $9.550000000e+01, v31  }
0xcd: {  	v28 =	vld.idx.msk [tilespmem:v30+s14+$0x0], $0xffff;
	v18 =	vmul.f32 v33, v18  }
0xce: {  	v8 =	vmul.f32 v21, v8;
	v27 =	vld [tilespmem:s15+$0xFFFFFF30];
	v14 =	vadd.f32 $9.550000000e+01, v14;
	v31 =	vtrunc.f32 v26  }
0xcf: {  	v12 =	vmul.f32 v25, v12;
	v11 =	vadd.f32 v18, v24;
	v18 =	vcvt.f32.s32 v31;
	v24 =	vld.idx.msk [tilespmem:v32+s14+$0x0], $0xffff  }
0xd0: {  	v8 =	vadd.f32 v8, v17;
	v17 =	vmul.f32 $7.875000000e+00, v19;
	v19 =	vld.idx.msk [tilespmem:v15+s14+$0x0], $0xffff  }
0xd1: {  	v12 =	vadd.f32 v12, v16;
	[tilespmem:s28+$0xE0] =	vst v11;
	v11 =	vtrunc.f32 v14;
	v16 =	vshll.u32 v18, $0x7;
	v18 =	vld.idx.msk [tilespmem:v32+s4+$0x0], $0xffff  }
0xd2: {  	v15 =	vld.idx.msk [tilespmem:v15+s4+$0x0], $0xffff;
	v11 =	vcvt.f32.s32 v11;
	v16 =	vor.u32 v0, v16  }
0xd3: {  	v13 =	vmul.f32 v23, v13;
	v25 =	vld [tilespmem:s6+$0xF0];
	[tilespmem:s29+$0xB0] =	vst v12  }
0xd4: {  	[tilespmem:s29+$0x20] =	vst v10;
	v10 =	vld [tilespmem:s15+$0xC0];
	v11 =	vshll.u32 v11, $0x7;
	v21 =	vmul.f32 v24, v22  }
0xd5: {  	v13 =	vadd.f32 v13, v9;
	v23 =	vmul.f32 $7.875000000e+00, v27;
	v12 =	vld [tilespmem:s15+$0x30];
	v11 =	vor.u32 v0, v11  }
0xd6: {  	v17 =	vadd.f32 $9.550000000e+01, v17;
	v22 =	vld.idx.msk [tilespmem:v30+s4+$0x0], $0xffff;
	v18 =	vadd.f32 v21, v18  }
0xd7: {  	s30 =	simm.s32 $0x14500;
	[tilespmem:s28+$0xFFFFFFC0] =	vst v13;
	v20 =	vmul.f32 v28, v20;
	v13 =	vmul.f32 v19, v29;
	v21 =	vadd.f32 $9.550000000e+01, v23;
	v23 =	vld.idx.msk [tilespmem:v16+s14+$0x0], $0xffff  }
0xd8: {  	v9 =	vmul.f32 $7.875000000e+00, v25;
	v16 =	vld.idx.msk [tilespmem:v16+s4+$0x0], $0xffff;
	v25 =	vtrunc.f32 v17;
	[tilespmem:s30+$0x80] =	vst v18  }
0xd9: {  	v18 =	vtrunc.f32 v21;
	v10 =	vmul.f32 $7.875000000e+00, v10;
	v24 =	vld [tilespmem:s31+$0x90]  }
0xda: {  	v12 =	vmul.f32 $7.875000000e+00, v12;
	v9 =	vadd.f32 $9.550000000e+01, v9;
	v18 =	vcvt.f32.s32 v18;
	v27 =	vld.idx.msk [tilespmem:v11+s14+$0x0], $0xffff  }
0xdb: {  	v28 =	vadd.f32 $9.550000000e+01, v10;
	v10 =	vadd.f32 v20, v22;
	v20 =	vcvt.f32.s32 v25  }
0xdc: {  	[tilespmem:s28+$0xFFFFFF40] =	vst v8;
	v11 =	vld.idx.msk [tilespmem:v11+s4+$0x0], $0xffff;
	v22 =	vtrunc.f32 v9;
	v8 =	vshll.u32 v18, $0x7;
	v18 =	vmul.f32 v23, v26  }
0xdd: {  	v26 =	vor.u32 v3, v8;
	v8 =	vcvt.f32.s32 v22;
	v23 =	vtrunc.f32 v28  }
0xde: {  	v25 =	vld [tilespmem:s6+$0xFFFFFF50];
	v22 =	vcvt.f32.s32 v23;
	v16 =	vadd.f32 v18, v16;
	v18 =	vmul.f32 $7.875000000e+00, v24  }
0xdf: {  	s1 =	simm.s32 $0xC700;
	v13 =	vadd.f32 v13, v15;
	[tilespmem:s28+$0x40] =	vst v10;
	v10 =	vmul.f32 v27, v14  }
0xe0: {  	v37 =	vld [tilespmem:s1+$0xFFFFFF80];
	v12 =	vadd.f32 $9.550000000e+01, v12;
	v14 =	vshll.u32 v22, $0x7;
	[tilespmem:s30+$0xFFFFFF00] =	vst v16;
	v15 =	vadd.f32 $9.550000000e+01, v18  }
0xe1: {  	v14 =	vor.u32 v4, v14;
	v10 =	vadd.f32 v10, v11;
	v11 =	vld [tilespmem:s31+$0xFFFFFF10]  }
0xe2: {  	v19 =	vld [tilespmem:s6+$0xFFFFFFD0];
	[tilespmem:s30+$0xFFFFFF80] =	vst v13;
	v23 =	vtrunc.f32 v12;
	v13 =	vtrunc.f32 v15  }
0xe3: {  	v24 =	vld [tilespmem:s31+$0xFFFFFF90];
	v16 =	vmul.f32 $7.875000000e+00, v25;
	v18 =	vshll.u32 v20, $0x7;
	[tilespmem:s30+$0x0] =	vst v10;
	v10 =	vcvt.f32.s32 v13  }
0xe4: {  	v20 =	vld.idx.msk [tilespmem:v26+s14+$0x0], $0xffff;
	v18 =	vor.u32 v3, v18;
	v13 =	vcvt.f32.s32 v23  }
0xe5: {  	v16 =	vadd.f32 $9.550000000e+01, v16;
	v23 =	vld [tilespmem:s31+$0x10];
	v27 =	vshll.u32 v10, $0x7  }
0xe6: {  	v13 =	vshll.u32 v13, $0x7;
	v25 =	vld.idx.msk [tilespmem:v14+s14+$0x0], $0xffff;
	v11 =	vmul.f32 $7.875000000e+00, v11;
	v27 =	vor.u32 v1, v27  }
0xe7: {  	v26 =	vld.idx.msk [tilespmem:v26+s4+$0x0], $0xffff;
	v13 =	vor.u32 v3, v13  }
0xe8: {  	v24 =	vmul.f32 $7.875000000e+00, v24;
	v29 =	vtrunc.f32 v16;
	v14 =	vld.idx.msk [tilespmem:v14+s4+$0x0], $0xffff;
	v11 =	vadd.f32 $9.550000000e+01, v11  }
0xe9: {  	v29 =	vcvt.f32.s32 v29;
	v30 =	vld.idx.msk [tilespmem:v18+s14+$0x0], $0xffff  }
0xea: {  	v24 =	vadd.f32 $9.550000000e+01, v24;
	v18 =	vld.idx.msk [tilespmem:v18+s4+$0x0], $0xffff;
	v23 =	vmul.f32 $7.875000000e+00, v23;
	v31 =	vtrunc.f32 v11  }
0xeb: {  	v25 =	vmul.f32 v25, v28;
	v28 =	vshll.u32 v29, $0x7;
	v29 =	vcvt.f32.s32 v31;
	v31 =	vld.idx.msk [tilespmem:v27+s14+$0x0], $0xffff  }
0xec: {  	v19 =	vmul.f32 $7.875000000e+00, v19;
	v20 =	vmul.f32 v20, v21;
	v42 =	vld.idx.msk [tilespmem:v13+s14+$0x0], $0xffff  }
0xed: {  	v21 =	vtrunc.f32 v24;
	v23 =	vadd.f32 $9.550000000e+01, v23;
	v27 =	vld.idx.msk [tilespmem:v27+s4+$0x0], $0xffff;
	v14 =	vadd.f32 v25, v14  }
0xee: {  	v21 =	vcvt.f32.s32 v21;
	v13 =	vld.idx.msk [tilespmem:v13+s4+$0x0], $0xffff;
	v17 =	vmul.f32 v30, v17;
	v25 =	vshll.u32 v29, $0x7  }
0xef: {  	v22 =	vld [tilespmem:s6+$0x50];
	v29 =	vtrunc.f32 v23;
	v25 =	vor.u32 v1, v25;
	[tilespmem:s29+$0xC0] =	vst v14;
	v14 =	vadd.f32 v20, v26  }
0xf0: {  	v19 =	vadd.f32 $9.550000000e+01, v19;
	v17 =	vadd.f32 v17, v18;
	v20 =	vcvt.f32.s32 v29;
	v26 =	vld [tilespmem:s15+$0xD0]  }
0xf1: {  	v49 =	vld [tilespmem:s1+$0xFFFFFF00];
	v21 =	vshll.u32 v21, $0x7;
	v15 =	vmul.f32 v31, v15;
	v12 =	vmul.f32 v42, v12;
	[tilespmem:s29+$0xFFFFFF30] =	vst v14  }
0xf2: {  	[tilespmem:s29+$0xFFFFFFB0] =	vst v17;
	v14 =	vshll.u32 v20, $0x7;
	v20 =	vor.u32 v1, v21;
	v31 =	vld [tilespmem:s15+$0xFFFFFF40]  }
0xf3: {  	v21 =	vtrunc.f32 v19;
	v15 =	vadd.f32 v15, v27;
	v12 =	vadd.f32 v12, v13;
	v13 =	vld [tilespmem:s15+$0xFFFFFFC0]  }
0xf4: {  	v22 =	vmul.f32 $7.875000000e+00, v22;
	v14 =	vor.u32 v1, v14;
	v21 =	vcvt.f32.s32 v21;
	v27 =	vld.idx.msk [tilespmem:v25+s14+$0x0], $0xffff  }
0xf5: {  	v28 =	vor.u32 v5, v28;
	v25 =	vld.idx.msk [tilespmem:v25+s4+$0x0], $0xffff;
	[tilespmem:s30+$0x90] =	vst v15;
	v26 =	vmul.f32 $7.875000000e+00, v26  }
0xf6: {  	v15 =	vshll.u32 v21, $0x7;
	v21 =	vadd.f32 $9.550000000e+01, v22;
	v22 =	vld [tilespmem:s31+$0xA0]  }
0xf7: {  	v18 =	vld.idx.msk [tilespmem:v20+s14+$0x0], $0xffff;
	v26 =	vadd.f32 $9.550000000e+01, v26  }
0xf8: {  	v17 =	vld.idx.msk [tilespmem:v20+s4+$0x0], $0xffff  }
0xf9: {  	v15 =	vor.u32 v5, v15;
	v43 =	vtrunc.f32 v21;
	v30 =	vld.idx.msk [tilespmem:v14+s14+$0x0], $0xffff;
	v20 =	vtrunc.f32 v26  }
0xfa: {  	v29 =	vld.idx.msk [tilespmem:v28+s14+$0x0], $0xffff;
	v32 =	vcvt.f32.s32 v43;
	v20 =	vcvt.f32.s32 v20  }
0xfb: {  	v8 =	vshll.u32 v8, $0x7;
	v14 =	vld.idx.msk [tilespmem:v14+s4+$0x0], $0xffff;
	v11 =	vmul.f32 v27, v11;
	v22 =	vmul.f32 $7.875000000e+00, v22  }
0xfc: {  	v28 =	vld.idx.msk [tilespmem:v28+s4+$0x0], $0xffff;
	[tilespmem:s29+$0x30] =	vst v12;
	v12 =	vmul.f32 $7.875000000e+00, v31;
	v18 =	vmul.f32 v18, v24;
	v20 =	vshll.u32 v20, $0x7  }
0xfd: {  	v11 =	vadd.f32 v11, v25;
	v24 =	vld [tilespmem:s15+$0x40];
	v22 =	vadd.f32 $9.550000000e+01, v22;
	v20 =	vor.u32 v5, v20  }
0xfe: {  	v13 =	vmul.f32 $7.875000000e+00, v13;
	v27 =	vld.idx.msk [tilespmem:v15+s14+$0x0], $0xffff;
	v23 =	vmul.f32 v30, v23;
	v17 =	vadd.f32 v18, v17  }
0xff: {  	v12 =	vadd.f32 $9.550000000e+01, v12;
	v25 =	vshll.u32 v32, $0x7;
	v15 =	vld.idx.msk [tilespmem:v15+s4+$0x0], $0xffff;
	[tilespmem:s30+$0xFFFFFF10] =	vst v11;
	v11 =	vtrunc.f32 v22  }
0x100: {  	v18 =	vor.u32 v5, v25;
	v25 =	vld [tilespmem:s31+$0xFFFFFF20];
	v14 =	vadd.f32 v23, v14;
	[tilespmem:s30+$0xFFFFFF90] =	vst v17;
	v11 =	vcvt.f32.s32 v11  }
0x101: {  	v8 =	vor.u32 v7, v8;
	v16 =	vmul.f32 v29, v16;
	v29 =	vadd.f32 $9.550000000e+01, v13;
	v23 =	vld [tilespmem:s31+$0xFFFFFFA0]  }
0x102: {  	v17 =	vtrunc.f32 v12;
	v13 =	vmul.f32 $7.875000000e+00, v24;
	[tilespmem:s30+$0x10] =	vst v14;
	v11 =	vshll.u32 v11, $0x7;
	v14 =	vld.idx.msk [tilespmem:v20+s14+$0x0], $0xffff  }
0x103: {  	v19 =	vmul.f32 v27, v19;
	v17 =	vcvt.f32.s32 v17;
	v24 =	vld [tilespmem:s31+$0x20];
	v11 =	vor.u32 v2, v11  }
0x104: {  	v16 =	vadd.f32 v16, v28;
	v27 =	vtrunc.f32 v29;
	v28 =	vadd.f32 $9.550000000e+01, v13;
	v13 =	vld.idx.msk [tilespmem:v20+s4+$0x0], $0xffff  }
0x105: {  	v15 =	vadd.f32 v19, v15;
	v19 =	vcvt.f32.s32 v27;
	v20 =	vld.idx.msk [tilespmem:v18+s14+$0x0], $0xffff;
	v17 =	vshll.u32 v17, $0x7  }
0x106: {  	v10 =	vld.idx.msk [tilespmem:v8+s14+$0x0], $0xffff;
	v25 =	vmul.f32 $7.875000000e+00, v25;
	v17 =	vor.u32 v4, v17  }
0x107: {  	[tilespmem:s28+$0xFFFFFF50] =	vst v16;
	v16 =	vld.idx.msk [tilespmem:v18+s4+$0x0], $0xffff;
	v19 =	vshll.u32 v19, $0x7;
	v18 =	vtrunc.f32 v28;
	v14 =	vmul.f32 v14, v26  }
0x108: {  	[tilespmem:s28+$0xFFFFFFD0] =	vst v15;
	v15 =	vor.u32 v4, v19;
	v19 =	vadd.f32 $9.550000000e+01, v25;
	v23 =	vmul.f32 $7.875000000e+00, v23;
	v25 =	vld.idx.msk [tilespmem:v11+s14+$0x0], $0xffff  }
0x109: {  	v27 =	vld [tilespmem:s6+$0xFFFFFF60];
	v18 =	vcvt.f32.s32 v18;
	v24 =	vmul.f32 $7.875000000e+00, v24;
	v13 =	vadd.f32 v14, v13  }
0x10a: {  	v23 =	vadd.f32 $9.550000000e+01, v23;
	v11 =	vld.idx.msk [tilespmem:v11+s4+$0x0], $0xffff;
	v14 =	vmul.f32 v20, v21  }
0x10b: {  	v26 =	vld [tilespmem:s6+$0xFFFFFFE0];
	v18 =	vshll.u32 v18, $0x7;
	v24 =	vadd.f32 $9.550000000e+01, v24;
	v20 =	vtrunc.f32 v19;
	[tilespmem:s29+$0xD0] =	vst v13  }
0x10c: {  	v20 =	vcvt.f32.s32 v20;
	v13 =	vadd.f32 v14, v16;
	v14 =	vor.u32 v4, v18;
	v18 =	vld [tilespmem:s15+$0xE0]  }
0x10d: {  	v21 =	vld.idx.msk [tilespmem:v17+s14+$0x0], $0xffff;
	v30 =	vtrunc.f32 v23;
	v22 =	vmul.f32 v25, v22  }
0x10e: {  	v17 =	vld.idx.msk [tilespmem:v17+s4+$0x0], $0xffff;
	v16 =	vcvt.f32.s32 v30;
	v30 =	vtrunc.f32 v24;
	v20 =	vshll.u32 v20, $0x7  }
0x10f: {  	v25 =	vld.idx.msk [tilespmem:v15+s14+$0x0], $0xffff;
	v30 =	vcvt.f32.s32 v30;
	v20 =	vor.u32 v2, v20;
	v11 =	vadd.f32 v22, v11  }
0x110: {  	v15 =	vld.idx.msk [tilespmem:v15+s4+$0x0], $0xffff;
	[tilespmem:s28+$0x50] =	vst v13;
	v13 =	vshll.u32 v16, $0x7;
	v16 =	vmul.f32 $7.875000000e+00, v27  }
0x111: {  	v22 =	vld [tilespmem:s6+$0x60];
	v27 =	vor.u32 v2, v13;
	v13 =	vshll.u32 v30, $0x7;
	[tilespmem:s30+$0xA0] =	vst v11;
	v18 =	vmul.f32 $7.875000000e+00, v18  }
0x112: {  	v12 =	vmul.f32 v21, v12;
	v30 =	vor.u32 v2, v13;
	v13 =	vadd.f32 $9.550000000e+01, v16;
	v11 =	vld [tilespmem:s31+$0xB0]  }
0x113: {  	v31 =	vld.idx.msk [tilespmem:v14+s14+$0x0], $0xffff;
	v18 =	vadd.f32 $9.550000000e+01, v18  }
0x114: {  	v26 =	vmul.f32 $7.875000000e+00, v26;
	v12 =	vadd.f32 v12, v17;
	v44 =	vtrunc.f32 v13;
	v16 =	vld.idx.msk [tilespmem:v20+s14+$0x0], $0xffff  }
0x115: {  	v20 =	vld.idx.msk [tilespmem:v20+s4+$0x0], $0xffff;
	v21 =	vcvt.f32.s32 v44;
	v46 =	vtrunc.f32 v18  }
0x116: {  	v25 =	vmul.f32 v25, v29;
	[tilespmem:s29+$0xFFFFFF40] =	vst v12;
	v12 =	vld.idx.msk [tilespmem:v14+s4+$0x0], $0xffff;
	v33 =	vcvt.f32.s32 v46  }
0x117: {  	v14 =	vadd.f32 $9.550000000e+01, v26;
	v45 =	vld.idx.msk [tilespmem:v27+s14+$0x0], $0xffff;
	v17 =	vshll.u32 v21, $0x7;
	v11 =	vmul.f32 $7.875000000e+00, v11  }
0x118: {  	v15 =	vadd.f32 v25, v15;
	v21 =	vld.idx.msk [tilespmem:v27+s4+$0x0], $0xffff;
	v27 =	vor.u32 v6, v17;
	v17 =	vshll.u32 v33, $0x7  }
0x119: {  	v26 =	vld [tilespmem:s1+$0x80];
	v48 =	vtrunc.f32 v14;
	v11 =	vadd.f32 $9.550000000e+01, v11;
	v25 =	vor.u32 v6, v17  }
0x11a: {  	v29 =	vld.idx.msk [tilespmem:v30+s14+$0x0], $0xffff;
	v28 =	vmul.f32 v31, v28;
	v31 =	vmul.f32 $7.875000000e+00, v37  }
0x11b: {  	v30 =	vld.idx.msk [tilespmem:v30+s4+$0x0], $0xffff;
	[tilespmem:s29+$0xFFFFFFC0] =	vst v15;
	v34 =	vcvt.f32.s32 v48;
	v47 =	vtrunc.f32 v11  }
0x11c: {  	v35 =	vld [tilespmem:s15+$0xFFFFFFD0];
	v12 =	vadd.f32 v28, v12;
	v31 =	vadd.f32 $9.550000000e+01, v31;
	v33 =	vcvt.f32.s32 v47  }
0x11d: {  	v16 =	vmul.f32 v16, v19;
	v17 =	vmul.f32 $7.875000000e+00, v22;
	v22 =	vld [tilespmem:s15+$0xFFFFFF50]  }
0x11e: {  	v23 =	vmul.f32 v45, v23;
	[tilespmem:s29+$0x40] =	vst v12;
	v12 =	vtrunc.f32 v31;
	v33 =	vshll.u32 v33, $0x7;
	v19 =	vld.idx.msk [tilespmem:v25+s14+$0x0], $0xffff  }
0x11f: {  	v16 =	vadd.f32 v16, v20;
	v51 =	vld [tilespmem:s15+$0x50];
	v12 =	vcvt.f32.s32 v12;
	v33 =	vor.u32 v3, v33  }
0x120: {  	v21 =	vadd.f32 v23, v21;
	v20 =	vld.idx.msk [tilespmem:v25+s4+$0x0], $0xffff;
	v25 =	vmul.f32 $7.875000000e+00, v26  }
0x121: {  	v34 =	vshll.u32 v34, $0x7;
	v24 =	vmul.f32 v29, v24;
	[tilespmem:s30+$0xFFFFFF20] =	vst v16;
	v16 =	vld [tilespmem:s1+$0x0];
	v12 =	vshll.u32 v12, $0x7  }
0x122: {  	v15 =	vadd.f32 $9.550000000e+01, v17;
	v17 =	vld.idx.msk [tilespmem:v27+s14+$0x0], $0xffff;
	[tilespmem:s30+$0xFFFFFFA0] =	vst v21;
	v53 =	vor.u32 v0, v12;
	v25 =	vadd.f32 $9.550000000e+01, v25  }
0x123: {  	v34 =	vor.u32 v6, v34;
	v28 =	vld [tilespmem:s31+$0xFFFFFFB0];
	v19 =	vmul.f32 v19, v18  }
0x124: {  	v23 =	vadd.f32 v24, v30;
	v21 =	vmul.f32 $7.875000000e+00, v49;
	v24 =	vtrunc.f32 v25;
	v30 =	vld.idx.msk [tilespmem:v33+s14+$0x0], $0xffff  }
0x125: {  	v29 =	vld [tilespmem:s31+$0xFFFFFF30];
	v36 =	vtrunc.f32 v15;
	v19 =	vadd.f32 v19, v20;
	v20 =	vcvt.f32.s32 v24  }
0x126: {  	[tilespmem:s30+$0x20] =	vst v23;
	v23 =	vadd.f32 $9.550000000e+01, v21;
	v16 =	vmul.f32 $7.875000000e+00, v16;
	v24 =	vmul.f32 $7.875000000e+00, v22;
	v22 =	vld.idx.msk [tilespmem:v33+s4+$0x0], $0xffff  }
0x127: {  	v36 =	vcvt.f32.s32 v36;
	v40 =	vld.idx.msk [tilespmem:v53+s14+$0x0], $0xffff;
	[tilespmem:s29+$0xE0] =	vst v19;
	v19 =	vshll.u32 v20, $0x7  }
0x128: {  	v50 =	vadd.f32 $9.550000000e+01, v16;
	v16 =	vtrunc.f32 v23;
	v21 =	vld [tilespmem:s15+$0xF0];
	v19 =	vor.u32 v0, v19  }
0x129: {  	v26 =	vshll.u32 v36, $0x7;
	v28 =	vmul.f32 $7.875000000e+00, v28;
	v36 =	vld.idx.msk [tilespmem:v53+s4+$0x0], $0xffff;
	v11 =	vmul.f32 v30, v11  }
0x12a: {  	v26 =	vor.u32 v6, v26;
	v18 =	vld.idx.msk [tilespmem:v34+s14+$0x0], $0xffff;
	v16 =	vcvt.f32.s32 v16;
	v52 =	vtrunc.f32 v50  }
0x12b: {  	v28 =	vadd.f32 $9.550000000e+01, v28;
	v20 =	vmul.f32 $7.875000000e+00, v29;
	v29 =	vld [tilespmem:s31+$0x30];
	v11 =	vadd.f32 v11, v22  }
0x12c: {  	v35 =	vmul.f32 $7.875000000e+00, v35;
	v22 =	vld.idx.msk [tilespmem:v27+s4+$0x0], $0xffff;
	v27 =	vcvt.f32.s32 v52  }
0x12d: {  	v12 =	vshll.u32 v16, $0x7;
	v39 =	vtrunc.f32 v28;
	[tilespmem:s30+$0xB0] =	vst v11;
	v16 =	vmul.f32 $7.875000000e+00, v21;
	v54 =	vld.idx.msk [tilespmem:v19+s14+$0x0], $0xffff  }
0x12e: {  	v30 =	vadd.f32 $9.550000000e+01, v20;
	v11 =	vshll.u32 v27, $0x7;
	v27 =	vor.u32 v0, v12;
	v38 =	vld [tilespmem:s31+$0xC0]  }
0x12f: {  	v56 =	vcvt.f32.s32 v39;
	v11 =	vor.u32 v0, v11;
	v12 =	vadd.f32 $9.550000000e+01, v16;
	v16 =	vld.idx.msk [tilespmem:v19+s4+$0x0], $0xffff  }
0x130: {  	v31 =	vmul.f32 v40, v31;
	v20 =	vld.idx.msk [tilespmem:v26+s14+$0x0], $0xffff;
	v19 =	vtrunc.f32 v30  }
0x131: {  	v29 =	vmul.f32 $7.875000000e+00, v29;
	v21 =	vld.idx.msk [tilespmem:v34+s4+$0x0], $0xffff;
	v55 =	vcvt.f32.s32 v19  }
0x132: {  	v35 =	vadd.f32 $9.550000000e+01, v35;
	v19 =	vld.idx.msk [tilespmem:v26+s4+$0x0], $0xffff;
	v26 =	vtrunc.f32 v12;
	v25 =	vmul.f32 v54, v25  }
0x133: {  	v57 =	vld.idx.msk [tilespmem:v27+s14+$0x0], $0xffff;
	v26 =	vcvt.f32.s32 v26;
	v34 =	vshll.u32 v55, $0x7;
	v38 =	vmul.f32 $7.875000000e+00, v38  }
0x134: {  	v29 =	vadd.f32 $9.550000000e+01, v29;
	v41 =	vld.idx.msk [tilespmem:v11+s14+$0x0], $0xffff;
	v34 =	vor.u32 v3, v34;
	v16 =	vadd.f32 v25, v16  }
0x135: {  	s0 =	simm.s32 $0x14700;
	v31 =	vadd.f32 v31, v36;
	v27 =	vld.idx.msk [tilespmem:v27+s4+$0x0], $0xffff;
	v26 =	vshll.u32 v26, $0x7;
	v58 =	vadd.f32 $9.550000000e+01, v38  }
0x136: {  	v52 =	vtrunc.f32 v35;
	v59 =	vtrunc.f32 v29;
	v43 =	vld.idx.msk [tilespmem:v11+s4+$0x0], $0xffff;
	v26 =	vor.u32 v7, v26;
	[tilespmem:s0+$0x80] =	vst v16  }
0x137: {  	[tilespmem:s0+$0xFFFFFF80] =	vst v31;
	v16 =	vcvt.f32.s32 v59;
	v42 =	vtrunc.f32 v58;
	v60 =	vld [tilespmem:s1+$0x90]  }
0x138: {  	v54 =	vld [tilespmem:s1+$0xFFFFFF90];
	v25 =	vshll.u32 v56, $0x7;
	v11 =	vmul.f32 v57, v23;
	v23 =	vcvt.f32.s32 v42  }
0x139: {  	v38 =	vcvt.f32.s32 v52;
	v25 =	vor.u32 v3, v25;
	v32 =	vmul.f32 v41, v50;
	v61 =	vld.idx.msk [tilespmem:v34+s14+$0x0], $0xffff  }
0x13a: {  	v16 =	vshll.u32 v16, $0x7;
	v27 =	vadd.f32 v11, v27;
	v34 =	vld.idx.msk [tilespmem:v34+s4+$0x0], $0xffff;
	v11 =	vshll.u32 v23, $0x7  }
0x13b: {  	v62 =	vor.u32 v3, v16;
	v23 =	vmul.f32 $7.875000000e+00, v51;
	v16 =	vld.idx.msk [tilespmem:v26+s14+$0x0], $0xffff;
	v51 =	vor.u32 v4, v11  }
0x13c: {  	v31 =	vadd.f32 v32, v43;
	v11 =	vld.idx.msk [tilespmem:v26+s4+$0x0], $0xffff;
	[tilespmem:s0+$0xFFFFFF00] =	vst v27;
	v26 =	vmul.f32 $7.875000000e+00, v60  }
0x13d: {  	v24 =	vadd.f32 $9.550000000e+01, v24;
	v38 =	vshll.u32 v38, $0x7;
	v53 =	vld [tilespmem:s1+$0xFFFFFF10]  }
0x13e: {  	v38 =	vor.u32 v5, v38;
	v32 =	vmul.f32 $7.875000000e+00, v54;
	v63 =	vld.idx.msk [tilespmem:v25+s14+$0x0], $0xffff;
	[tilespmem:s0+$0x0] =	vst v31;
	v26 =	vadd.f32 $9.550000000e+01, v26  }
0x13f: {  	v27 =	vtrunc.f32 v24;
	v45 =	vld [tilespmem:s1+$0x10]  }
0x140: {  	v27 =	vcvt.f32.s32 v27;
	v32 =	vadd.f32 $9.550000000e+01, v32;
	v44 =	vld.idx.msk [tilespmem:v51+s14+$0x0], $0xffff;
	v31 =	vtrunc.f32 v26  }
0x141: {  	v25 =	vld.idx.msk [tilespmem:v25+s4+$0x0], $0xffff;
	v30 =	vmul.f32 v61, v30;
	v31 =	vcvt.f32.s32 v31  }
0x142: {  	v27 =	vshll.u32 v27, $0x7;
	v48 =	vtrunc.f32 v32;
	v36 =	vld.idx.msk [tilespmem:v51+s4+$0x0], $0xffff;
	v41 =	vmul.f32 $7.875000000e+00, v53  }
0x143: {  	v47 =	vld.idx.msk [tilespmem:v38+s14+$0x0], $0xffff;
	v27 =	vor.u32 v5, v27;
	v30 =	vadd.f32 v30, v34;
	v31 =	vshll.u32 v31, $0x7  }
0x144: {  	v38 =	vld.idx.msk [tilespmem:v38+s4+$0x0], $0xffff;
	v57 =	vmul.f32 $7.875000000e+00, v45;
	v41 =	vadd.f32 $9.550000000e+01, v41;
	v31 =	vor.u32 v1, v31  }
0x145: {  	v56 =	vld.idx.msk [tilespmem:v62+s14+$0x0], $0xffff;
	v59 =	vcvt.f32.s32 v48;
	v37 =	vmul.f32 v44, v58  }
0x146: {  	v40 =	vld.idx.msk [tilespmem:v62+s4+$0x0], $0xffff;
	v28 =	vmul.f32 v63, v28;
	[tilespmem:s30+$0xFFFFFF30] =	vst v30;
	v60 =	vadd.f32 $9.550000000e+01, v57;
	v46 =	vtrunc.f32 v41  }
0x147: {  	v50 =	vld [tilespmem:s31+$0xFFFFFF40];
	v44 =	vshll.u32 v59, $0x7;
	v46 =	vcvt.f32.s32 v46;
	v36 =	vadd.f32 v37, v36  }
0x148: {  	v25 =	vadd.f32 v28, v25;
	v58 =	vld.idx.msk [tilespmem:v27+s14+$0x0], $0xffff;
	v28 =	vor.u32 v1, v44  }
0x149: {  	v49 =	vtrunc.f32 v60;
	v61 =	vshll.u32 v46, $0x7;
	[tilespmem:s30+$0xC0] =	vst v36;
	v62 =	vld.idx.msk [tilespmem:v31+s14+$0x0], $0xffff  }
0x14a: {  	v30 =	vcvt.f32.s32 v49;
	v63 =	vor.u32 v1, v61;
	v48 =	vld [tilespmem:s31+$0xD0]  }
0x14b: {  	v23 =	vadd.f32 $9.550000000e+01, v23;
	[tilespmem:s30+$0xFFFFFFB0] =	vst v25;
	v31 =	vld.idx.msk [tilespmem:v31+s4+$0x0], $0xffff  }
0x14c: {  	v25 =	vld [tilespmem:s31+$0xFFFFFFC0];
	v30 =	vshll.u32 v30, $0x7  }
0x14d: {  	v13 =	vmul.f32 v17, v13;
	v55 =	vtrunc.f32 v23;
	v30 =	vor.u32 v1, v30;
	v51 =	vld.idx.msk [tilespmem:v28+s14+$0x0], $0xffff  }
0x14e: {  	v42 =	vcvt.f32.s32 v55;
	v28 =	vld.idx.msk [tilespmem:v28+s4+$0x0], $0xffff;
	v26 =	vmul.f32 v62, v26  }
0x14f: {  	v15 =	vmul.f32 v20, v15;
	v13 =	vadd.f32 v13, v22;
	v44 =	vld.idx.msk [tilespmem:v63+s14+$0x0], $0xffff;
	v39 =	vmul.f32 $7.875000000e+00, v48  }
0x150: {  	v42 =	vshll.u32 v42, $0x7;
	v29 =	vmul.f32 v56, v29;
	v27 =	vld.idx.msk [tilespmem:v27+s4+$0x0], $0xffff;
	v26 =	vadd.f32 v26, v31  }
0x151: {  	v42 =	vor.u32 v5, v42;
	v25 =	vmul.f32 $7.875000000e+00, v25;
	v31 =	vld.idx.msk [tilespmem:v63+s4+$0x0], $0xffff;
	v52 =	vadd.f32 $9.550000000e+01, v39  }
0x152: {  	v29 =	vadd.f32 v29, v40;
	v55 =	vld.idx.msk [tilespmem:v30+s14+$0x0], $0xffff;
	v32 =	vmul.f32 v51, v32;
	[tilespmem:s0+$0x90] =	vst v26  }
0x153: {  	[tilespmem:s28+$0xFFFFFF60] =	vst v13;
	v24 =	vmul.f32 v58, v24;
	v25 =	vadd.f32 $9.550000000e+01, v25;
	v39 =	vtrunc.f32 v52;
	v53 =	vld [tilespmem:s1+$0xA0]  }
0x154: {  	[tilespmem:s30+$0x30] =	vst v29;
	v29 =	vld.idx.msk [tilespmem:v30+s4+$0x0], $0xffff;
	v28 =	vadd.f32 v32, v28;
	v54 =	vmul.f32 v44, v41;
	v39 =	vcvt.f32.s32 v39  }
0x155: {  	v20 =	vld [tilespmem:s6+$0xFFFFFF70];
	v35 =	vmul.f32 v47, v35;
	v24 =	vadd.f32 v24, v27;
	v26 =	vmul.f32 $7.875000000e+00, v50  }
0x156: {  	v37 =	vld.idx.msk [tilespmem:v42+s14+$0x0], $0xffff;
	[tilespmem:s0+$0xFFFFFF90] =	vst v28;
	v28 =	vtrunc.f32 v25;
	v30 =	vadd.f32 v54, v31;
	v31 =	vshll.u32 v39, $0x7  }
0x157: {  	v57 =	vld.idx.msk [tilespmem:v42+s4+$0x0], $0xffff;
	[tilespmem:s29+$0xFFFFFF50] =	vst v24;
	v24 =	vmul.f32 v55, v60;
	v28 =	vcvt.f32.s32 v28;
	v31 =	vor.u32 v5, v31  }
0x158: {  	v35 =	vadd.f32 v35, v38;
	v27 =	vld [tilespmem:s31+$0x40];
	v26 =	vadd.f32 $9.550000000e+01, v26;
	[tilespmem:s0+$0xFFFFFF10] =	vst v30;
	v30 =	vmul.f32 $7.875000000e+00, v53  }
0x159: {  	v24 =	vadd.f32 v24, v29;
	v22 =	vshll.u32 v28, $0x7;
	v58 =	vld [tilespmem:s1+$0xFFFFFF20]  }
0x15a: {  	[tilespmem:s29+$0xFFFFFFD0] =	vst v35;
	v59 =	vld [tilespmem:s1+$0xFFFFFFA0];
	v56 =	vtrunc.f32 v26;
	v22 =	vor.u32 v4, v22;
	v30 =	vadd.f32 $9.550000000e+01, v30  }
0x15b: {  	v62 =	vld [tilespmem:s15+$0xFFFFFFE0];
	v32 =	vcvt.f32.s32 v56  }
0x15c: {  	[tilespmem:s0+$0x10] =	vst v24;
	v61 =	vld.idx.msk [tilespmem:v31+s14+$0x0], $0xffff;
	v29 =	vtrunc.f32 v30  }
0x15d: {  	v14 =	vmul.f32 v18, v14;
	v13 =	vld [tilespmem:s1+$0x20];
	v17 =	vshll.u32 v32, $0x7;
	v28 =	vcvt.f32.s32 v29  }
0x15e: {  	v23 =	vmul.f32 v37, v23;
	v17 =	vor.u32 v4, v17;
	v24 =	vmul.f32 $7.875000000e+00, v58;
	v29 =	vld.idx.msk [tilespmem:v31+s4+$0x0], $0xffff  }
0x15f: {  	v14 =	vadd.f32 v14, v21;
	v18 =	vmul.f32 $7.875000000e+00, v59;
	v40 =	vld.idx.msk [tilespmem:v22+s14+$0x0], $0xffff;
	v28 =	vshll.u32 v28, $0x7  }
0x160: {  	v42 =	vld.idx.msk [tilespmem:v22+s4+$0x0], $0xffff;
	v22 =	vadd.f32 v23, v57;
	v24 =	vadd.f32 $9.550000000e+01, v24;
	v28 =	vor.u32 v2, v28  }
0x161: {  	[tilespmem:s28+$0xFFFFFFE0] =	vst v14;
	v60 =	vld [tilespmem:s15+$0xFFFFFF60];
	v18 =	vadd.f32 $9.550000000e+01, v18;
	v63 =	vmul.f32 v61, v52  }
0x162: {  	v27 =	vmul.f32 $7.875000000e+00, v27;
	[tilespmem:s29+$0x50] =	vst v22;
	v22 =	vld [tilespmem:s6+$0xFFFFFFF0];
	v37 =	vtrunc.f32 v24  }
0x163: {  	v41 =	vtrunc.f32 v18;
	v31 =	vld.idx.msk [tilespmem:v17+s14+$0x0], $0xffff;
	v34 =	vcvt.f32.s32 v37;
	v29 =	vadd.f32 v63, v29  }
0x164: {  	v13 =	vmul.f32 $7.875000000e+00, v13;
	v21 =	vcvt.f32.s32 v41;
	v17 =	vld.idx.msk [tilespmem:v17+s4+$0x0], $0xffff  }
0x165: {  	v15 =	vadd.f32 v15, v19;
	v27 =	vadd.f32 $9.550000000e+01, v27;
	v23 =	vshll.u32 v34, $0x7;
	[tilespmem:s30+$0xD0] =	vst v29;
	v43 =	vld.idx.msk [tilespmem:v28+s14+$0x0], $0xffff  }
0x166: {  	v21 =	vshll.u32 v21, $0x7;
	v29 =	vadd.f32 $9.550000000e+01, v13;
	v13 =	vor.u32 v2, v23;
	v23 =	vld [tilespmem:s31+$0xE0]  }
0x167: {  	[tilespmem:s28+$0x60] =	vst v15;
	v44 =	vor.u32 v2, v21;
	v28 =	vld.idx.msk [tilespmem:v28+s4+$0x0], $0xffff  }
0x168: {  	v9 =	vmul.f32 v10, v9;
	v19 =	vtrunc.f32 v27;
	v21 =	vld [tilespmem:s6+$0x70];
	s6 =	simm.s32 $0xC900  }
0x169: {  	v14 =	vcvt.f32.s32 v19;
	v55 =	vld [tilespmem:s6+$0xFFFFFF80];
	v19 =	vtrunc.f32 v29  }
0x16a: {  	v10 =	vld [tilespmem:s6+$0x0];
	v15 =	vcvt.f32.s32 v19;
	v19 =	vmul.f32 v43, v30  }
0x16b: {  	v30 =	vld.idx.msk [tilespmem:v13+s14+$0x0], $0xffff;
	v23 =	vmul.f32 $7.875000000e+00, v23  }
0x16c: {  	v46 =	vld.idx.msk [tilespmem:v44+s14+$0x0], $0xffff;
	v15 =	vshll.u32 v15, $0x7;
	v19 =	vadd.f32 v19, v28  }
0x16d: {  	v14 =	vshll.u32 v14, $0x7;
	v15 =	vor.u32 v2, v15;
	v13 =	vld.idx.msk [tilespmem:v13+s4+$0x0], $0xffff;
	v23 =	vadd.f32 $9.550000000e+01, v23  }
0x16e: {  	v20 =	vmul.f32 $7.875000000e+00, v20;
	v49 =	vmul.f32 $7.875000000e+00, v62;
	v14 =	vor.u32 v4, v14;
	v28 =	vld.idx.msk [tilespmem:v44+s4+$0x0], $0xffff;
	[tilespmem:s0+$0xA0] =	vst v19  }
0x16f: {  	v19 =	vmul.f32 v31, v26;
	v31 =	vtrunc.f32 v23;
	v26 =	vld [tilespmem:s1+$0xB0]  }
0x170: {  	v45 =	vld [tilespmem:s15+$0x60];
	v24 =	vmul.f32 v30, v24;
	v30 =	vcvt.f32.s32 v31  }
0x171: {  	v8 =	vld.idx.msk [tilespmem:v8+s4+$0x0], $0xffff;
	v57 =	vmul.f32 $7.875000000e+00, v55;
	v31 =	vmul.f32 $7.875000000e+00, v60;
	v17 =	vadd.f32 v19, v17  }
0x172: {  	v18 =	vmul.f32 v46, v18;
	v48 =	vld.idx.msk [tilespmem:v15+s14+$0x0], $0xffff;
	v13 =	vadd.f32 v24, v13;
	v24 =	vshll.u32 v30, $0x7  }
0x173: {  	v47 =	vld.idx.msk [tilespmem:v14+s14+$0x0], $0xffff;
	v10 =	vmul.f32 $7.875000000e+00, v10;
	v19 =	vadd.f32 $9.550000000e+01, v31;
	[tilespmem:s30+$0xFFFFFF40] =	vst v17;
	v24 =	vor.u32 v6, v24  }
0x174: {  	v14 =	vld.idx.msk [tilespmem:v14+s4+$0x0], $0xffff;
	v17 =	vadd.f32 v18, v28;
	v18 =	vadd.f32 $9.550000000e+01, v49;
	[tilespmem:s0+$0xFFFFFF20] =	vst v13;
	v13 =	vmul.f32 $7.875000000e+00, v26  }
0x175: {  	v15 =	vld.idx.msk [tilespmem:v15+s4+$0x0], $0xffff;
	v30 =	vmul.f32 $7.875000000e+00, v45;
	v26 =	vtrunc.f32 v19  }
0x176: {  	v56 =	vld [tilespmem:s6+$0xFFFFFF00];
	[tilespmem:s0+$0xFFFFFFA0] =	vst v17;
	v17 =	vmul.f32 v40, v25;
	v25 =	vtrunc.f32 v18;
	v51 =	vadd.f32 $9.550000000e+01, v13  }
0x177: {  	v29 =	vmul.f32 v48, v29;
	v26 =	vcvt.f32.s32 v26;
	v13 =	vadd.f32 $9.550000000e+01, v30;
	v30 =	vld [tilespmem:s6+$0x80]  }
0x178: {  	v25 =	vcvt.f32.s32 v25;
	v53 =	vld.idx.msk [tilespmem:v24+s14+$0x0], $0xffff;
	v52 =	vtrunc.f32 v51  }
0x179: {  	v31 =	vld [tilespmem:s1+$0xFFFFFF30];
	v17 =	vadd.f32 v17, v42;
	v26 =	vshll.u32 v26, $0x7;
	v32 =	vcvt.f32.s32 v52  }
0x17a: {  	v15 =	vadd.f32 v29, v15;
	v25 =	vshll.u32 v25, $0x7;
	v24 =	vld.idx.msk [tilespmem:v24+s4+$0x0], $0xffff;
	v26 =	vor.u32 v6, v26  }
0x17b: {  	v28 =	vld [tilespmem:s31+$0xFFFFFF50];
	v54 =	vtrunc.f32 v13;
	v25 =	vor.u32 v6, v25;
	v32 =	vshll.u32 v32, $0x7  }
0x17c: {  	v50 =	vld [tilespmem:s1+$0xFFFFFFB0];
	[tilespmem:s0+$0x20] =	vst v15;
	v29 =	vcvt.f32.s32 v54;
	v30 =	vmul.f32 $7.875000000e+00, v30;
	v32 =	vor.u32 v3, v32  }
0x17d: {  	v15 =	vmul.f32 v16, v12;
	[tilespmem:s30+$0xFFFFFFC0] =	vst v17;
	v16 =	vld [tilespmem:s1+$0x30];
	v17 =	vmul.f32 v53, v23  }
0x17e: {  	v12 =	vshll.u32 v29, $0x7;
	v23 =	vmul.f32 v47, v27;
	v27 =	vld [tilespmem:s31+$0xFFFFFFD0];
	v29 =	vadd.f32 $9.550000000e+01, v30  }
0x17f: {  	v10 =	vadd.f32 $9.550000000e+01, v10;
	v31 =	vmul.f32 $7.875000000e+00, v31;
	v30 =	vld.idx.msk [tilespmem:v26+s14+$0x0], $0xffff;
	v17 =	vadd.f32 v17, v24  }
0x180: {  	v12 =	vor.u32 v6, v12;
	v36 =	vld.idx.msk [tilespmem:v25+s14+$0x0], $0xffff;
	v14 =	vadd.f32 v23, v14;
	v23 =	vtrunc.f32 v29  }
0x181: {  	v33 =	vadd.f32 $9.550000000e+01, v57;
	v24 =	vmul.f32 $7.875000000e+00, v56;
	v23 =	vcvt.f32.s32 v23;
	[tilespmem:s30+$0xE0] =	vst v17;
	v58 =	vld.idx.msk [tilespmem:v32+s14+$0x0], $0xffff  }
0x182: {  	v62 =	vtrunc.f32 v10;
	v34 =	vmul.f32 $7.875000000e+00, v50;
	v31 =	vadd.f32 $9.550000000e+01, v31;
	v59 =	vld [tilespmem:s31+$0xF0]  }
0x183: {  	v38 =	vadd.f32 $9.550000000e+01, v24;
	[tilespmem:s30+$0x40] =	vst v14;
	v17 =	vtrunc.f32 v33;
	v14 =	vld.idx.msk [tilespmem:v32+s4+$0x0], $0xffff;
	v23 =	vshll.u32 v23, $0x7  }
0x184: {  	v47 =	vtrunc.f32 v31;
	v60 =	vld [tilespmem:s31+$0x50];
	v17 =	vcvt.f32.s32 v17;
	v61 =	vor.u32 v0, v23  }
0x185: {  	v34 =	vadd.f32 $9.550000000e+01, v34;
	v16 =	vmul.f32 $7.875000000e+00, v16;
	v24 =	vtrunc.f32 v38;
	v23 =	vld.idx.msk [tilespmem:v12+s14+$0x0], $0xffff  }
0x186: {  	v63 =	vcvt.f32.s32 v24;
	v24 =	vld.idx.msk [tilespmem:v26+s4+$0x0], $0xffff;
	v45 =	vshll.u32 v17, $0x7;
	v35 =	vmul.f32 v58, v51  }
0x187: {  	v50 =	vcvt.f32.s32 v47;
	v26 =	vcvt.f32.s32 v62;
	v17 =	vld.idx.msk [tilespmem:v25+s4+$0x0], $0xffff;
	v25 =	vor.u32 v0, v45  }
0x188: {  	v12 =	vld.idx.msk [tilespmem:v12+s4+$0x0], $0xffff;
	v45 =	vmul.f32 $7.875000000e+00, v21;
	v46 =	vshll.u32 v63, $0x7;
	v35 =	vadd.f32 v35, v14  }
0x189: {  	v26 =	vshll.u32 v26, $0x7;
	v39 =	vmul.f32 $7.875000000e+00, v59;
	v37 =	vor.u32 v0, v46;
	v49 =	vld.idx.msk [tilespmem:v61+s14+$0x0], $0xffff  }
0x18a: {  	v48 =	vor.u32 v0, v26;
	v26 =	vadd.f32 $9.550000000e+01, v16;
	v51 =	vtrunc.f32 v34;
	v40 =	vld.idx.msk [tilespmem:v61+s4+$0x0], $0xffff;
	[tilespmem:s0+$0xB0] =	vst v35  }
0x18b: {  	v21 =	vcvt.f32.s32 v51;
	v14 =	vadd.f32 $9.550000000e+01, v39;
	v39 =	vshll.u32 v50, $0x7;
	v16 =	vld [tilespmem:s1+$0xC0]  }
0x18c: {  	v27 =	vmul.f32 $7.875000000e+00, v27;
	v19 =	vmul.f32 v30, v19;
	v52 =	vld.idx.msk [tilespmem:v25+s14+$0x0], $0xffff;
	v39 =	vor.u32 v3, v39  }
0x18d: {  	v21 =	vshll.u32 v21, $0x7;
	v25 =	vld.idx.msk [tilespmem:v25+s4+$0x0], $0xffff;
	v35 =	vmul.f32 $7.875000000e+00, v22;
	v22 =	vtrunc.f32 v14  }
0x18e: {  	v57 =	vor.u32 v3, v21;
	v22 =	vcvt.f32.s32 v22;
	v53 =	vld.idx.msk [tilespmem:v37+s14+$0x0], $0xffff;
	v29 =	vmul.f32 v49, v29  }
0x18f: {  	v18 =	vmul.f32 v36, v18;
	v27 =	vadd.f32 $9.550000000e+01, v27;
	v54 =	vtrunc.f32 v26;
	v55 =	vld.idx.msk [tilespmem:v48+s14+$0x0], $0xffff  }
0x190: {  	v37 =	vld.idx.msk [tilespmem:v37+s4+$0x0], $0xffff;
	v22 =	vshll.u32 v22, $0x7;
	v21 =	vadd.f32 v29, v40;
	v29 =	vmul.f32 $7.875000000e+00, v16  }
0x191: {  	v58 =	vld.idx.msk [tilespmem:v48+s4+$0x0], $0xffff;
	v22 =	vor.u32 v7, v22;
	v16 =	vadd.f32 $9.550000000e+01, v20;
	v20 =	vmul.f32 $7.875000000e+00, v28  }
0x192: {  	s7 =	simm.s32 $0x14900;
	v56 =	vcvt.f32.s32 v54;
	v59 =	vld.idx.msk [tilespmem:v39+s14+$0x0], $0xffff;
	v33 =	vmul.f32 v52, v33;
	v29 =	vadd.f32 $9.550000000e+01, v29  }
0x193: {  	v63 =	vld.idx.msk [tilespmem:v57+s14+$0x0], $0xffff;
	[tilespmem:s7+$0x80] =	vst v21;
	v43 =	vadd.f32 $9.550000000e+01, v20;
	v20 =	vmul.f32 $7.875000000e+00, v60;
	v60 =	vmul.f32 v53, v38  }
0x194: {  	v28 =	vshll.u32 v56, $0x7;
	v10 =	vmul.f32 v55, v10;
	v33 =	vadd.f32 v33, v25;
	v61 =	vld [tilespmem:s6+$0x90]  }
0x195: {  	v30 =	vld.idx.msk [tilespmem:v57+s4+$0x0], $0xffff;
	v62 =	vtrunc.f32 v29;
	v32 =	vadd.f32 v60, v37;
	v48 =	vtrunc.f32 v43  }
0x196: {  	v21 =	vld.idx.msk [tilespmem:v22+s14+$0x0], $0xffff;
	v25 =	vadd.f32 $9.550000000e+01, v20;
	v20 =	vadd.f32 v10, v58;
	v41 =	vcvt.f32.s32 v62  }
0x197: {  	v49 =	vtrunc.f32 v27;
	v28 =	vor.u32 v3, v28;
	v22 =	vld.idx.msk [tilespmem:v22+s4+$0x0], $0xffff;
	v50 =	vcvt.f32.s32 v48;
	[tilespmem:s7+$0xFFFFFF00] =	vst v32  }
0x198: {  	v13 =	vmul.f32 v23, v13;
	v51 =	vcvt.f32.s32 v49;
	[tilespmem:s7+$0x0] =	vst v20;
	v10 =	vshll.u32 v41, $0x7;
	v52 =	vld [tilespmem:s6+$0xFFFFFF10]  }
0x199: {  	[tilespmem:s7+$0xFFFFFF80] =	vst v33;
	v20 =	vmul.f32 $7.875000000e+00, v61;
	v40 =	vshll.u32 v50, $0x7;
	v54 =	vld [tilespmem:s6+$0x10];
	v53 =	vor.u32 v4, v10  }
0x19a: {  	v41 =	vshll.u32 v51, $0x7;
	v10 =	vadd.f32 v9, v8;
	v8 =	vtrunc.f32 v25;
	v9 =	vld [tilespmem:s6+$0xFFFFFF90]  }
0x19b: {  	v40 =	vor.u32 v5, v40;
	v8 =	vcvt.f32.s32 v8;
	v48 =	vadd.f32 $9.550000000e+01, v20;
	v20 =	vld.idx.msk [tilespmem:v39+s4+$0x0], $0xffff  }
0x19c: {  	v31 =	vmul.f32 v59, v31;
	v34 =	vmul.f32 v63, v34;
	v32 =	vld.idx.msk [tilespmem:v28+s14+$0x0], $0xffff;
	v55 =	vor.u32 v5, v41  }
0x19d: {  	v28 =	vld.idx.msk [tilespmem:v28+s4+$0x0], $0xffff;
	v8 =	vshll.u32 v8, $0x7;
	v56 =	vtrunc.f32 v48;
	v44 =	vmul.f32 $7.875000000e+00, v52  }
0x19e: {  	v41 =	vor.u32 v5, v8;
	v57 =	vcvt.f32.s32 v56;
	v58 =	vmul.f32 $7.875000000e+00, v54;
	v49 =	vld.idx.msk [tilespmem:v53+s14+$0x0], $0xffff  }
0x19f: {  	v8 =	vadd.f32 $9.550000000e+01, v35;
	v9 =	vmul.f32 $7.875000000e+00, v9;
	v33 =	vld.idx.msk [tilespmem:v53+s4+$0x0], $0xffff;
	v36 =	vadd.f32 $9.550000000e+01, v44  }
0x1a0: {  	v59 =	vld.idx.msk [tilespmem:v40+s14+$0x0], $0xffff;
	v35 =	vshll.u32 v57, $0x7;
	v37 =	vadd.f32 $9.550000000e+01, v58;
	v20 =	vadd.f32 v31, v20  }
0x1a1: {  	v46 =	vld.idx.msk [tilespmem:v55+s14+$0x0], $0xffff;
	v44 =	vadd.f32 $9.550000000e+01, v9;
	v35 =	vor.u32 v1, v35;
	v9 =	vtrunc.f32 v36  }
0x1a2: {  	v38 =	vtrunc.f32 v16;
	v40 =	vld.idx.msk [tilespmem:v40+s4+$0x0], $0xffff;
	v60 =	vcvt.f32.s32 v9  }
0x1a3: {  	v30 =	vadd.f32 v34, v30;
	v39 =	vld.idx.msk [tilespmem:v55+s4+$0x0], $0xffff;
	v62 =	vtrunc.f32 v37;
	[tilespmem:s0+$0xFFFFFF30] =	vst v20;
	v61 =	vtrunc.f32 v44  }
0x1a4: {  	v20 =	vcvt.f32.s32 v62;
	v63 =	vld [tilespmem:s1+$0xFFFFFF40];
	v29 =	vmul.f32 v49, v29;
	v47 =	vshll.u32 v60, $0x7  }
0x1a5: {  	v31 =	vld.idx.msk [tilespmem:v41+s14+$0x0], $0xffff;
	v9 =	vadd.f32 $9.550000000e+01, v45;
	v45 =	vcvt.f32.s32 v61;
	v47 =	vor.u32 v1, v47  }
0x1a6: {  	v38 =	vcvt.f32.s32 v38;
	v20 =	vshll.u32 v20, $0x7;
	v29 =	vadd.f32 v29, v33;
	v54 =	vld.idx.msk [tilespmem:v35+s14+$0x0], $0xffff  }
0x1a7: {  	[tilespmem:s0+$0xFFFFFFB0] =	vst v30;
	v14 =	vmul.f32 v21, v14;
	v53 =	vshll.u32 v45, $0x7;
	v35 =	vld.idx.msk [tilespmem:v35+s4+$0x0], $0xffff;
	v30 =	vor.u32 v1, v20  }
0x1a8: {  	v23 =	vmul.f32 v32, v26;
	v20 =	vadd.f32 v15, v11;
	v15 =	vld [tilespmem:s1+$0xFFFFFFC0];
	v34 =	vor.u32 v1, v53;
	[tilespmem:s0+$0xC0] =	vst v29  }
0x1a9: {  	v19 =	vadd.f32 v19, v24;
	v29 =	vtrunc.f32 v9;
	v26 =	vmul.f32 $7.875000000e+00, v63;
	v50 =	vld [tilespmem:s1+$0xD0]  }
0x1aa: {  	v23 =	vadd.f32 v23, v28;
	v52 =	vtrunc.f32 v8;
	v11 =	vcvt.f32.s32 v29;
	v24 =	vld.idx.msk [tilespmem:v47+s14+$0x0], $0xffff  }
0x1ab: {  	v28 =	vmul.f32 v59, v43;
	v29 =	vshll.u32 v38, $0x7;
	v26 =	vadd.f32 $9.550000000e+01, v26;
	v57 =	vld.idx.msk [tilespmem:v47+s4+$0x0], $0xffff  }
0x1ac: {  	v56 =	vshll.u32 v11, $0x7;
	v11 =	vor.u32 v7, v29;
	v29 =	vmul.f32 v54, v48;
	v59 =	vld.idx.msk [tilespmem:v30+s14+$0x0], $0xffff  }
0x1ad: {  	v17 =	vadd.f32 v18, v17;
	v27 =	vmul.f32 v46, v27;
	v33 =	vcvt.f32.s32 v52;
	v58 =	vld.idx.msk [tilespmem:v34+s14+$0x0], $0xffff  }
0x1ae: {  	[tilespmem:s0+$0x30] =	vst v23;
	v15 =	vmul.f32 $7.875000000e+00, v15;
	v23 =	vld.idx.msk [tilespmem:v30+s4+$0x0], $0xffff;
	v61 =	vtrunc.f32 v26;
	v29 =	vadd.f32 v29, v35  }
0x1af: {  	[tilespmem:s29+$0xFFFFFF60] =	vst v19;
	v27 =	vadd.f32 v27, v39;
	v34 =	vld.idx.msk [tilespmem:v34+s4+$0x0], $0xffff;
	v30 =	vcvt.f32.s32 v61;
	v60 =	vmul.f32 $7.875000000e+00, v50  }
0x1b0: {  	v28 =	vadd.f32 v28, v40;
	v15 =	vadd.f32 $9.550000000e+01, v15;
	[tilespmem:s7+$0x90] =	vst v29;
	v29 =	vld [tilespmem:s1+$0x40];
	v24 =	vmul.f32 v24, v36  }
0x1b1: {  	[tilespmem:s30+$0xFFFFFFD0] =	vst v27;
	v30 =	vshll.u32 v30, $0x7;
	v62 =	vadd.f32 $9.550000000e+01, v60;
	v63 =	vld [tilespmem:s6+$0xA0];
	v18 =	vmul.f32 v59, v37  }
0x1b2: {  	[tilespmem:s30+$0xFFFFFF50] =	vst v28;
	v49 =	vld [tilespmem:s31+$0xFFFFFFE0];
	v48 =	vtrunc.f32 v15;
	v28 =	vmul.f32 v58, v44;
	v24 =	vadd.f32 v24, v57  }
0x1b3: {  	[tilespmem:s29+$0xFFFFFFE0] =	vst v17;
	v47 =	vld.idx.msk [tilespmem:v41+s4+$0x0], $0xffff;
	v19 =	vcvt.f32.s32 v48;
	v43 =	vtrunc.f32 v62;
	v18 =	vadd.f32 v18, v23  }
0x1b4: {  	v27 =	vor.u32 v4, v30;
	v30 =	vld [tilespmem:s31+$0xFFFFFF60];
	v46 =	vcvt.f32.s32 v43;
	[tilespmem:s7+$0xFFFFFF10] =	vst v24;
	v24 =	vadd.f32 v28, v34  }
0x1b5: {  	v55 =	vshll.u32 v33, $0x7;
	v19 =	vshll.u32 v19, $0x7;
	v57 =	vld [tilespmem:s15+$0xFFFFFFF0];
	v29 =	vmul.f32 $7.875000000e+00, v29;
	[tilespmem:s7+$0x10] =	vst v18  }
0x1b6: {  	v18 =	vor.u32 v4, v19;
	v28 =	vshll.u32 v46, $0x7;
	v50 =	vld [tilespmem:s6+$0xFFFFFF20];
	[tilespmem:s7+$0xFFFFFF90] =	vst v24;
	v24 =	vmul.f32 $7.875000000e+00, v63  }
0x1b7: {  	v34 =	vmul.f32 $7.875000000e+00, v49;
	v19 =	vld [tilespmem:s6+$0x20];
	v23 =	vor.u32 v5, v28;
	v29 =	vadd.f32 $9.550000000e+01, v29  }
0x1b8: {  	v28 =	vadd.f32 v13, v12;
	v52 =	vld [tilespmem:s6+$0xFFFFFFA0];
	v21 =	vadd.f32 $9.550000000e+01, v24;
	v24 =	vmul.f32 v31, v25  }
0x1b9: {  	v13 =	vor.u32 v7, v55;
	v25 =	vmul.f32 $7.875000000e+00, v30;
	v30 =	vld.idx.msk [tilespmem:v27+s14+$0x0], $0xffff;
	v54 =	vtrunc.f32 v29  }
0x1ba: {  	v12 =	vor.u32 v7, v56;
	v35 =	vmul.f32 $7.875000000e+00, v57;
	v37 =	vcvt.f32.s32 v54  }
0x1bb: {  	v31 =	vadd.f32 v14, v22;
	v55 =	vld.idx.msk [tilespmem:v18+s14+$0x0], $0xffff;
	v14 =	vmul.f32 $7.875000000e+00, v50;
	v22 =	vtrunc.f32 v21  }
0x1bc: {  	v24 =	vadd.f32 v24, v47;
	v19 =	vmul.f32 $7.875000000e+00, v19;
	v53 =	vld.idx.msk [tilespmem:v23+s14+$0x0], $0xffff;
	v22 =	vcvt.f32.s32 v22  }
0x1bd: {  	v51 =	vld [tilespmem:s15+$0xFFFFFF70];
	v17 =	vshll.u32 v37, $0x7;
	v14 =	vadd.f32 $9.550000000e+01, v14;
	v33 =	vmul.f32 $7.875000000e+00, v52  }
0x1be: {  	v23 =	vld.idx.msk [tilespmem:v23+s4+$0x0], $0xffff;
	v37 =	vor.u32 v4, v17;
	v22 =	vshll.u32 v22, $0x7;
	v26 =	vmul.f32 v30, v26  }
0x1bf: {  	v56 =	vld.idx.msk [tilespmem:v18+s4+$0x0], $0xffff;
	[tilespmem:s30+$0x50] =	vst v24;
	v24 =	vtrunc.f32 v14;
	v33 =	vadd.f32 $9.550000000e+01, v33;
	v22 =	vor.u32 v2, v22  }
0x1c0: {  	v27 =	vld.idx.msk [tilespmem:v27+s4+$0x0], $0xffff;
	v15 =	vmul.f32 v55, v15;
	v18 =	vcvt.f32.s32 v24;
	v24 =	vadd.f32 $9.550000000e+01, v19  }
0x1c1: {  	[tilespmem:s29+$0x60] =	vst v28;
	v19 =	vld [tilespmem:s31+$0x60];
	v17 =	vtrunc.f32 v33;
	v28 =	vmul.f32 v53, v62  }
0x1c2: {  	v59 =	vld [tilespmem:s15+$0x70];
	v18 =	vshll.u32 v18, $0x7;
	v58 =	vcvt.f32.s32 v17;
	v17 =	vtrunc.f32 v24  }
0x1c3: {  	v62 =	vld.idx.msk [tilespmem:v11+s14+$0x0], $0xffff;
	v60 =	vor.u32 v2, v18;
	v61 =	vcvt.f32.s32 v17;
	v23 =	vadd.f32 v28, v23  }
0x1c4: {  	v39 =	vadd.f32 v15, v56;
	v48 =	vld.idx.msk [tilespmem:v37+s14+$0x0], $0xffff;
	v17 =	vadd.f32 $9.550000000e+01, v25;
	v25 =	vshll.u32 v58, $0x7  }
0x1c5: {  	v18 =	vadd.f32 $9.550000000e+01, v34;
	v28 =	vld.idx.msk [tilespmem:v22+s14+$0x0], $0xffff;
	v63 =	vor.u32 v2, v25;
	v25 =	vshll.u32 v61, $0x7;
	[tilespmem:s0+$0xD0] =	vst v23  }
0x1c6: {  	v15 =	vmul.f32 $7.875000000e+00, v51;
	v19 =	vmul.f32 $7.875000000e+00, v19;
	v30 =	vor.u32 v2, v25;
	v25 =	vld [tilespmem:s1+$0xE0]  }
0x1c7: {  	v26 =	vadd.f32 v26, v27;
	v22 =	vld.idx.msk [tilespmem:v22+s4+$0x0], $0xffff;
	v23 =	vtrunc.f32 v17;
	v49 =	vtrunc.f32 v18  }
0x1c8: {  	v23 =	vcvt.f32.s32 v23;
	v38 =	vcvt.f32.s32 v49;
	v19 =	vadd.f32 $9.550000000e+01, v19;
	v27 =	vld.idx.msk [tilespmem:v60+s14+$0x0], $0xffff  }
0x1c9: {  	v16 =	vmul.f32 v62, v16;
	v29 =	vmul.f32 v48, v29;
	v50 =	vld.idx.msk [tilespmem:v60+s4+$0x0], $0xffff  }
0x1ca: {  	v51 =	vtrunc.f32 v19;
	v21 =	vmul.f32 v28, v21;
	v52 =	vld.idx.msk [tilespmem:v63+s14+$0x0], $0xffff  }
0x1cb: {  	v23 =	vshll.u32 v23, $0x7;
	v53 =	vcvt.f32.s32 v51;
	v34 =	vld.idx.msk [tilespmem:v63+s4+$0x0], $0xffff;
	v55 =	vmul.f32 $7.875000000e+00, v25  }
0x1cc: {  	[tilespmem:s28+$0xF0] =	vst v10;
	v28 =	vshll.u32 v38, $0x7;
	v54 =	vld.idx.msk [tilespmem:v30+s14+$0x0], $0xffff;
	v25 =	vor.u32 v6, v23;
	v21 =	vadd.f32 v21, v22  }
0x1cd: {  	[tilespmem:s29+$0xF0] =	vst v20;
	v23 =	vor.u32 v6, v28;
	v30 =	vld.idx.msk [tilespmem:v30+s4+$0x0], $0xffff;
	v10 =	vshll.u32 v53, $0x7;
	v28 =	vadd.f32 $9.550000000e+01, v55  }
0x1ce: {  	v56 =	vmul.f32 $7.875000000e+00, v59;
	v22 =	vor.u32 v6, v10;
	v14 =	vmul.f32 v27, v14;
	[tilespmem:s7+$0xA0] =	vst v21;
	v21 =	vld.idx.msk [tilespmem:v37+s4+$0x0], $0xffff  }
0x1cf: {  	[tilespmem:s0+$0xFFFFFF40] =	vst v26;
	v10 =	vadd.f32 $9.550000000e+01, v15;
	v15 =	vadd.f32 $9.550000000e+01, v35;
	v26 =	vld [tilespmem:s6+$0xB0];
	v27 =	vtrunc.f32 v28  }
0x1d0: {  	[tilespmem:s0+$0xFFFFFFC0] =	vst v39;
	v57 =	vld [tilespmem:s1+$0xFFFFFF50];
	v32 =	vadd.f32 v14, v50;
	v33 =	vmul.f32 v52, v33;
	v27 =	vcvt.f32.s32 v27  }
0x1d1: {  	[tilespmem:s30+$0xF0] =	vst v31;
	v58 =	vld [tilespmem:s1+$0xFFFFFFD0];
	v14 =	vadd.f32 $9.550000000e+01, v56;
	v59 =	vtrunc.f32 v10;
	v24 =	vmul.f32 v54, v24  }
0x1d2: {  	v31 =	vtrunc.f32 v15;
	v20 =	vld.idx.msk [tilespmem:v25+s14+$0x0], $0xffff;
	[tilespmem:s7+$0xFFFFFF20] =	vst v32;
	v60 =	vadd.f32 v33, v34;
	v27 =	vshll.u32 v27, $0x7  }
0x1d3: {  	v61 =	vtrunc.f32 v14;
	v33 =	vld [tilespmem:s6+$0xFFFFFF30];
	v30 =	vadd.f32 v24, v30;
	v32 =	vor.u32 v6, v27  }
0x1d4: {  	v63 =	vadd.f32 v29, v21;
	v21 =	vld.idx.msk [tilespmem:v23+s14+$0x0], $0xffff;
	v24 =	vcvt.f32.s32 v59;
	[tilespmem:s7+$0xFFFFFFA0] =	vst v60;
	v62 =	vmul.f32 $7.875000000e+00, v26  }
0x1d5: {  	v29 =	vmul.f32 $7.875000000e+00, v57;
	v26 =	vcvt.f32.s32 v31;
	v35 =	vld [tilespmem:s6+$0xFFFFFFB0];
	[tilespmem:s7+$0x20] =	vst v30  }
0x1d6: {  	s8 =	simm.s32 $0x10;
	s10 =	simm.s32 $0xCB00;
	s15 =	simm.s32 $0x14900;
	v27 =	vcvt.f32.s32 v61;
	v30 =	vmul.f32 $7.875000000e+00, v58;
	[tilespmem:s0+$0x40] =	vst v63;
	v36 =	vld [tilespmem:s6+$0x30];
	v34 =	vadd.f32 $9.550000000e+01, v62  }
.LBB2_3:
0x1d7: {  	v37 =	vld [tilespmem:s10+$0x80];
	v29 =	vadd.f32 $9.550000000e+01, v29;
	v38 =	vshll.u32 v24, $0x7;
	v31 =	vshll.u32 v26, $0x7  }
0x1d8: {  	s8 =	sadd.s32 $0x4, s8;
	v26 =	vmul.f32 $7.875000000e+00, v33;
	v33 =	vtrunc.f32 v34;
	v24 =	vadd.f32 $9.550000000e+01, v30;
	v39 =	vld.idx.msk [tilespmem:v32+s14+$0x0], $0xffff  }
0x1d9: {  	p0 =	slt.u32 s8, $0x7C;
	v40 =	vld [tilespmem:s10+$0xFFFFFF80];
	v41 =	vcvt.f32.s32 v33;
	v42 =	vtrunc.f32 v29;
	v33 =	vshll.u32 v27, $0x7  }
0x1da: {  	v30 =	vadd.f32 $9.550000000e+01, v26;
	v26 =	vmul.f32 $7.875000000e+00, v35;
	v35 =	vtrunc.f32 v24;
	v32 =	vld.idx.msk [tilespmem:v32+s4+$0x0], $0xffff  }
0x1db: {  	v42 =	vcvt.f32.s32 v42;
	v43 =	vld [tilespmem:s10+$0x0];
	v36 =	vmul.f32 $7.875000000e+00, v36;
	v41 =	vshll.u32 v41, $0x7  }
0x1dc: {  	v44 =	vld [tilespmem:s10+$0xFFFFFF00];
	v37 =	vmul.f32 $7.875000000e+00, v37;
	v27 =	vadd.f32 $9.550000000e+01, v26;
	v41 =	vor.u32 v3, v41  }
0x1dd: {  	v35 =	vcvt.f32.s32 v35;
	v45 =	vtrunc.f32 v30;
	v26 =	vadd.f32 $9.550000000e+01, v36;
	v36 =	vld [tilespmem:s1+$0x50]  }
0x1de: {  	v28 =	vmul.f32 v39, v28;
	v40 =	vmul.f32 $7.875000000e+00, v40;
	v37 =	vadd.f32 $9.550000000e+01, v37;
	v39 =	vld.idx.msk [tilespmem:v22+s14+$0x0], $0xffff  }
0x1df: {  	v42 =	vshll.u32 v42, $0x7;
	v46 =	vtrunc.f32 v27;
	v47 =	vtrunc.f32 v26;
	v48 =	vld.idx.msk [tilespmem:v25+s4+$0x0], $0xffff  }
0x1e0: {  	v28 =	vadd.f32 v28, v32;
	v25 =	vmul.f32 $7.875000000e+00, v43;
	v43 =	vtrunc.f32 v37;
	v32 =	vld.idx.msk [tilespmem:v23+s4+$0x0], $0xffff  }
0x1e1: {  	v40 =	vadd.f32 $9.550000000e+01, v40;
	v23 =	vmul.f32 $7.875000000e+00, v44;
	v43 =	vcvt.f32.s32 v43;
	v44 =	vld.idx.msk [tilespmem:v41+s14+$0x0], $0xffff  }
0x1e2: {  	v49 =	vadd.f32 $9.550000000e+01, v25;
	v25 =	vcvt.f32.s32 v45;
	v45 =	vcvt.f32.s32 v46;
	v41 =	vld.idx.msk [tilespmem:v41+s4+$0x0], $0xffff;
	[tilespmem:s0+$0xE0] =	vst v28  }
0x1e3: {  	v28 =	vadd.f32 $9.550000000e+01, v23;
	v23 =	vtrunc.f32 v40;
	v43 =	vshll.u32 v43, $0x7;
	v46 =	vld [tilespmem:s1+$0xF0]  }
0x1e4: {  	v23 =	vcvt.f32.s32 v23;
	v50 =	vtrunc.f32 v49;
	v43 =	vor.u32 v0, v43;
	v51 =	vld.idx.msk [tilespmem:v22+s4+$0x0], $0xffff  }
0x1e5: {  	v25 =	vshll.u32 v25, $0x7;
	v22 =	vtrunc.f32 v28;
	v50 =	vcvt.f32.s32 v50;
	v52 =	vld.idx.msk [tilespmem:v13+s14+$0x0], $0xffff  }
0x1e6: {  	v47 =	vcvt.f32.s32 v47;
	v22 =	vcvt.f32.s32 v22;
	v23 =	vshll.u32 v23, $0x7;
	v53 =	vld.idx.msk [tilespmem:v12+s14+$0x0], $0xffff  }
0x1e7: {  	v34 =	vmul.f32 v44, v34;
	v54 =	vor.u32 v0, v23;
	v23 =	vshll.u32 v50, $0x7;
	v44 =	vld.idx.msk [tilespmem:v11+s4+$0x0], $0xffff  }
0x1e8: {  	v11 =	vshll.u32 v22, $0x7;
	v50 =	vor.u32 v0, v23;
	v22 =	vmul.f32 $7.875000000e+00, v46;
	v46 =	vld.idx.msk [tilespmem:v13+s4+$0x0], $0xffff  }
0x1e9: {  	v23 =	vadd.f32 v34, v41;
	v13 =	vor.u32 v0, v11;
	v55 =	vld.idx.msk [tilespmem:v43+s14+$0x0], $0xffff;
	v11 =	vshll.u32 v45, $0x7  }
0x1ea: {  	v34 =	vor.u32 v3, v25;
	v25 =	vshll.u32 v47, $0x7;
	v41 =	vadd.f32 $9.550000000e+01, v22;
	v45 =	vld.idx.msk [tilespmem:v12+s4+$0x0], $0xffff  }
0x1eb: {  	v47 =	vor.u32 v3, v25;
	v12 =	vld.idx.msk [tilespmem:v43+s4+$0x0], $0xffff;
	v43 =	vor.u32 v3, v11;
	[tilespmem:s7+$0xB0] =	vst v23;
	v11 =	vmul.f32 $7.875000000e+00, v36  }
0x1ec: {  	v25 =	vor.u32 v5, v42;
	v22 =	vshll.u32 v35, $0x7;
	v36 =	vld [tilespmem:s6+$0xC0];
	v35 =	vtrunc.f32 v41  }
0x1ed: {  	v23 =	vor.u32 v5, v22;
	v42 =	vld.idx.msk [tilespmem:v54+s14+$0x0], $0xffff;
	v22 =	vadd.f32 $9.550000000e+01, v11;
	v35 =	vcvt.f32.s32 v35  }
0x1ee: {  	v17 =	vmul.f32 v20, v17;
	v18 =	vmul.f32 v21, v18;
	v11 =	vor.u32 v7, v38;
	v56 =	vld.idx.msk [tilespmem:v13+s14+$0x0], $0xffff  }
0x1ef: {  	v21 =	vmul.f32 v55, v37;
	v20 =	vld.idx.msk [tilespmem:v50+s14+$0x0], $0xffff;
	v37 =	vtrunc.f32 v22;
	v35 =	vshll.u32 v35, $0x7  }
0x1f0: {  	v19 =	vmul.f32 v39, v19;
	v38 =	vld.idx.msk [tilespmem:v13+s4+$0x0], $0xffff;
	v13 =	vcvt.f32.s32 v37;
	v35 =	vor.u32 v7, v35  }
0x1f1: {  	v12 =	vadd.f32 v21, v12;
	v37 =	vld.idx.msk [tilespmem:v54+s4+$0x0], $0xffff;
	v21 =	vmul.f32 $7.875000000e+00, v36;
	v36 =	vadd.f32 v17, v48  }
0x1f2: {  	v18 =	vadd.f32 v18, v32;
	v19 =	vadd.f32 v19, v51;
	s7 =	sadd.s32 $0x200, s7;
	v39 =	vld.idx.msk [tilespmem:v50+s4+$0x0], $0xffff;
	v13 =	vshll.u32 v13, $0x7  }
0x1f3: {  	v32 =	vmul.f32 v42, v40;
	[tilespmem:s7+$0x80] =	vst v12;
	v40 =	vld.idx.msk [tilespmem:v34+s14+$0x0], $0xffff;
	v21 =	vadd.f32 $9.550000000e+01, v21;
	v17 =	vor.u32 v5, v13  }
0x1f4: {  	v28 =	vmul.f32 v56, v28;
	v13 =	vor.u32 v7, v31;
	v12 =	vor.u32 v7, v33;
	v42 =	vld [tilespmem:s10+$0x90];
	[tilespmem:s30+$0xFFFFFF60] =	vst v36  }
0x1f5: {  	v16 =	vadd.f32 v16, v44;
	v20 =	vmul.f32 v20, v49;
	v31 =	vtrunc.f32 v21;
	v33 =	vld.idx.msk [tilespmem:v35+s14+$0x0], $0xffff;
	[tilespmem:s30+$0xFFFFFFE0] =	vst v18  }
0x1f6: {  	v18 =	vadd.f32 v28, v38;
	v28 =	vld.idx.msk [tilespmem:v43+s14+$0x0], $0xffff;
	v31 =	vcvt.f32.s32 v31;
	[tilespmem:s30+$0x60] =	vst v19;
	v19 =	vmul.f32 v52, v8  }
0x1f7: {  	v36 =	vmul.f32 v53, v9;
	v32 =	vadd.f32 v32, v37;
	v8 =	vmov v15;
	v35 =	vld.idx.msk [tilespmem:v35+s4+$0x0], $0xffff;
	[tilespmem:s28+$0xFFFFFF70] =	vst v16  }
0x1f8: {  	v15 =	vadd.f32 v20, v39;
	[tilespmem:s7+$0xFFFFFF00] =	vst v18;
	v16 =	vld.idx.msk [tilespmem:v47+s14+$0x0], $0xffff;
	v18 =	vshll.u32 v31, $0x7;
	v19 =	vadd.f32 v19, v46  }
0x1f9: {  	v30 =	vmul.f32 v40, v30;
	v31 =	vadd.f32 v36, v45;
	v20 =	vld [tilespmem:s10+$0xFFFFFF10];
	[tilespmem:s7+$0xFFFFFF80] =	vst v32;
	v18 =	vor.u32 v4, v18  }
0x1fa: {  	v9 =	vmov v14;
	v32 =	vld [tilespmem:s10+$0xFFFFFF90];
	[tilespmem:s7+$0x0] =	vst v15;
	v15 =	vmul.f32 $7.875000000e+00, v42  }
0x1fb: {  	v33 =	vmul.f32 v33, v41;
	v14 =	vld [tilespmem:s10+$0x10];
	[tilespmem:s28+$0xFFFFFFF0] =	vst v19  }
0x1fc: {  	v27 =	vmul.f32 v28, v27;
	v15 =	vadd.f32 $9.550000000e+01, v15;
	v19 =	vld.idx.msk [tilespmem:v34+s4+$0x0], $0xffff;
	[tilespmem:s28+$0x70] =	vst v31;
	s28 =	smov.u32 s29;
	s29 =	smov.u32 s30;
	s30 =	smov.u32 s0  }
0x1fd: {  	v31 =	vadd.f32 v33, v35;
	s0 =	smov.u32 s15;
	s15 =	smov.u32 s7;
	v28 =	vld.idx.msk [tilespmem:v43+s4+$0x0], $0xffff  }
0x1fe: {  	v20 =	vmul.f32 $7.875000000e+00, v20;
	v33 =	vtrunc.f32 v15;
	v34 =	vld.idx.msk [tilespmem:v18+s14+$0x0], $0xffff  }
0x1ff: {  	v32 =	vmul.f32 $7.875000000e+00, v32;
	v33 =	vcvt.f32.s32 v33;
	v35 =	vld.idx.msk [tilespmem:v47+s4+$0x0], $0xffff;
	[tilespmem:s30+$0xF0] =	vst v31  }
0x200: {  	v16 =	vmul.f32 v16, v26;
	v20 =	vadd.f32 $9.550000000e+01, v20;
	v14 =	vmul.f32 $7.875000000e+00, v14;
	v18 =	vld.idx.msk [tilespmem:v18+s4+$0x0], $0xffff  }
0x201: {  	v26 =	vadd.f32 $9.550000000e+01, v32;
	v31 =	vshll.u32 v33, $0x7;
	v32 =	vld.idx.msk [tilespmem:v25+s14+$0x0], $0xffff  }
0x202: {  	v33 =	vtrunc.f32 v20;
	v14 =	vadd.f32 $9.550000000e+01, v14;
	v31 =	vor.u32 v1, v31;
	v36 =	vld.idx.msk [tilespmem:v23+s14+$0x0], $0xffff  }
0x203: {  	v19 =	vadd.f32 v30, v19;
	v33 =	vcvt.f32.s32 v33;
	v37 =	vtrunc.f32 v26;
	v30 =	vld.idx.msk [tilespmem:v17+s14+$0x0], $0xffff  }
0x204: {  	v27 =	vadd.f32 v27, v28;
	v21 =	vmul.f32 v34, v21;
	v38 =	vtrunc.f32 v14;
	v25 =	vld.idx.msk [tilespmem:v25+s4+$0x0], $0xffff  }
0x205: {  	v28 =	vshll.u32 v33, $0x7;
	v33 =	vcvt.f32.s32 v37;
	v34 =	vcvt.f32.s32 v38;
	[tilespmem:s0+$0xFFFFFF30] =	vst v19;
	v19 =	vld.idx.msk [tilespmem:v23+s4+$0x0], $0xffff  }
0x206: {  	v16 =	vadd.f32 v16, v35;
	v18 =	vadd.f32 v21, v18;
	v23 =	vor.u32 v1, v28;
	v28 =	vld [tilespmem:s6+$0xFFFFFF40];
	[tilespmem:s0+$0xFFFFFFB0] =	vst v27  }
0x207: {  	v29 =	vmul.f32 v32, v29;
	v21 =	vshll.u32 v33, $0x7;
	v27 =	vshll.u32 v34, $0x7;
	v33 =	vld.idx.msk [tilespmem:v31+s14+$0x0], $0xffff  }
0x208: {  	v21 =	vor.u32 v1, v21;
	v27 =	vor.u32 v1, v27;
	v31 =	vld.idx.msk [tilespmem:v31+s4+$0x0], $0xffff;
	[tilespmem:s0+$0xC0] =	vst v18  }
0x209: {  	v18 =	vmul.f32 v36, v24;
	v22 =	vmul.f32 v30, v22;
	[tilespmem:s0+$0x30] =	vst v16;
	v16 =	vld [tilespmem:s6+$0xD0]  }
0x20a: {  	v25 =	vadd.f32 v29, v25;
	v24 =	vld [tilespmem:s6+$0xFFFFFFC0]  }
0x20b: {  	v18 =	vadd.f32 v18, v19;
	v29 =	vld.idx.msk [tilespmem:v23+s14+$0x0], $0xffff;
	v28 =	vmul.f32 $7.875000000e+00, v28  }
0x20c: {  	v19 =	vld.idx.msk [tilespmem:v23+s4+$0x0], $0xffff;
	[tilespmem:s30+$0xFFFFFF50] =	vst v25  }
0x20d: {  	v15 =	vmul.f32 v33, v15;
	v23 =	vld.idx.msk [tilespmem:v21+s14+$0x0], $0xffff;
	v25 =	vadd.f32 $9.550000000e+01, v28;
	[tilespmem:s30+$0xFFFFFFD0] =	vst v18  }
0x20e: {  	v18 =	vld.idx.msk [tilespmem:v27+s14+$0x0], $0xffff;
	v16 =	vmul.f32 $7.875000000e+00, v16  }
0x20f: {  	v15 =	vadd.f32 v15, v31;
	v21 =	vld.idx.msk [tilespmem:v21+s4+$0x0], $0xffff;
	v28 =	vtrunc.f32 v25;
	v24 =	vmul.f32 $7.875000000e+00, v24  }
0x210: {  	v27 =	vld.idx.msk [tilespmem:v27+s4+$0x0], $0xffff;
	v28 =	vcvt.f32.s32 v28;
	v16 =	vadd.f32 $9.550000000e+01, v16  }
0x211: {  	v20 =	vmul.f32 v29, v20;
	[tilespmem:s7+$0x90] =	vst v15;
	v15 =	vadd.f32 $9.550000000e+01, v24;
	v24 =	vld [tilespmem:s6+$0x40]  }
0x212: {  	v29 =	vld [tilespmem:s10+$0xA0];
	v28 =	vshll.u32 v28, $0x7;
	v30 =	vtrunc.f32 v16  }
0x213: {  	v19 =	vadd.f32 v20, v19;
	v20 =	vmul.f32 v23, v26;
	v23 =	vcvt.f32.s32 v30;
	v17 =	vld.idx.msk [tilespmem:v17+s4+$0x0], $0xffff  }
0x214: {  	v14 =	vmul.f32 v18, v14;
	v18 =	vor.u32 v4, v28;
	v26 =	vtrunc.f32 v15;
	v28 =	vld [tilespmem:s1+$0xFFFFFF60]  }
0x215: {  	[tilespmem:s7+$0xFFFFFF10] =	vst v19;
	v19 =	vadd.f32 v20, v21;
	v20 =	vcvt.f32.s32 v26;
	v21 =	vshll.u32 v23, $0x7;
	v23 =	vld [tilespmem:s1+$0xFFFFFFE0]  }
0x216: {  	v14 =	vadd.f32 v14, v27;
	v26 =	vld [tilespmem:s10+$0xFFFFFF20];
	v24 =	vmul.f32 $7.875000000e+00, v24;
	v21 =	vor.u32 v5, v21  }
0x217: {  	[tilespmem:s7+$0xFFFFFF90] =	vst v19;
	v19 =	vmul.f32 $7.875000000e+00, v29;
	v20 =	vshll.u32 v20, $0x7;
	v27 =	vld [tilespmem:s31+$0xFFFFFF70]  }
0x218: {  	v29 =	vld [tilespmem:s10+$0xFFFFFFA0];
	[tilespmem:s7+$0x10] =	vst v14;
	v14 =	vor.u32 v4, v20;
	v20 =	vadd.f32 $9.550000000e+01, v24  }
0x219: {  	v22 =	vadd.f32 v22, v17;
	v24 =	vld [tilespmem:s10+$0x20];
	v30 =	vadd.f32 $9.550000000e+01, v19;
	v19 =	vmul.f32 $7.875000000e+00, v28  }
0x21a: {  	v28 =	vld.idx.msk [tilespmem:v18+s14+$0x0], $0xffff;
	v31 =	vtrunc.f32 v20;
	v23 =	vmul.f32 $7.875000000e+00, v23  }
0x21b: {  	v26 =	vmul.f32 $7.875000000e+00, v26;
	v32 =	vtrunc.f32 v30;
	v33 =	vld.idx.msk [tilespmem:v21+s14+$0x0], $0xffff;
	v17 =	vadd.f32 $9.550000000e+01, v19;
	[tilespmem:s30+$0x50] =	vst v22  }
0x21c: {  	v31 =	vcvt.f32.s32 v31;
	v19 =	vcvt.f32.s32 v32;
	v22 =	vld.idx.msk [tilespmem:v18+s4+$0x0], $0xffff;
	v18 =	vadd.f32 $9.550000000e+01, v23  }
0x21d: {  	v26 =	vadd.f32 $9.550000000e+01, v26;
	v23 =	vmul.f32 $7.875000000e+00, v29;
	v21 =	vld.idx.msk [tilespmem:v21+s4+$0x0], $0xffff;
	v29 =	vtrunc.f32 v17  }
0x21e: {  	v31 =	vshll.u32 v31, $0x7;
	v24 =	vmul.f32 $7.875000000e+00, v24;
	v19 =	vshll.u32 v19, $0x7;
	v32 =	vld.idx.msk [tilespmem:v14+s14+$0x0], $0xffff  }
0x21f: {  	v34 =	vtrunc.f32 v26;
	v35 =	vadd.f32 $9.550000000e+01, v23;
	v19 =	vor.u32 v2, v19;
	v14 =	vld.idx.msk [tilespmem:v14+s4+$0x0], $0xffff  }
0x220: {  	v31 =	vor.u32 v4, v31;
	v23 =	vcvt.f32.s32 v34;
	v24 =	vadd.f32 $9.550000000e+01, v24;
	v34 =	vld [tilespmem:s1+$0x60]  }
0x221: {  	v16 =	vmul.f32 v33, v16;
	v36 =	vtrunc.f32 v35;
	v33 =	vld [tilespmem:s31+$0xFFFFFFF0]  }
0x222: {  	v23 =	vshll.u32 v23, $0x7;
	v36 =	vcvt.f32.s32 v36;
	v37 =	vtrunc.f32 v24;
	v38 =	vld [tilespmem:s31+$0x70];
	s31 =	smov.u32 s1;
	s1 =	smov.u32 s6;
	s6 =	smov.u32 s10  }
0x223: {  	v16 =	vadd.f32 v16, v21;
	v23 =	vor.u32 v2, v23;
	v37 =	vcvt.f32.s32 v37;
	v21 =	vld.idx.msk [tilespmem:v11+s14+$0x0], $0xffff  }
0x224: {  	v25 =	vmul.f32 v28, v25;
	v15 =	vmul.f32 v32, v15;
	v36 =	vshll.u32 v36, $0x7;
	v39 =	vld.idx.msk [tilespmem:v19+s14+$0x0], $0xffff  }
0x225: {  	v28 =	vor.u32 v2, v36;
	v32 =	vshll.u32 v37, $0x7;
	v36 =	vld.idx.msk [tilespmem:v19+s4+$0x0], $0xffff;
	[tilespmem:s0+$0xD0] =	vst v16;
	v16 =	vmul.f32 $7.875000000e+00, v34  }
0x226: {  	v22 =	vadd.f32 v25, v22;
	v14 =	vadd.f32 v15, v14;
	v32 =	vor.u32 v2, v32;
	v15 =	vld [tilespmem:s1+$0xE0]  }
0x227: {  	v25 =	vcvt.f32.s32 v29;
	v29 =	vtrunc.f32 v18;
	v34 =	vld.idx.msk [tilespmem:v31+s14+$0x0], $0xffff;
	v19 =	vadd.f32 $9.550000000e+01, v16  }
0x228: {  	v27 =	vmul.f32 $7.875000000e+00, v27;
	v16 =	vld.idx.msk [tilespmem:v23+s14+$0x0], $0xffff;
	[tilespmem:s0+$0xFFFFFF40] =	vst v22;
	v22 =	vcvt.f32.s32 v29  }
0x229: {  	v33 =	vmul.f32 $7.875000000e+00, v33;
	v29 =	vld.idx.msk [tilespmem:v23+s4+$0x0], $0xffff;
	[tilespmem:s0+$0xFFFFFFC0] =	vst v14;
	v14 =	vshll.u32 v25, $0x7;
	v23 =	vtrunc.f32 v19  }
0x22a: {  	v30 =	vmul.f32 v39, v30;
	v37 =	vld.idx.msk [tilespmem:v28+s14+$0x0], $0xffff;
	v22 =	vshll.u32 v22, $0x7;
	v39 =	vcvt.f32.s32 v23  }
0x22b: {  	v25 =	vor.u32 v6, v14;
	v40 =	vld.idx.msk [tilespmem:v32+s14+$0x0], $0xffff;
	v15 =	vmul.f32 $7.875000000e+00, v15;
	v23 =	vor.u32 v6, v22  }
0x22c: {  	v14 =	vadd.f32 v30, v36;
	v30 =	vmul.f32 $7.875000000e+00, v38;
	v41 =	vld.idx.msk [tilespmem:v28+s4+$0x0], $0xffff;
	v22 =	vshll.u32 v39, $0x7  }
0x22d: {  	v34 =	vmul.f32 v34, v20;
	v32 =	vld.idx.msk [tilespmem:v32+s4+$0x0], $0xffff;
	v28 =	vadd.f32 $9.550000000e+01, v15;
	v22 =	vor.u32 v6, v22  }
0x22e: {  	v27 =	vadd.f32 $9.550000000e+01, v27;
	v20 =	vmul.f32 v16, v26;
	v15 =	vadd.f32 $9.550000000e+01, v33;
	[tilespmem:s7+$0xA0] =	vst v14;
	v26 =	vld.idx.msk [tilespmem:v31+s4+$0x0], $0xffff  }
0x22f: {  	v16 =	vmul.f32 v21, v10;
	v14 =	vadd.f32 $9.550000000e+01, v30;
	v31 =	vld [tilespmem:s10+$0xB0];
	v33 =	vtrunc.f32 v28  }
0x230: {  	v10 =	vmovc v27;
	v20 =	vadd.f32 v20, v29;
	v21 =	vmul.f32 v37, v35;
	v29 =	vld [tilespmem:s1+$0xFFFFFF50];
	v30 =	vcvt.f32.s32 v33  }
0x231: {  	v35 =	vtrunc.f32 v10;
	v24 =	vmul.f32 v40, v24;
	v27 =	vld [tilespmem:s1+$0xFFFFFFD0]  }
.Ltmp0:
0x232: {  	v36 =	vtrunc.f32 v15;
	v21 =	vadd.f32 v21, v41;
	[tilespmem:s7+$0xFFFFFF20] =	vst v20;
	v30 =	vshll.u32 v30, $0x7;
	v20 =	vld.idx.msk [tilespmem:v25+s14+$0x0], $0xffff;
	(pc) =	sbr.rel @p0 .LBB2_3-.Ltmp0, $4  }
0x233: {  	v38 =	vtrunc.f32 v14;
	v37 =	vadd.f32 v24, v32;
	v33 =	vld [tilespmem:s10+$0xFFFFFF30];
	v32 =	vor.u32 v6, v30  }
0x234: {  	v24 =	vcvt.f32.s32 v35;
	[tilespmem:s7+$0xFFFFFFA0] =	vst v21;
	v30 =	vmul.f32 $7.875000000e+00, v31;
	v31 =	vadd.f32 v34, v26;
	v21 =	vld.idx.msk [tilespmem:v23+s14+$0x0], $0xffff  }
0x235: {  	v26 =	vcvt.f32.s32 v36;
	v35 =	vld [tilespmem:s10+$0xFFFFFFB0];
	[tilespmem:s7+$0x20] =	vst v37;
	v29 =	vmul.f32 $7.875000000e+00, v29  }
0x236: {  	s10 =	sadd.s32 $0x200, s10;
	v36 =	vld [tilespmem:s6+$0x30];
	v34 =	vadd.f32 $9.550000000e+01, v30;
	v30 =	vmul.f32 $7.875000000e+00, v27;
	[tilespmem:s0+$0x40] =	vst v31;
	v27 =	vcvt.f32.s32 v38  }
0x237: {  	_ = 	snop  }
0x238: {  	v31 =	vtrunc.f32 v34  }
0x239: {  	v31 =	vcvt.f32.s32 v31;
	_ =	sdelay $0x1  }
0x23a: {  	v31 =	vshll.u32 v31, $0x7  }
0x23b: {  	v31 =	vor.u32 v3, v31;
	_ =	sdelay $0x4  }
0x23c: {  	v37 =	vld.idx.msk [tilespmem:v31+s14+$0x0], $0xffff;
	_ =	sdelay $0x1  }
0x23d: {  	v31 =	vld.idx.msk [tilespmem:v31+s4+$0x0], $0xffff;
	_ =	sdelay $0x1  }
0x23e: {  	v35 =	vmul.f32 $7.875000000e+00, v35  }
0x23f: {  	v33 =	vmul.f32 $7.875000000e+00, v33;
	v42 =	vmul.f32 v37, v34  }
0x240: {  	v35 =	vadd.f32 $9.550000000e+01, v35  }
0x241: {  	v33 =	vadd.f32 $9.550000000e+01, v33;
	v31 =	vadd.f32 v42, v31  }
0x242: {  	v43 =	vmul.f32 $7.875000000e+00, v36;
	v45 =	vtrunc.f32 v35  }
0x243: {  	v37 =	vcvt.f32.s32 v45;
	[tilespmem:s7+$0xB0] =	vst v31;
	v31 =	vtrunc.f32 v33  }
0x244: {  	v34 =	vadd.f32 $9.550000000e+01, v43;
	v31 =	vcvt.f32.s32 v31  }
0x245: {  	v37 =	vshll.u32 v37, $0x7;
	v44 =	vld [tilespmem:s6+$0xC0]  }
0x246: {  	v38 =	vtrunc.f32 v34;
	v37 =	vor.u32 v3, v37;
	v31 =	vshll.u32 v31, $0x7  }
0x247: {  	v38 =	vcvt.f32.s32 v38;
	v31 =	vor.u32 v3, v31;
	_ =	sdelay $0x1  }
0x248: {  	v38 =	vshll.u32 v38, $0x7  }
0x249: {  	v38 =	vor.u32 v3, v38;
	v36 =	vmul.f32 $7.875000000e+00, v44  }
0x24a: {  	v41 =	vld.idx.msk [tilespmem:v37+s14+$0x0], $0xffff  }
0x24b: {  	v36 =	vadd.f32 $9.550000000e+01, v36;
	v39 =	vld.idx.msk [tilespmem:v31+s14+$0x0], $0xffff  }
0x24c: {  	v37 =	vld.idx.msk [tilespmem:v37+s4+$0x0], $0xffff  }
0x24d: {  	v31 =	vld.idx.msk [tilespmem:v31+s4+$0x0], $0xffff;
	v40 =	vtrunc.f32 v36  }
0x24e: {  	v42 =	vld.idx.msk [tilespmem:v38+s14+$0x0], $0xffff;
	v40 =	vcvt.f32.s32 v40  }
0x24f: {  	v35 =	vmul.f32 v41, v35  }
0x250: {  	v38 =	vld.idx.msk [tilespmem:v38+s4+$0x0], $0xffff;
	v40 =	vshll.u32 v40, $0x7;
	v33 =	vmul.f32 v39, v33  }
0x251: {  	v35 =	vadd.f32 v35, v37;
	v40 =	vor.u32 v4, v40  }
0x252: {  	v31 =	vadd.f32 v33, v31  }
0x253: {  	v46 =	vmul.f32 v42, v34;
	[tilespmem:s15+$0xFFFFFFB0] =	vst v35  }
0x254: {  	v49 =	vld [tilespmem:s6+$0xFFFFFFC0];
	[tilespmem:s15+$0xFFFFFF30] =	vst v31  }
0x255: {  	v33 =	vadd.f32 v46, v38;
	v31 =	vld [tilespmem:s6+$0xFFFFFF40]  }
0x256: {  	v47 =	vld.idx.msk [tilespmem:v40+s14+$0x0], $0xffff  }
0x257: {  	[tilespmem:s15+$0x30] =	vst v33;
	v48 =	vld.idx.msk [tilespmem:v40+s4+$0x0], $0xffff  }
0x258: {  	v50 =	vld [tilespmem:s6+$0x40]  }
0x259: {  	v33 =	vmul.f32 $7.875000000e+00, v49  }
0x25a: {  	v31 =	vmul.f32 $7.875000000e+00, v31  }
0x25b: {  	v33 =	vadd.f32 $9.550000000e+01, v33;
	v34 =	vmul.f32 v47, v36  }
0x25c: {  	v31 =	vadd.f32 $9.550000000e+01, v31  }
0x25d: {  	v54 =	vtrunc.f32 v33;
	v51 =	vmul.f32 $7.875000000e+00, v50;
	v34 =	vadd.f32 v34, v48  }
0x25e: {  	v37 =	vcvt.f32.s32 v54;
	v53 =	vtrunc.f32 v31  }
0x25f: {  	[tilespmem:s15+$0xC0] =	vst v34;
	v34 =	vadd.f32 $9.550000000e+01, v51;
	v36 =	vcvt.f32.s32 v53  }
0x260: {  	v29 =	vadd.f32 $9.550000000e+01, v29;
	v30 =	vadd.f32 $9.550000000e+01, v30;
	v37 =	vshll.u32 v37, $0x7;
	v52 =	vld [tilespmem:s6+$0xD0]  }
0x261: {  	v37 =	vor.u32 v4, v37;
	v55 =	vtrunc.f32 v34;
	v36 =	vshll.u32 v36, $0x7  }
0x262: {  	v56 =	vld [tilespmem:s1+$0x50];
	v58 =	vtrunc.f32 v30;
	v38 =	vcvt.f32.s32 v55;
	v36 =	vor.u32 v4, v36  }
0x263: {  	v59 =	vld.idx.msk [tilespmem:v32+s14+$0x0], $0xffff;
	v41 =	vcvt.f32.s32 v58  }
0x264: {  	v60 =	vld.idx.msk [tilespmem:v32+s4+$0x0], $0xffff;
	v57 =	vtrunc.f32 v29;
	v38 =	vshll.u32 v38, $0x7  }
0x265: {  	v25 =	vld.idx.msk [tilespmem:v25+s4+$0x0], $0xffff;
	v41 =	vshll.u32 v41, $0x7;
	v35 =	vmul.f32 $7.875000000e+00, v52;
	v38 =	vor.u32 v4, v38  }
0x266: {  	v41 =	vor.u32 v5, v41;
	v40 =	vcvt.f32.s32 v57;
	v45 =	vld.idx.msk [tilespmem:v37+s14+$0x0], $0xffff  }
0x267: {  	v35 =	vadd.f32 $9.550000000e+01, v35;
	v44 =	vld.idx.msk [tilespmem:v36+s14+$0x0], $0xffff  }
0x268: {  	v39 =	vmul.f32 $7.875000000e+00, v56;
	v40 =	vshll.u32 v40, $0x7;
	v37 =	vld.idx.msk [tilespmem:v37+s4+$0x0], $0xffff  }
0x269: {  	v40 =	vor.u32 v5, v40;
	v36 =	vld.idx.msk [tilespmem:v36+s4+$0x0], $0xffff;
	v43 =	vtrunc.f32 v35  }
0x26a: {  	v39 =	vadd.f32 $9.550000000e+01, v39;
	v43 =	vcvt.f32.s32 v43;
	v46 =	vld.idx.msk [tilespmem:v38+s14+$0x0], $0xffff  }
0x26b: {  	v63 =	vld.idx.msk [tilespmem:v41+s14+$0x0], $0xffff;
	v33 =	vmul.f32 v45, v33  }
0x26c: {  	v47 =	vtrunc.f32 v39;
	v38 =	vld.idx.msk [tilespmem:v38+s4+$0x0], $0xffff;
	v43 =	vshll.u32 v43, $0x7;
	v31 =	vmul.f32 v44, v31  }
0x26d: {  	v41 =	vld.idx.msk [tilespmem:v41+s4+$0x0], $0xffff;
	v61 =	vcvt.f32.s32 v47;
	v33 =	vadd.f32 v33, v37;
	v43 =	vor.u32 v5, v43  }
0x26e: {  	v62 =	vld.idx.msk [tilespmem:v40+s14+$0x0], $0xffff;
	v31 =	vadd.f32 v31, v36  }
0x26f: {  	v48 =	vshll.u32 v61, $0x7;
	v40 =	vld.idx.msk [tilespmem:v40+s4+$0x0], $0xffff;
	[tilespmem:s15+$0xFFFFFFC0] =	vst v33;
	v34 =	vmul.f32 v46, v34  }
0x270: {  	v33 =	vld [tilespmem:s6+$0xFFFFFFD0];
	v36 =	vor.u32 v5, v48;
	[tilespmem:s15+$0xFFFFFF40] =	vst v31  }
0x271: {  	v34 =	vadd.f32 v34, v38;
	v31 =	vld [tilespmem:s6+$0xFFFFFF50]  }
0x272: {  	v49 =	vld.idx.msk [tilespmem:v43+s14+$0x0], $0xffff  }
0x273: {  	v29 =	vmul.f32 v62, v29;
	v50 =	vld.idx.msk [tilespmem:v43+s4+$0x0], $0xffff;
	[tilespmem:s15+$0x40] =	vst v34  }
0x274: {  	v34 =	vld [tilespmem:s6+$0x50]  }
0x275: {  	v17 =	vmul.f32 v20, v17;
	v28 =	vmul.f32 v59, v28;
	v29 =	vadd.f32 v29, v40;
	v51 =	vld.idx.msk [tilespmem:v36+s14+$0x0], $0xffff  }
0x276: {  	v24 =	vshll.u32 v24, $0x7;
	v30 =	vmul.f32 v63, v30;
	v40 =	vld.idx.msk [tilespmem:v23+s4+$0x0], $0xffff;
	v31 =	vmul.f32 $7.875000000e+00, v31  }
0x277: {  	v28 =	vadd.f32 v28, v60;
	[tilespmem:s0+$0xFFFFFF50] =	vst v29;
	v33 =	vmul.f32 $7.875000000e+00, v33;
	v52 =	vld.idx.msk [tilespmem:v36+s4+$0x0], $0xffff;
	v35 =	vmul.f32 v49, v35  }
0x278: {  	v18 =	vmul.f32 v21, v18;
	v30 =	vadd.f32 v30, v41;
	v55 =	vld [tilespmem:s1+$0xFFFFFF60];
	v31 =	vadd.f32 $9.550000000e+01, v31  }
0x279: {  	[tilespmem:s0+$0xE0] =	vst v28;
	v29 =	vadd.f32 $9.550000000e+01, v33;
	v35 =	vadd.f32 v35, v50;
	v34 =	vmul.f32 $7.875000000e+00, v34  }
0x27a: {  	v17 =	vadd.f32 v17, v25;
	v58 =	vld [tilespmem:s1+$0xF0];
	[tilespmem:s0+$0xFFFFFFD0] =	vst v30;
	v53 =	vmul.f32 v51, v39;
	v54 =	vtrunc.f32 v31  }
0x27b: {  	v60 =	vld [tilespmem:s1+$0xFFFFFFE0];
	v18 =	vadd.f32 v18, v40;
	v57 =	vtrunc.f32 v29;
	[tilespmem:s15+$0xD0] =	vst v35;
	v33 =	vcvt.f32.s32 v54  }
0x27c: {  	[tilespmem:s30+$0xFFFFFF60] =	vst v17;
	v30 =	vcvt.f32.s32 v57;
	v34 =	vadd.f32 $9.550000000e+01, v34;
	v28 =	vadd.f32 v53, v52;
	v56 =	vld [tilespmem:s6+$0xE0]  }
0x27d: {  	v24 =	vor.u32 v7, v24;
	[tilespmem:s30+$0xFFFFFFE0] =	vst v18;
	v23 =	vmul.f32 $7.875000000e+00, v55;
	v43 =	vld.idx.msk [tilespmem:v12+s14+$0x0], $0xffff;
	v33 =	vshll.u32 v33, $0x7  }
0x27e: {  	v18 =	vld [tilespmem:s31+$0xFFFFFF70];
	v30 =	vshll.u32 v30, $0x7;
	v59 =	vtrunc.f32 v34;
	[tilespmem:s0+$0x50] =	vst v28;
	v28 =	vor.u32 v5, v33  }
0x27f: {  	v38 =	vld.idx.msk [tilespmem:v22+s4+$0x0], $0xffff;
	v30 =	vor.u32 v5, v30;
	v61 =	vcvt.f32.s32 v59  }
0x280: {  	v41 =	vadd.f32 $9.550000000e+01, v23;
	v36 =	vld.idx.msk [tilespmem:v22+s14+$0x0], $0xffff  }
0x281: {  	v51 =	vmul.f32 $7.875000000e+00, v60;
	v62 =	vld [tilespmem:s1+$0x60];
	v33 =	vshll.u32 v61, $0x7;
	v22 =	vmul.f32 $7.875000000e+00, v56  }
0x282: {  	v9 =	vmul.f32 v43, v9;
	v43 =	vld.idx.msk [tilespmem:v24+s14+$0x0], $0xffff;
	v63 =	vor.u32 v5, v33  }
0x283: {  	v37 =	vadd.f32 $9.550000000e+01, v51;
	v52 =	vadd.f32 $9.550000000e+01, v22;
	v22 =	vtrunc.f32 v41;
	v53 =	vld.idx.msk [tilespmem:v28+s14+$0x0], $0xffff  }
0x284: {  	v56 =	vld.idx.msk [tilespmem:v30+s14+$0x0], $0xffff;
	v54 =	vcvt.f32.s32 v22  }
0x285: {  	v23 =	vmul.f32 $7.875000000e+00, v58;
	v58 =	vtrunc.f32 v37;
	v28 =	vld.idx.msk [tilespmem:v28+s4+$0x0], $0xffff  }
0x286: {  	v30 =	vld.idx.msk [tilespmem:v30+s4+$0x0], $0xffff;
	v35 =	vmul.f32 $7.875000000e+00, v62;
	v55 =	vtrunc.f32 v52;
	v44 =	vshll.u32 v54, $0x7  }
0x287: {  	v22 =	vadd.f32 $9.550000000e+01, v23;
	v23 =	vcvt.f32.s32 v55;
	v57 =	vld.idx.msk [tilespmem:v63+s14+$0x0], $0xffff;
	v44 =	vor.u32 v6, v44  }
0x288: {  	v24 =	vld.idx.msk [tilespmem:v24+s4+$0x0], $0xffff;
	v47 =	vcvt.f32.s32 v58;
	v35 =	vadd.f32 $9.550000000e+01, v35;
	v31 =	vmul.f32 v53, v31  }
0x289: {  	v59 =	vtrunc.f32 v22;
	v32 =	vld.idx.msk [tilespmem:v63+s4+$0x0], $0xffff;
	v29 =	vmul.f32 v56, v29;
	v23 =	vshll.u32 v23, $0x7  }
0x28a: {  	v48 =	vor.u32 v6, v23;
	v23 =	vld.idx.msk [tilespmem:v11+s4+$0x0], $0xffff;
	v11 =	vtrunc.f32 v35;
	v28 =	vadd.f32 v31, v28  }
0x28b: {  	v42 =	vcvt.f32.s32 v59;
	v29 =	vadd.f32 v29, v30;
	v60 =	vcvt.f32.s32 v11;
	v11 =	vld.idx.msk [tilespmem:v12+s4+$0x0], $0xffff  }
0x28c: {  	v12 =	vshll.u32 v47, $0x7;
	v34 =	vmul.f32 v57, v34;
	v61 =	vld.idx.msk [tilespmem:v44+s14+$0x0], $0xffff;
	[tilespmem:s15+$0xFFFFFF50] =	vst v28  }
0x28d: {  	v30 =	vshll.u32 v42, $0x7;
	[tilespmem:s15+$0xFFFFFFD0] =	vst v29;
	v31 =	vor.u32 v6, v12;
	v12 =	vshll.u32 v60, $0x7;
	v29 =	vld [tilespmem:s6+$0xFFFFFF60]  }
0x28e: {  	v62 =	vor.u32 v6, v12;
	v12 =	vadd.f32 v34, v32;
	v28 =	vor.u32 v7, v30;
	v30 =	vld [tilespmem:s6+$0xFFFFFFE0]  }
0x28f: {  	v51 =	vld.idx.msk [tilespmem:v44+s4+$0x0], $0xffff  }
0x290: {  	v63 =	vld.idx.msk [tilespmem:v48+s14+$0x0], $0xffff;
	[tilespmem:s15+$0x50] =	vst v12  }
0x291: {  	v49 =	vld [tilespmem:s6+$0x60]  }
0x292: {  	v25 =	vld.idx.msk [tilespmem:v48+s4+$0x0], $0xffff;
	v21 =	vmul.f32 $7.875000000e+00, v29  }
0x293: {  	v50 =	vld.idx.msk [tilespmem:v31+s14+$0x0], $0xffff;
	v29 =	vmul.f32 $7.875000000e+00, v30  }
0x294: {  	v19 =	vmul.f32 v36, v19;
	v31 =	vld.idx.msk [tilespmem:v31+s4+$0x0], $0xffff;
	v21 =	vadd.f32 $9.550000000e+01, v21  }
0x295: {  	v20 =	vld.idx.msk [tilespmem:v62+s14+$0x0], $0xffff;
	v30 =	vmul.f32 v63, v52;
	v52 =	vmul.f32 v61, v41;
	v29 =	vadd.f32 $9.550000000e+01, v29  }
0x296: {  	v19 =	vadd.f32 v19, v38;
	v12 =	vld.idx.msk [tilespmem:v28+s14+$0x0], $0xffff;
	v32 =	vmul.f32 $7.875000000e+00, v49;
	v54 =	vtrunc.f32 v21  }
0x297: {  	v17 =	vld.idx.msk [tilespmem:v28+s4+$0x0], $0xffff;
	v55 =	vtrunc.f32 v29;
	v28 =	vcvt.f32.s32 v54  }
0x298: {  	[tilespmem:s30+$0x60] =	vst v19;
	v19 =	vld [tilespmem:s31+$0xFFFFFFF0];
	v25 =	vadd.f32 v30, v25;
	v32 =	vadd.f32 $9.550000000e+01, v32;
	v30 =	vcvt.f32.s32 v55  }
0x299: {  	v33 =	vld.idx.msk [tilespmem:v13+s14+$0x0], $0xffff;
	v34 =	vmul.f32 v50, v37;
	v36 =	vadd.f32 v52, v51;
	v28 =	vshll.u32 v28, $0x7  }
0x29a: {  	v57 =	vld [tilespmem:s31+$0x70];
	v56 =	vtrunc.f32 v32;
	v30 =	vshll.u32 v30, $0x7;
	v28 =	vor.u32 v6, v28  }
0x29b: {  	v13 =	vld.idx.msk [tilespmem:v13+s4+$0x0], $0xffff;
	v20 =	vmul.f32 v20, v35;
	v35 =	vcvt.f32.s32 v56;
	v30 =	vor.u32 v6, v30  }
0x29c: {  	v53 =	vld.idx.msk [tilespmem:v62+s4+$0x0], $0xffff;
	[tilespmem:s15+$0xE0] =	vst v25;
	v25 =	vadd.f32 v34, v31  }
0x29d: {  	v19 =	vmul.f32 $7.875000000e+00, v19;
	[tilespmem:s0+$0xFFFFFF60] =	vst v36;
	v31 =	vld [tilespmem:s6+$0xF0];
	v58 =	vshll.u32 v35, $0x7  }
0x29e: {  	v26 =	vshll.u32 v26, $0x7;
	v8 =	vmul.f32 v33, v8;
	[tilespmem:s0+$0xFFFFFFE0] =	vst v25;
	v25 =	vld [tilespmem:s1+$0xFFFFFF70];
	v34 =	vor.u32 v6, v58  }
0x29f: {  	v18 =	vmul.f32 $7.875000000e+00, v18;
	v19 =	vadd.f32 $9.550000000e+01, v19;
	v60 =	vmul.f32 $7.875000000e+00, v57;
	v61 =	vld.idx.msk [tilespmem:v28+s14+$0x0], $0xffff  }
0x2a0: {  	v27 =	vshll.u32 v27, $0x7;
	v26 =	vor.u32 v7, v26;
	v8 =	vadd.f32 v8, v13;
	v62 =	vld.idx.msk [tilespmem:v30+s14+$0x0], $0xffff  }
0x2a1: {  	v18 =	vadd.f32 $9.550000000e+01, v18;
	v45 =	vtrunc.f32 v19;
	v33 =	vadd.f32 $9.550000000e+01, v60;
	v28 =	vld.idx.msk [tilespmem:v28+s4+$0x0], $0xffff  }
0x2a2: {  	v40 =	vcvt.f32.s32 v45;
	[tilespmem:s28+$0xFFFFFFF0] =	vst v8;
	v8 =	vmul.f32 v43, v10;
	v20 =	vadd.f32 v20, v53;
	v30 =	vld.idx.msk [tilespmem:v30+s4+$0x0], $0xffff  }
0x2a3: {  	v27 =	vor.u32 v7, v27;
	v46 =	vtrunc.f32 v33;
	v25 =	vmul.f32 $7.875000000e+00, v25;
	v63 =	vld.idx.msk [tilespmem:v34+s14+$0x0], $0xffff  }
0x2a4: {  	v44 =	vtrunc.f32 v18;
	v48 =	vcvt.f32.s32 v46;
	[tilespmem:s0+$0x60] =	vst v20;
	v20 =	vld [tilespmem:s1+$0xFFFFFFF0]  }
0x2a5: {  	v31 =	vmul.f32 $7.875000000e+00, v31;
	v25 =	vadd.f32 $9.550000000e+01, v25;
	v34 =	vld.idx.msk [tilespmem:v34+s4+$0x0], $0xffff;
	v21 =	vmul.f32 v61, v21  }
0x2a6: {  	v8 =	vadd.f32 v8, v24;
	v49 =	vld.idx.msk [tilespmem:v26+s14+$0x0], $0xffff;
	v53 =	vshll.u32 v48, $0x7;
	v29 =	vmul.f32 v62, v29  }
0x2a7: {  	v59 =	vld [tilespmem:s1+$0x70];
	v31 =	vadd.f32 $9.550000000e+01, v31;
	v54 =	vtrunc.f32 v25;
	v21 =	vadd.f32 v21, v28  }
0x2a8: {  	v50 =	vld.idx.msk [tilespmem:v27+s14+$0x0], $0xffff;
	v36 =	vcvt.f32.s32 v54;
	v32 =	vmul.f32 v63, v32;
	v29 =	vadd.f32 v29, v30  }
0x2a9: {  	v26 =	vld.idx.msk [tilespmem:v26+s4+$0x0], $0xffff;
	v35 =	vor.u32 v7, v53;
	v20 =	vmul.f32 $7.875000000e+00, v20;
	v47 =	vtrunc.f32 v31;
	[tilespmem:s15+$0xFFFFFF60] =	vst v21  }
0x2aa: {  	v42 =	vcvt.f32.s32 v47;
	v36 =	vshll.u32 v36, $0x7;
	v32 =	vadd.f32 v32, v34;
	[tilespmem:s15+$0xFFFFFFE0] =	vst v29;
	v29 =	vld [tilespmem:s6+$0xFFFFFF70]  }
0x2ab: {  	v39 =	vcvt.f32.s32 v44;
	v9 =	vadd.f32 v9, v11;
	v36 =	vor.u32 v7, v36;
	v52 =	vld [tilespmem:s6+$0xFFFFFFF0]  }
0x2ac: {  	v27 =	vld.idx.msk [tilespmem:v27+s4+$0x0], $0xffff;
	v20 =	vadd.f32 $9.550000000e+01, v20;
	v42 =	vshll.u32 v42, $0x7;
	v30 =	vmul.f32 $7.875000000e+00, v59;
	[tilespmem:s15+$0x60] =	vst v32  }
0x2ad: {  	v51 =	vshll.u32 v40, $0x7;
	v12 =	vmul.f32 v12, v22;
	v28 =	vor.u32 v7, v42;
	v55 =	vld [tilespmem:s6+$0x70]  }
0x2ae: {  	v60 =	vld.idx.msk [tilespmem:v35+s14+$0x0], $0xffff;
	v56 =	vtrunc.f32 v20;
	v21 =	vshll.u32 v39, $0x7;
	v30 =	vadd.f32 $9.550000000e+01, v30  }
0x2af: {  	v13 =	vld.idx.msk [tilespmem:v35+s4+$0x0], $0xffff;
	v34 =	vor.u32 v7, v51;
	v39 =	vcvt.f32.s32 v56;
	v29 =	vmul.f32 $7.875000000e+00, v29  }
0x2b0: {  	v12 =	vadd.f32 v12, v17;
	v57 =	vtrunc.f32 v30;
	v11 =	vld.idx.msk [tilespmem:v36+s14+$0x0], $0xffff;
	v32 =	vmul.f32 $7.875000000e+00, v52  }
0x2b1: {  	v21 =	vor.u32 v7, v21;
	v17 =	vld.idx.msk [tilespmem:v36+s4+$0x0], $0xffff;
	v40 =	vcvt.f32.s32 v57;
	v29 =	vadd.f32 $9.550000000e+01, v29  }
0x2b2: {  	v39 =	vshll.u32 v39, $0x7;
	v42 =	vld.idx.msk [tilespmem:v28+s14+$0x0], $0xffff;
	v37 =	vmul.f32 $7.875000000e+00, v55;
	v32 =	vadd.f32 $9.550000000e+01, v32  }
0x2b3: {  	v28 =	vld.idx.msk [tilespmem:v28+s4+$0x0], $0xffff;
	v39 =	vor.u32 v7, v39;
	v40 =	vshll.u32 v40, $0x7;
	v61 =	vtrunc.f32 v29  }
0x2b4: {  	v59 =	vld.idx.msk [tilespmem:v34+s14+$0x0], $0xffff;
	v37 =	vadd.f32 $9.550000000e+01, v37;
	v62 =	vtrunc.f32 v32;
	v47 =	vcvt.f32.s32 v61  }
0x2b5: {  	v16 =	vadd.f32 v16, v23;
	v23 =	vld.idx.msk [tilespmem:v34+s4+$0x0], $0xffff;
	v40 =	vor.u32 v7, v40;
	v34 =	vcvt.f32.s32 v62  }
0x2b6: {  	v15 =	vmul.f32 v49, v15;
	v58 =	vld.idx.msk [tilespmem:v21+s14+$0x0], $0xffff;
	v63 =	vtrunc.f32 v37;
	v47 =	vshll.u32 v47, $0x7  }
0x2b7: {  	[tilespmem:s28+$0xFFFFFF70] =	vst v16;
	v21 =	vld.idx.msk [tilespmem:v21+s4+$0x0], $0xffff;
	v35 =	vcvt.f32.s32 v63;
	v16 =	vshll.u32 v34, $0x7;
	v47 =	vor.u32 v7, v47  }
0x2b8: {  	[tilespmem:s28+$0x70] =	vst v9;
	v9 =	vmul.f32 v50, v14;
	v22 =	vld.idx.msk [tilespmem:v39+s14+$0x0], $0xffff;
	v16 =	vor.u32 v7, v16  }
0x2b9: {  	[tilespmem:s0+$0xF0] =	vst v12;
	v12 =	vadd.f32 v15, v26;
	v14 =	vld.idx.msk [tilespmem:v39+s4+$0x0], $0xffff;
	v15 =	vmul.f32 v42, v31;
	v10 =	vshll.u32 v35, $0x7  }
0x2ba: {  	[tilespmem:s29+$0xFFFFFF70] =	vst v8;
	v8 =	vadd.f32 v9, v27;
	v48 =	vld.idx.msk [tilespmem:v40+s14+$0x0], $0xffff;
	v10 =	vor.u32 v7, v10  }
0x2bb: {  	[tilespmem:s29+$0xFFFFFFF0] =	vst v12;
	v12 =	vadd.f32 v15, v28;
	v24 =	vld.idx.msk [tilespmem:v40+s4+$0x0], $0xffff  }
0x2bc: {  	[tilespmem:s29+$0x70] =	vst v8;
	v15 =	vmul.f32 v59, v19;
	v9 =	vmul.f32 v58, v18;
	v18 =	vld.idx.msk [tilespmem:v47+s14+$0x0], $0xffff  }
0x2bd: {  	[tilespmem:s15+$0xF0] =	vst v12;
	v19 =	vld.idx.msk [tilespmem:v16+s14+$0x0], $0xffff  }
0x2be: {  	v12 =	vadd.f32 v15, v23;
	v8 =	vadd.f32 v9, v21;
	v9 =	vmul.f32 v60, v33;
	v15 =	vld.idx.msk [tilespmem:v47+s4+$0x0], $0xffff  }
0x2bf: {  	v11 =	vmul.f32 v11, v25;
	v21 =	vld.idx.msk [tilespmem:v10+s14+$0x0], $0xffff  }
0x2c0: {  	[tilespmem:s30+$0xFFFFFF70] =	vst v8;
	v8 =	vadd.f32 v9, v13;
	v9 =	vmul.f32 v22, v20;
	v13 =	vld.idx.msk [tilespmem:v16+s4+$0x0], $0xffff  }
0x2c1: {  	v11 =	vadd.f32 v11, v17;
	[tilespmem:s30+$0xFFFFFFF0] =	vst v12;
	v12 =	vmul.f32 v48, v30;
	v10 =	vld.idx.msk [tilespmem:v10+s4+$0x0], $0xffff  }
0x2c2: {  	[tilespmem:s30+$0x70] =	vst v8;
	v8 =	vadd.f32 v9, v14;
	v9 =	vmul.f32 v18, v29  }
0x2c3: {  	[tilespmem:s0+$0xFFFFFF70] =	vst v11;
	v11 =	vadd.f32 v12, v24;
	v12 =	vmul.f32 v19, v32  }
0x2c4: {  	[tilespmem:s0+$0xFFFFFFF0] =	vst v8;
	v8 =	vadd.f32 v9, v15;
	v9 =	vmul.f32 v21, v37  }
0x2c5: {  	[tilespmem:s0+$0x70] =	vst v11;
	v11 =	vadd.f32 v12, v13  }
0x2c6: {  	s31 =	sor.u32 s26, s5;
	[tilespmem:s15+$0xFFFFFF70] =	vst v8;
	v8 =	vadd.f32 v9, v10  }
0x2c7: {  	p0 =	seq.s32 s24, $0x3F;
	s0 =	sshrl.u32 s31, $0x3;
	[tilespmem:s15+$0xFFFFFFF0] =	vst v11  }
0x2c8: {  	p1 =	seq.s32 @!p0 s24, $0x0;
	s0 =	sadd.s32 s3, s0;
	[tilespmem:s15+$0x70] =	vst v8  }
0x2c9: {  	[hbm4b:s0+s11] =	stream.strided.scatter [tilespmem:s18], [sflag:$0x3], $0x4000, s12, s11, $0x38;
	[tilespmem:$0x1C000] =	vst v63  }
0x2ca: {  	s7 =	simm.s32 @!p0 $0xC000;
	s0 =	sadd.s32 @!p0 s26, s9;
	_ =	swait.ge [sflag:s19], $0x4000  }
0x2cb: {  	s1 =	simm.s32 @!p0 $0x400;
	s0 =	sshrl.u32 @!p0 s0, $0x3;
	[sflag:s19] =	ssyncset.done $0x0  }
0x2cc: {  	s6 =	simm.s32 @!p0 $0x4000;
	s0 =	sadd.s32 @!p0 s2, s0;
	[sflag:s19] =	ssyncadd.s32 $0xFFFFC000  }
0x2cd: {  	[tilespmem:s7], [sflag:$0x1] =	stream.strided.gather @!p0 [hbm4b:s0+s1], $0x4000, s6, s1, $0x38;
	[tilespmem:$0x1C000] =	vst v63  }
0x2ce: {  	p0 =	por p0, !p1  }
0x2cf: {  	_ =	swait.ge @p0 [sflag:s22], $0x4000  }
0x2d0: {  	[sflag:s22] =	ssyncset.done @p0 $0x0  }
0x2d1: {  	s0 =	simm.s32 $0x0;
	[sflag:s22] =	ssyncadd.s32 @p0 $0xFFFFC000  }
0x2d2: {  	v8 =	vld [tilespmem:s0+$0x10180]  }
0x2d3: {  	v9 =	vld [tilespmem:s0+$0x10000]  }
0x2d4: {  	v10 =	vld [tilespmem:s0+$0x10080]  }
0x2d5: {  	v11 =	vld [tilespmem:s0+$0x10100]  }
0x2d6: {  	v12 =	vld [tilespmem:s0+$0x10010]  }
0x2d7: {  	v13 =	vld [tilespmem:s0+$0x10090];
	v8 =	vmul.f32 $7.875000000e+00, v8  }
0x2d8: {  	v14 =	vld [tilespmem:s0+$0x10110]  }
0x2d9: {  	v18 =	vld [tilespmem:s0+$0x10190];
	v8 =	vadd.f32 $9.550000000e+01, v8  }
0x2da: {  	v15 =	vld [tilespmem:s0+$0x10020]  }
0x2db: {  	v16 =	vld [tilespmem:s0+$0x100A0];
	v9 =	vmul.f32 $7.875000000e+00, v9;
	v17 =	vtrunc.f32 v8  }
0x2dc: {  	v19 =	vld [tilespmem:s0+$0x10120];
	v10 =	vmul.f32 $7.875000000e+00, v10;
	v17 =	vcvt.f32.s32 v17  }
0x2dd: {  	v21 =	vld [tilespmem:s0+$0x10030];
	v11 =	vmul.f32 $7.875000000e+00, v11;
	v9 =	vadd.f32 $9.550000000e+01, v9  }
0x2de: {  	v23 =	vld [tilespmem:s0+$0x100B0];
	v18 =	vmul.f32 $7.875000000e+00, v18;
	v10 =	vadd.f32 $9.550000000e+01, v10;
	v17 =	vshll.u32 v17, $0x7  }
0x2df: {  	v24 =	vld [tilespmem:s0+$0x10130];
	v22 =	vadd.f32 $9.550000000e+01, v11;
	v20 =	vtrunc.f32 v9;
	v17 =	vor.u32 v0, v17  }
0x2e0: {  	v26 =	vld [tilespmem:s0+$0x10040];
	v11 =	vtrunc.f32 v10;
	v20 =	vcvt.f32.s32 v20  }
0x2e1: {  	v27 =	vld [tilespmem:s0+$0x100C0];
	v25 =	vtrunc.f32 v22;
	v11 =	vcvt.f32.s32 v11  }
0x2e2: {  	v28 =	vld [tilespmem:s0+$0x10140];
	v25 =	vcvt.f32.s32 v25;
	v20 =	vshll.u32 v20, $0x7  }
0x2e3: {  	v49 =	vld [tilespmem:s0+$0x101A0];
	v18 =	vadd.f32 $9.550000000e+01, v18;
	v11 =	vshll.u32 v11, $0x7;
	v20 =	vor.u32 v0, v20  }
0x2e4: {  	v29 =	vor.u32 v0, v11;
	v11 =	vshll.u32 v25, $0x7;
	v25 =	vld.idx.msk [tilespmem:v17+s14+$0x0], $0xffff  }
0x2e5: {  	v58 =	vld [tilespmem:s0+$0x101B0];
	v12 =	vmul.f32 $7.875000000e+00, v12;
	v30 =	vor.u32 v0, v11;
	v11 =	vtrunc.f32 v18  }
0x2e6: {  	v14 =	vmul.f32 $7.875000000e+00, v14;
	v31 =	vcvt.f32.s32 v11;
	v17 =	vld.idx.msk [tilespmem:v17+s4+$0x0], $0xffff  }
0x2e7: {  	v45 =	vld [tilespmem:s0+$0x101D0];
	v15 =	vmul.f32 $7.875000000e+00, v15;
	v16 =	vmul.f32 $7.875000000e+00, v16  }
0x2e8: {  	v50 =	vadd.f32 $9.550000000e+01, v12;
	v12 =	vmul.f32 $7.875000000e+00, v13;
	v31 =	vshll.u32 v31, $0x7;
	v13 =	vld.idx.msk [tilespmem:v20+s14+$0x0], $0xffff  }
0x2e9: {  	v23 =	vmul.f32 $7.875000000e+00, v23;
	v51 =	vld.idx.msk [tilespmem:v29+s14+$0x0], $0xffff;
	v8 =	vmul.f32 v25, v8;
	v25 =	vor.u32 v1, v31  }
0x2ea: {  	v53 =	vadd.f32 $9.550000000e+01, v14;
	v14 =	vmul.f32 $7.875000000e+00, v49;
	v52 =	vld.idx.msk [tilespmem:v30+s14+$0x0], $0xffff;
	v31 =	vadd.f32 $9.550000000e+01, v12  }
0x2eb: {  	v23 =	vadd.f32 $9.550000000e+01, v23;
	v20 =	vld.idx.msk [tilespmem:v20+s4+$0x0], $0xffff;
	v12 =	vtrunc.f32 v50;
	v8 =	vadd.f32 v8, v17  }
0x2ec: {  	v55 =	vadd.f32 $9.550000000e+01, v14;
	v30 =	vld.idx.msk [tilespmem:v30+s4+$0x0], $0xffff;
	v12 =	vcvt.f32.s32 v12;
	v17 =	vtrunc.f32 v31  }
0x2ed: {  	v56 =	vadd.f32 $9.550000000e+01, v15;
	v42 =	vtrunc.f32 v23;
	v29 =	vld.idx.msk [tilespmem:v29+s4+$0x0], $0xffff;
	v17 =	vcvt.f32.s32 v17;
	[tilespmem:s0+$0x18180] =	vst v8  }
0x2ee: {  	s1 =	simm.s32 $0x200;
	v14 =	vtrunc.f32 v55;
	v10 =	vmul.f32 v51, v10;
	v8 =	vshll.u32 v12, $0x7;
	v15 =	vld.idx.msk [tilespmem:v25+s14+$0x0], $0xffff  }
0x2ef: {  	v39 =	vld [tilespmem:s1+$0x100A0];
	v22 =	vmul.f32 v52, v22;
	v57 =	vor.u32 v1, v8;
	v8 =	vshll.u32 v17, $0x7  }
0x2f0: {  	v17 =	vld.idx.msk [tilespmem:v25+s4+$0x0], $0xffff;
	v25 =	vor.u32 v1, v8;
	v8 =	vmul.f32 v13, v9;
	v9 =	vcvt.f32.s32 v14  }
0x2f1: {  	v54 =	vtrunc.f32 v53;
	v34 =	vcvt.f32.s32 v42;
	v42 =	vld [tilespmem:s1+$0x10030];
	v22 =	vadd.f32 v22, v30  }
0x2f2: {  	v11 =	vld [tilespmem:s0+$0x10050];
	v10 =	vadd.f32 v10, v29;
	v8 =	vadd.f32 v8, v20;
	v9 =	vshll.u32 v9, $0x7  }
0x2f3: {  	v12 =	vcvt.f32.s32 v54;
	v54 =	vld [tilespmem:s0+$0x10170];
	[tilespmem:s0+$0x18100] =	vst v22;
	v9 =	vor.u32 v2, v9;
	v15 =	vmul.f32 v15, v18  }
0x2f4: {  	v19 =	vmul.f32 $7.875000000e+00, v19;
	v16 =	vadd.f32 $9.550000000e+01, v16;
	v22 =	vld [tilespmem:s0+$0x101C0];
	[tilespmem:s0+$0x18000] =	vst v8  }
0x2f5: {  	[tilespmem:s0+$0x18080] =	vst v10;
	v18 =	vtrunc.f32 v56;
	v10 =	vld.idx.msk [tilespmem:v57+s14+$0x0], $0xffff;
	v15 =	vadd.f32 v15, v17;
	v17 =	vmul.f32 $7.875000000e+00, v58  }
0x2f6: {  	v26 =	vmul.f32 $7.875000000e+00, v26;
	v59 =	vshll.u32 v12, $0x7;
	v18 =	vcvt.f32.s32 v18;
	v60 =	vld.idx.msk [tilespmem:v25+s14+$0x0], $0xffff  }
0x2f7: {  	v29 =	vtrunc.f32 v16;
	v20 =	vor.u32 v1, v59;
	v32 =	vld.idx.msk [tilespmem:v57+s4+$0x0], $0xffff;
	[tilespmem:s0+$0x18190] =	vst v15;
	v17 =	vadd.f32 $9.550000000e+01, v17  }
0x2f8: {  	v24 =	vmul.f32 $7.875000000e+00, v24;
	v18 =	vshll.u32 v18, $0x7;
	v15 =	vcvt.f32.s32 v29;
	v30 =	vld.idx.msk [tilespmem:v9+s14+$0x0], $0xffff  }
0x2f9: {  	v19 =	vadd.f32 $9.550000000e+01, v19;
	v18 =	vor.u32 v2, v18;
	v62 =	vld.idx.msk [tilespmem:v9+s4+$0x0], $0xffff;
	v9 =	vtrunc.f32 v17  }
0x2fa: {  	v14 =	vld [tilespmem:s0+$0x100D0];
	v15 =	vshll.u32 v15, $0x7;
	v10 =	vmul.f32 v10, v50;
	v9 =	vcvt.f32.s32 v9  }
0x2fb: {  	v27 =	vmul.f32 $7.875000000e+00, v27;
	v61 =	vtrunc.f32 v19;
	v25 =	vld.idx.msk [tilespmem:v25+s4+$0x0], $0xffff;
	v63 =	vor.u32 v2, v15  }
0x2fc: {  	v15 =	vmul.f32 $7.875000000e+00, v21;
	v21 =	vld.idx.msk [tilespmem:v20+s14+$0x0], $0xffff;
	v10 =	vadd.f32 v10, v32;
	v9 =	vshll.u32 v9, $0x7  }
0x2fd: {  	v13 =	vld [tilespmem:s0+$0x10150];
	v22 =	vmul.f32 $7.875000000e+00, v22;
	v30 =	vmul.f32 v30, v55;
	v37 =	vor.u32 v3, v9  }
0x2fe: {  	v29 =	vcvt.f32.s32 v61;
	v31 =	vmul.f32 v60, v31;
	v20 =	vld.idx.msk [tilespmem:v20+s4+$0x0], $0xffff;
	[tilespmem:s0+$0x18010] =	vst v10  }
0x2ff: {  	v28 =	vmul.f32 $7.875000000e+00, v28;
	v40 =	vadd.f32 $9.550000000e+01, v15;
	v41 =	vld.idx.msk [tilespmem:v18+s14+$0x0], $0xffff;
	v15 =	vadd.f32 v30, v62  }
0x300: {  	v12 =	vld [tilespmem:s0+$0x10060];
	v22 =	vadd.f32 $9.550000000e+01, v22;
	v29 =	vshll.u32 v29, $0x7;
	v25 =	vadd.f32 v31, v25  }
0x301: {  	v29 =	vor.u32 v2, v29;
	v18 =	vld.idx.msk [tilespmem:v18+s4+$0x0], $0xffff;
	v30 =	vtrunc.f32 v40;
	v21 =	vmul.f32 v21, v53;
	[tilespmem:s0+$0x181A0] =	vst v15  }
0x302: {  	v43 =	vtrunc.f32 v22;
	[tilespmem:s0+$0x18090] =	vst v25;
	v15 =	vcvt.f32.s32 v30;
	v30 =	vld.idx.msk [tilespmem:v37+s14+$0x0], $0xffff  }
0x303: {  	v24 =	vadd.f32 $9.550000000e+01, v24;
	v48 =	vld.idx.msk [tilespmem:v63+s14+$0x0], $0xffff;
	v20 =	vadd.f32 v21, v20;
	v21 =	vcvt.f32.s32 v43  }
0x304: {  	v26 =	vadd.f32 $9.550000000e+01, v26;
	v31 =	vld.idx.msk [tilespmem:v37+s4+$0x0], $0xffff;
	v44 =	vshll.u32 v15, $0x7;
	v25 =	vmul.f32 v41, v56  }
0x305: {  	v28 =	vadd.f32 $9.550000000e+01, v28;
	v49 =	vld.idx.msk [tilespmem:v63+s4+$0x0], $0xffff;
	[tilespmem:s0+$0x18110] =	vst v20;
	v20 =	vshll.u32 v21, $0x7;
	v36 =	vor.u32 v3, v44  }
0x306: {  	v46 =	vtrunc.f32 v24;
	v21 =	vld.idx.msk [tilespmem:v29+s14+$0x0], $0xffff;
	v20 =	vor.u32 v4, v20;
	v18 =	vadd.f32 v25, v18  }
0x307: {  	v8 =	vld [tilespmem:s0+$0x100E0];
	v25 =	vadd.f32 $9.550000000e+01, v27;
	v27 =	vshll.u32 v34, $0x7;
	v17 =	vmul.f32 v30, v17  }
0x308: {  	v47 =	vcvt.f32.s32 v46;
	v29 =	vld.idx.msk [tilespmem:v29+s4+$0x0], $0xffff;
	v16 =	vmul.f32 v48, v16;
	v27 =	vor.u32 v3, v27  }
0x309: {  	v11 =	vmul.f32 $7.875000000e+00, v11;
	v53 =	vld [tilespmem:s0+$0x101E0];
	[tilespmem:s0+$0x18020] =	vst v18;
	v18 =	vmul.f32 $7.875000000e+00, v45;
	v17 =	vadd.f32 v17, v31  }
0x30a: {  	v16 =	vadd.f32 v16, v49;
	v30 =	vshll.u32 v47, $0x7;
	v31 =	vtrunc.f32 v26;
	v51 =	vld.idx.msk [tilespmem:v36+s14+$0x0], $0xffff  }
0x30b: {  	v36 =	vld.idx.msk [tilespmem:v36+s4+$0x0], $0xffff;
	v19 =	vmul.f32 v21, v19;
	[tilespmem:s0+$0x181B0] =	vst v17;
	v17 =	vadd.f32 $9.550000000e+01, v18;
	v18 =	vor.u32 v3, v30  }
0x30c: {  	v11 =	vadd.f32 $9.550000000e+01, v11;
	v14 =	vmul.f32 $7.875000000e+00, v14;
	[tilespmem:s0+$0x180A0] =	vst v16;
	v31 =	vcvt.f32.s32 v31;
	v21 =	vld.idx.msk [tilespmem:v20+s14+$0x0], $0xffff  }
0x30d: {  	v13 =	vmul.f32 $7.875000000e+00, v13;
	v19 =	vadd.f32 v19, v29;
	v55 =	vld.idx.msk [tilespmem:v27+s14+$0x0], $0xffff;
	v52 =	vtrunc.f32 v17  }
0x30e: {  	v50 =	vtrunc.f32 v25;
	v20 =	vld.idx.msk [tilespmem:v20+s4+$0x0], $0xffff;
	v31 =	vshll.u32 v31, $0x7;
	v29 =	vcvt.f32.s32 v52  }
0x30f: {  	v58 =	vld [tilespmem:s1+$0x10100];
	v30 =	vtrunc.f32 v28;
	v31 =	vor.u32 v4, v31;
	[tilespmem:s0+$0x18120] =	vst v19;
	v16 =	vmul.f32 v51, v40  }
0x310: {  	v32 =	vcvt.f32.s32 v50;
	v30 =	vcvt.f32.s32 v30;
	v19 =	vshll.u32 v29, $0x7;
	v29 =	vld.idx.msk [tilespmem:v18+s14+$0x0], $0xffff  }
0x311: {  	v27 =	vld.idx.msk [tilespmem:v27+s4+$0x0], $0xffff;
	v16 =	vadd.f32 v16, v36;
	v21 =	vmul.f32 v21, v22;
	v19 =	vor.u32 v5, v19  }
0x312: {  	v57 =	vadd.f32 $9.550000000e+01, v14;
	v32 =	vshll.u32 v32, $0x7;
	v30 =	vshll.u32 v30, $0x7;
	v18 =	vld.idx.msk [tilespmem:v18+s4+$0x0], $0xffff  }
0x313: {  	v9 =	vld [tilespmem:s0+$0x10070];
	v14 =	vmul.f32 v55, v23;
	[tilespmem:s0+$0x18030] =	vst v16;
	v16 =	vadd.f32 v21, v20;
	v20 =	vmul.f32 $7.875000000e+00, v53  }
0x314: {  	v22 =	vor.u32 v4, v32;
	v21 =	vor.u32 v4, v30;
	v30 =	vtrunc.f32 v11;
	v56 =	vld.idx.msk [tilespmem:v31+s14+$0x0], $0xffff  }
0x315: {  	v23 =	vld.idx.msk [tilespmem:v31+s4+$0x0], $0xffff;
	[tilespmem:s0+$0x181C0] =	vst v16;
	v20 =	vadd.f32 $9.550000000e+01, v20;
	v16 =	vadd.f32 $9.550000000e+01, v13;
	v13 =	vmul.f32 v29, v24  }
0x316: {  	v14 =	vadd.f32 v14, v27;
	v30 =	vcvt.f32.s32 v30;
	v24 =	vld.idx.msk [tilespmem:v19+s14+$0x0], $0xffff  }
0x317: {  	v19 =	vld.idx.msk [tilespmem:v19+s4+$0x0], $0xffff;
	v27 =	vtrunc.f32 v20;
	v13 =	vadd.f32 v13, v18  }
0x318: {  	v12 =	vmul.f32 $7.875000000e+00, v12;
	[tilespmem:s0+$0x180B0] =	vst v14;
	v29 =	vshll.u32 v30, $0x7;
	v18 =	vcvt.f32.s32 v27;
	v27 =	vld [tilespmem:s0+$0x101F0]  }
0x319: {  	v30 =	vtrunc.f32 v57;
	v31 =	vld.idx.msk [tilespmem:v22+s14+$0x0], $0xffff;
	v29 =	vor.u32 v5, v29;
	v14 =	vmul.f32 v56, v26;
	[tilespmem:s0+$0x18130] =	vst v13  }
0x31a: {  	v12 =	vadd.f32 $9.550000000e+01, v12;
	v30 =	vcvt.f32.s32 v30;
	v13 =	vshll.u32 v18, $0x7;
	v18 =	vld.idx.msk [tilespmem:v21+s14+$0x0], $0xffff  }
0x31b: {  	v22 =	vld.idx.msk [tilespmem:v22+s4+$0x0], $0xffff;
	v26 =	vtrunc.f32 v16;
	v14 =	vadd.f32 v14, v23;
	v17 =	vmul.f32 v24, v17  }
0x31c: {  	v23 =	vcvt.f32.s32 v26;
	v21 =	vld.idx.msk [tilespmem:v21+s4+$0x0], $0xffff;
	v26 =	vtrunc.f32 v12;
	v13 =	vor.u32 v6, v13  }
0x31d: {  	v15 =	vld [tilespmem:s0+$0x10160];
	v24 =	vshll.u32 v30, $0x7;
	[tilespmem:s0+$0x18040] =	vst v14;
	v14 =	vadd.f32 v17, v19;
	v17 =	vmul.f32 $7.875000000e+00, v27  }
0x31e: {  	v25 =	vmul.f32 v31, v25;
	v19 =	vshll.u32 v23, $0x7;
	v23 =	vor.u32 v5, v24;
	v24 =	vld.idx.msk [tilespmem:v29+s14+$0x0], $0xffff  }
0x31f: {  	v27 =	vld.idx.msk [tilespmem:v29+s4+$0x0], $0xffff;
	[tilespmem:s0+$0x181D0] =	vst v14;
	v29 =	vadd.f32 $9.550000000e+01, v17;
	v14 =	vor.u32 v5, v19;
	v18 =	vmul.f32 v18, v28  }
0x320: {  	v10 =	vld [tilespmem:s0+$0x100F0];
	v17 =	vcvt.f32.s32 v26  }
0x321: {  	v22 =	vadd.f32 v25, v22;
	v19 =	vld.idx.msk [tilespmem:v13+s14+$0x0], $0xffff;
	v25 =	vtrunc.f32 v29;
	v18 =	vadd.f32 v18, v21  }
0x322: {  	v62 =	vld [tilespmem:s1+$0x10020];
	v17 =	vshll.u32 v17, $0x7;
	v21 =	vcvt.f32.s32 v25  }
0x323: {  	v13 =	vld.idx.msk [tilespmem:v13+s4+$0x0], $0xffff;
	v17 =	vor.u32 v6, v17;
	v11 =	vmul.f32 v24, v11;
	[tilespmem:s0+$0x18140] =	vst v18  }
0x324: {  	v15 =	vmul.f32 $7.875000000e+00, v15;
	v18 =	vshll.u32 v21, $0x7;
	v21 =	vld.idx.msk [tilespmem:v14+s14+$0x0], $0xffff  }
0x325: {  	v39 =	vmul.f32 $7.875000000e+00, v39;
	v42 =	vmul.f32 $7.875000000e+00, v42;
	v11 =	vadd.f32 v11, v27;
	v24 =	vld.idx.msk [tilespmem:v14+s4+$0x0], $0xffff  }
0x326: {  	v8 =	vmul.f32 $7.875000000e+00, v8;
	v14 =	vadd.f32 $9.550000000e+01, v15;
	v15 =	vld [tilespmem:s1+$0x10180];
	v19 =	vmul.f32 v19, v20  }
0x327: {  	v9 =	vmul.f32 $7.875000000e+00, v9;
	v10 =	vmul.f32 $7.875000000e+00, v10;
	v18 =	vor.u32 v7, v18;
	v20 =	vld [tilespmem:s1+$0x10000];
	[tilespmem:s0+$0x18050] =	vst v11  }
0x328: {  	v37 =	vmul.f32 $7.875000000e+00, v62;
	v11 =	vadd.f32 $9.550000000e+01, v8;
	v13 =	vadd.f32 v19, v13;
	v25 =	vld.idx.msk [tilespmem:v17+s14+$0x0], $0xffff  }
0x329: {  	v32 =	vmul.f32 $7.875000000e+00, v58;
	v26 =	vld.idx.msk [tilespmem:v17+s4+$0x0], $0xffff;
	v17 =	vmul.f32 $7.875000000e+00, v54  }
0x32a: {  	v60 =	vld [tilespmem:s1+$0x10010];
	v8 =	vtrunc.f32 v11;
	[tilespmem:s0+$0x181E0] =	vst v13;
	v13 =	vtrunc.f32 v14  }
0x32b: {  	v63 =	vld [tilespmem:s1+$0x10120];
	v32 =	vadd.f32 $9.550000000e+01, v32;
	v8 =	vcvt.f32.s32 v8;
	v61 =	vmul.f32 $7.875000000e+00, v15  }
0x32c: {  	v27 =	vld.idx.msk [tilespmem:v18+s14+$0x0], $0xffff;
	v19 =	vcvt.f32.s32 v13;
	v13 =	vadd.f32 $9.550000000e+01, v9;
	v20 =	vmul.f32 $7.875000000e+00, v20  }
0x32d: {  	v9 =	vshll.u32 v8, $0x7;
	v8 =	vadd.f32 $9.550000000e+01, v17;
	v17 =	vld [tilespmem:s1+$0x10080];
	v36 =	vadd.f32 $9.550000000e+01, v61  }
0x32e: {  	v16 =	vmul.f32 v21, v16;
	v21 =	vtrunc.f32 v32;
	v28 =	vld.idx.msk [tilespmem:v18+s4+$0x0], $0xffff;
	v18 =	vadd.f32 $9.550000000e+01, v10  }
0x32f: {  	v44 =	vld [tilespmem:s1+$0x100B0];
	v21 =	vcvt.f32.s32 v21;
	v38 =	vadd.f32 $9.550000000e+01, v20;
	v20 =	vtrunc.f32 v36  }
0x330: {  	v45 =	vld [tilespmem:s1+$0x10130];
	v19 =	vshll.u32 v19, $0x7;
	v30 =	vtrunc.f32 v13;
	v54 =	vcvt.f32.s32 v20  }
0x331: {  	v47 =	vld [tilespmem:s1+$0x10040];
	[tilespmem:s0+$0x180C0] =	vst v22;
	v31 =	vtrunc.f32 v18;
	v10 =	vor.u32 v6, v9;
	v59 =	vtrunc.f32 v8  }
0x332: {  	v22 =	vld.idx.msk [tilespmem:v23+s14+$0x0], $0xffff;
	v33 =	vcvt.f32.s32 v59;
	v17 =	vmul.f32 $7.875000000e+00, v17;
	v43 =	vshll.u32 v54, $0x7  }
0x333: {  	v50 =	vld [tilespmem:s1+$0x101A0];
	v58 =	vshll.u32 v21, $0x7;
	v30 =	vcvt.f32.s32 v30;
	v43 =	vor.u32 v0, v43  }
0x334: {  	v23 =	vld.idx.msk [tilespmem:v23+s4+$0x0], $0xffff;
	v9 =	vor.u32 v6, v19;
	v33 =	vshll.u32 v33, $0x7;
	v41 =	vadd.f32 $9.550000000e+01, v17  }
0x335: {  	v55 =	vld [tilespmem:s1+$0x10190];
	v19 =	vcvt.f32.s32 v31;
	v20 =	vor.u32 v7, v33;
	v17 =	vtrunc.f32 v38  }
0x336: {  	v31 =	vld [tilespmem:s1+$0x10090];
	v33 =	vor.u32 v0, v58;
	v17 =	vcvt.f32.s32 v17;
	v56 =	vtrunc.f32 v41  }
0x337: {  	v22 =	vmul.f32 v22, v57;
	v15 =	vshll.u32 v30, $0x7;
	v30 =	vld [tilespmem:s1+$0x10110];
	v34 =	vcvt.f32.s32 v56  }
0x338: {  	v16 =	vadd.f32 v16, v24;
	v12 =	vmul.f32 v25, v12;
	v17 =	vshll.u32 v17, $0x7;
	v59 =	vld.idx.msk [tilespmem:v43+s14+$0x0], $0xffff  }
0x339: {  	v24 =	vld [tilespmem:s1+$0x10140];
	v57 =	vor.u32 v0, v17;
	v17 =	vadd.f32 v22, v23;
	v22 =	vshll.u32 v34, $0x7  }
0x33a: {  	v25 =	vmul.f32 $7.875000000e+00, v60;
	v21 =	vld [tilespmem:s1+$0x10050];
	v23 =	vor.u32 v0, v22;
	v22 =	vmul.f32 $7.875000000e+00, v55  }
0x33b: {  	v62 =	vmul.f32 $7.875000000e+00, v50;
	v12 =	vadd.f32 v12, v26;
	v31 =	vmul.f32 $7.875000000e+00, v31;
	v51 =	vld.idx.msk [tilespmem:v33+s14+$0x0], $0xffff  }
0x33c: {  	v25 =	vadd.f32 $9.550000000e+01, v25;
	v33 =	vld.idx.msk [tilespmem:v33+s4+$0x0], $0xffff;
	v48 =	vadd.f32 $9.550000000e+01, v22;
	v22 =	vmul.f32 v27, v29  }
0x33d: {  	v34 =	vld [tilespmem:s1+$0x100C0];
	v27 =	vmul.f32 $7.875000000e+00, v30;
	v30 =	vadd.f32 $9.550000000e+01, v31;
	v35 =	vmul.f32 v59, v36  }
0x33e: {  	v29 =	vld.idx.msk [tilespmem:v43+s4+$0x0], $0xffff;
	v31 =	vtrunc.f32 v48;
	v22 =	vadd.f32 v22, v28;
	v28 =	vtrunc.f32 v25  }
0x33f: {  	v26 =	vld.idx.msk [tilespmem:v57+s14+$0x0], $0xffff;
	v49 =	vadd.f32 $9.550000000e+01, v27;
	v27 =	vtrunc.f32 v30;
	v31 =	vcvt.f32.s32 v31  }
0x340: {  	v39 =	vadd.f32 $9.550000000e+01, v39;
	v60 =	vld.idx.msk [tilespmem:v23+s14+$0x0], $0xffff;
	v28 =	vcvt.f32.s32 v28;
	v27 =	vcvt.f32.s32 v27  }
0x341: {  	v46 =	vld.idx.msk [tilespmem:v57+s4+$0x0], $0xffff;
	v36 =	vadd.f32 $9.550000000e+01, v37;
	v52 =	vtrunc.f32 v49;
	v31 =	vshll.u32 v31, $0x7  }
0x342: {  	v23 =	vld.idx.msk [tilespmem:v23+s4+$0x0], $0xffff;
	v28 =	vshll.u32 v28, $0x7;
	v61 =	vcvt.f32.s32 v52;
	v27 =	vshll.u32 v27, $0x7  }
0x343: {  	v59 =	vld [tilespmem:s1+$0x101B0];
	v31 =	vor.u32 v1, v31;
	v52 =	vor.u32 v1, v28;
	v28 =	vadd.f32 v35, v29  }
0x344: {  	v35 =	vor.u32 v1, v27;
	v27 =	vld [tilespmem:s1+$0x100D0];
	v26 =	vmul.f32 v26, v38;
	v29 =	vshll.u32 v61, $0x7  }
0x345: {  	v50 =	vor.u32 v1, v29;
	v29 =	vld [tilespmem:s1+$0x10150];
	[tilespmem:s1+$0x18180] =	vst v28;
	v28 =	vtrunc.f32 v36;
	v41 =	vmul.f32 v60, v41  }
0x346: {  	v40 =	vmul.f32 $7.875000000e+00, v63;
	v37 =	vadd.f32 $9.550000000e+01, v62;
	v53 =	vcvt.f32.s32 v28;
	v28 =	vld [tilespmem:s1+$0x10060]  }
0x347: {  	v45 =	vmul.f32 $7.875000000e+00, v45;
	v26 =	vadd.f32 v26, v46;
	v41 =	vadd.f32 v41, v23;
	v23 =	vld [tilespmem:s1+$0x100E0]  }
0x348: {  	v40 =	vadd.f32 $9.550000000e+01, v40;
	v32 =	vmul.f32 v51, v32;
	v56 =	vtrunc.f32 v37;
	v63 =	vld.idx.msk [tilespmem:v31+s14+$0x0], $0xffff  }
0x349: {  	v42 =	vadd.f32 $9.550000000e+01, v42;
	v45 =	vadd.f32 $9.550000000e+01, v45;
	v43 =	vcvt.f32.s32 v56;
	[tilespmem:s1+$0x18000] =	vst v26;
	v31 =	vld.idx.msk [tilespmem:v31+s4+$0x0], $0xffff  }
0x34a: {  	v19 =	vshll.u32 v19, $0x7;
	v61 =	vtrunc.f32 v40;
	v26 =	vadd.f32 v32, v33;
	v62 =	vld.idx.msk [tilespmem:v52+s14+$0x0], $0xffff  }
0x34b: {  	v57 =	vtrunc.f32 v39;
	v43 =	vshll.u32 v43, $0x7;
	v46 =	vcvt.f32.s32 v61;
	v52 =	vld.idx.msk [tilespmem:v52+s4+$0x0], $0xffff;
	[tilespmem:s1+$0x18080] =	vst v41  }
0x34c: {  	v56 =	vmul.f32 $7.875000000e+00, v44;
	v43 =	vor.u32 v2, v43;
	v60 =	vcvt.f32.s32 v57;
	[tilespmem:s1+$0x18100] =	vst v26;
	v26 =	vld.idx.msk [tilespmem:v35+s14+$0x0], $0xffff  }
0x34d: {  	v46 =	vshll.u32 v46, $0x7;
	v32 =	vmul.f32 $7.875000000e+00, v59;
	v58 =	vshll.u32 v53, $0x7;
	v41 =	vld [tilespmem:s1+$0x10160]  }
0x34e: {  	v44 =	vor.u32 v2, v46;
	v46 =	vmul.f32 $7.875000000e+00, v47;
	v35 =	vld.idx.msk [tilespmem:v35+s4+$0x0], $0xffff;
	v38 =	vmul.f32 v63, v48  }
0x34f: {  	v53 =	vmul.f32 $7.875000000e+00, v24;
	v32 =	vadd.f32 $9.550000000e+01, v32;
	v47 =	vld.idx.msk [tilespmem:v50+s4+$0x0], $0xffff;
	v24 =	vmul.f32 v62, v25  }
0x350: {  	v33 =	vshll.u32 v60, $0x7;
	v48 =	vor.u32 v2, v58;
	v63 =	vld.idx.msk [tilespmem:v50+s14+$0x0], $0xffff;
	v31 =	vadd.f32 v38, v31  }
0x351: {  	[tilespmem:s0+$0x180D0] =	vst v17;
	v25 =	vmul.f32 v26, v30;
	v26 =	vtrunc.f32 v32;
	v60 =	vadd.f32 v24, v52;
	v24 =	vld [tilespmem:s1+$0x10070]  }
0x352: {  	v15 =	vor.u32 v7, v15;
	v17 =	vmul.f32 $7.875000000e+00, v21;
	v61 =	vcvt.f32.s32 v26;
	v26 =	vld [tilespmem:s1+$0x100F0];
	[tilespmem:s1+$0x18190] =	vst v31  }
0x353: {  	v54 =	vtrunc.f32 v45;
	v57 =	vtrunc.f32 v42;
	v38 =	vadd.f32 $9.550000000e+01, v56;
	v58 =	vld.idx.msk [tilespmem:v43+s14+$0x0], $0xffff  }
0x354: {  	v51 =	vadd.f32 $9.550000000e+01, v17;
	v17 =	vmul.f32 $7.875000000e+00, v27;
	v31 =	vmul.f32 $7.875000000e+00, v34;
	v30 =	vld.idx.msk [tilespmem:v43+s4+$0x0], $0xffff  }
0x355: {  	v33 =	vor.u32 v2, v33;
	v62 =	vtrunc.f32 v38;
	[tilespmem:s1+$0x18010] =	vst v60;
	v59 =	vmul.f32 v63, v49;
	v63 =	vld [tilespmem:s1+$0x101C0]  }
0x356: {  	v34 =	vcvt.f32.s32 v57;
	v25 =	vadd.f32 v25, v35;
	v56 =	vcvt.f32.s32 v62;
	v57 =	vld.idx.msk [tilespmem:v48+s14+$0x0], $0xffff  }
0x357: {  	v46 =	vadd.f32 $9.550000000e+01, v46;
	v28 =	vmul.f32 $7.875000000e+00, v28;
	v48 =	vld.idx.msk [tilespmem:v48+s4+$0x0], $0xffff;
	v43 =	vadd.f32 v59, v47  }
0x358: {  	v23 =	vmul.f32 $7.875000000e+00, v23;
	v41 =	vmul.f32 $7.875000000e+00, v41;
	v49 =	vld [tilespmem:s1+$0x10170];
	[tilespmem:s1+$0x18090] =	vst v25;
	v59 =	vshll.u32 v56, $0x7  }
0x359: {  	v55 =	vshll.u32 v61, $0x7;
	v61 =	vtrunc.f32 v46;
	[tilespmem:s1+$0x18110] =	vst v43;
	v43 =	vor.u32 v3, v59;
	v59 =	vld [tilespmem:s1+$0x101D0]  }
0x35a: {  	v25 =	vadd.f32 $9.550000000e+01, v31;
	v47 =	vor.u32 v3, v55;
	v37 =	vmul.f32 v58, v37;
	v58 =	vld.idx.msk [tilespmem:v33+s14+$0x0], $0xffff  }
0x35b: {  	v31 =	vcvt.f32.s32 v54;
	v34 =	vshll.u32 v34, $0x7;
	v54 =	vmul.f32 $7.875000000e+00, v29;
	v60 =	vld.idx.msk [tilespmem:v44+s14+$0x0], $0xffff  }
0x35c: {  	v35 =	vmul.f32 $7.875000000e+00, v63;
	v33 =	vld.idx.msk [tilespmem:v33+s4+$0x0], $0xffff;
	v36 =	vmul.f32 v57, v36;
	v37 =	vadd.f32 v37, v30  }
0x35d: {  	v29 =	vadd.f32 $9.550000000e+01, v17;
	v34 =	vor.u32 v3, v34;
	v31 =	vshll.u32 v31, $0x7;
	v44 =	vld.idx.msk [tilespmem:v44+s4+$0x0], $0xffff  }
0x35e: {  	v63 =	vcvt.f32.s32 v61;
	v35 =	vadd.f32 $9.550000000e+01, v35;
	v36 =	vadd.f32 v36, v48;
	v48 =	vld [tilespmem:s1+$0x101F0];
	[tilespmem:s1+$0x181A0] =	vst v37  }
0x35f: {  	v24 =	vmul.f32 $7.875000000e+00, v24;
	v62 =	vtrunc.f32 v25;
	v31 =	vor.u32 v3, v31;
	v56 =	vld.idx.msk [tilespmem:v47+s14+$0x0], $0xffff  }
0x360: {  	[tilespmem:s0+$0x18150] =	vst v16;
	v37 =	vshll.u32 v63, $0x7;
	v39 =	vmul.f32 v58, v39;
	v47 =	vld.idx.msk [tilespmem:v47+s4+$0x0], $0xffff;
	v58 =	vtrunc.f32 v35  }
0x361: {  	[tilespmem:s1+$0x18020] =	vst v36;
	v40 =	vmul.f32 v60, v40;
	v16 =	vor.u32 v4, v37;
	v37 =	vld.idx.msk [tilespmem:v9+s14+$0x0], $0xffff;
	v50 =	vcvt.f32.s32 v58  }
0x362: {  	v26 =	vmul.f32 $7.875000000e+00, v26;
	v30 =	vadd.f32 $9.550000000e+01, v53;
	v63 =	vld.idx.msk [tilespmem:v34+s14+$0x0], $0xffff;
	v33 =	vadd.f32 v39, v33  }
0x363: {  	v53 =	vcvt.f32.s32 v62;
	v17 =	vld.idx.msk [tilespmem:v34+s4+$0x0], $0xffff;
	v27 =	vadd.f32 v40, v44;
	v60 =	vshll.u32 v50, $0x7  }
0x364: {  	v57 =	vtrunc.f32 v30;
	v39 =	vld.idx.msk [tilespmem:v10+s14+$0x0], $0xffff;
	v62 =	vor.u32 v4, v60;
	[tilespmem:s1+$0x180A0] =	vst v33;
	v32 =	vmul.f32 v56, v32  }
0x365: {  	v61 =	vshll.u32 v53, $0x7;
	v21 =	vcvt.f32.s32 v57;
	v57 =	vmul.f32 $7.875000000e+00, v59;
	[tilespmem:s1+$0x18120] =	vst v27;
	v55 =	vld.idx.msk [tilespmem:v43+s14+$0x0], $0xffff  }
0x366: {  	v53 =	vmul.f32 $7.875000000e+00, v49;
	v59 =	vtrunc.f32 v29;
	v58 =	vld.idx.msk [tilespmem:v31+s14+$0x0], $0xffff;
	v32 =	vadd.f32 v32, v47  }
0x367: {  	v21 =	vshll.u32 v21, $0x7;
	v34 =	vadd.f32 $9.550000000e+01, v57;
	v27 =	vadd.f32 $9.550000000e+01, v54;
	v43 =	vld.idx.msk [tilespmem:v43+s4+$0x0], $0xffff  }
0x368: {  	v50 =	vor.u32 v4, v21;
	v56 =	vtrunc.f32 v51;
	v21 =	vmul.f32 v63, v42;
	v31 =	vld.idx.msk [tilespmem:v31+s4+$0x0], $0xffff;
	[tilespmem:s1+$0x181B0] =	vst v32  }
0x369: {  	v33 =	vor.u32 v4, v61;
	v14 =	vmul.f32 v37, v14;
	v61 =	vtrunc.f32 v27;
	v60 =	vld.idx.msk [tilespmem:v62+s14+$0x0], $0xffff  }
0x36a: {  	v47 =	vcvt.f32.s32 v56;
	v17 =	vadd.f32 v21, v17;
	v36 =	vld.idx.msk [tilespmem:v62+s4+$0x0], $0xffff;
	v62 =	vtrunc.f32 v34  }
0x36b: {  	v19 =	vor.u32 v7, v19;
	v63 =	vld [tilespmem:s1+$0x101E0];
	v38 =	vmul.f32 v55, v38;
	v44 =	vcvt.f32.s32 v62  }
0x36c: {  	v42 =	vcvt.f32.s32 v61;
	v21 =	vadd.f32 $9.550000000e+01, v28;
	v56 =	vld.idx.msk [tilespmem:v10+s4+$0x0], $0xffff;
	[tilespmem:s1+$0x18030] =	vst v17;
	v40 =	vmul.f32 v58, v45  }
0x36d: {  	[tilespmem:s0+$0x18060] =	vst v12;
	v39 =	vmul.f32 v39, v11;
	v58 =	vld.idx.msk [tilespmem:v16+s14+$0x0], $0xffff;
	v38 =	vadd.f32 v38, v43;
	v28 =	vshll.u32 v44, $0x7  }
0x36e: {  	v12 =	vld.idx.msk [tilespmem:v16+s4+$0x0], $0xffff;
	v31 =	vadd.f32 v40, v31;
	v17 =	vor.u32 v5, v28;
	v10 =	vmul.f32 v60, v35  }
0x36f: {  	v11 =	vadd.f32 $9.550000000e+01, v24;
	v47 =	vshll.u32 v47, $0x7;
	v32 =	vcvt.f32.s32 v59;
	v28 =	vld.idx.msk [tilespmem:v9+s4+$0x0], $0xffff;
	[tilespmem:s1+$0x180B0] =	vst v38  }
0x370: {  	v9 =	vadd.f32 $9.550000000e+01, v23;
	v23 =	vmul.f32 $7.875000000e+00, v63;
	[tilespmem:s1+$0x18130] =	vst v31;
	v61 =	vld.idx.msk [tilespmem:v33+s14+$0x0], $0xffff;
	v16 =	vadd.f32 v10, v36  }
0x371: {  	v57 =	vshll.u32 v42, $0x7;
	v59 =	vtrunc.f32 v21;
	v32 =	vshll.u32 v32, $0x7;
	v62 =	vld.idx.msk [tilespmem:v50+s14+$0x0], $0xffff  }
0x372: {  	v47 =	vor.u32 v5, v47;
	v32 =	vor.u32 v5, v32;
	v33 =	vld.idx.msk [tilespmem:v33+s4+$0x0], $0xffff;
	v43 =	vadd.f32 $9.550000000e+01, v23;
	[tilespmem:s1+$0x181C0] =	vst v16  }
0x373: {  	v39 =	vadd.f32 v39, v56;
	v42 =	vmul.f32 v58, v46;
	v60 =	vtrunc.f32 v9;
	v31 =	vld.idx.msk [tilespmem:v17+s14+$0x0], $0xffff  }
0x374: {  	v24 =	vld.idx.msk [tilespmem:v50+s4+$0x0], $0xffff;
	v10 =	vadd.f32 $9.550000000e+01, v41;
	v36 =	vcvt.f32.s32 v59;
	v63 =	vtrunc.f32 v43  }
0x375: {  	v23 =	vcvt.f32.s32 v60;
	v12 =	vadd.f32 v42, v12;
	v45 =	vcvt.f32.s32 v63;
	v17 =	vld.idx.msk [tilespmem:v17+s4+$0x0], $0xffff  }
0x376: {  	v38 =	vld.idx.msk [tilespmem:v15+s14+$0x0], $0xffff;
	[tilespmem:s0+$0x180E0] =	vst v39;
	v35 =	vor.u32 v5, v57;
	v59 =	vmul.f32 $7.875000000e+00, v48;
	v25 =	vmul.f32 v61, v25  }
0x377: {  	v16 =	vtrunc.f32 v10;
	[tilespmem:s1+$0x18040] =	vst v12;
	v30 =	vmul.f32 v62, v30;
	v45 =	vshll.u32 v45, $0x7  }
0x378: {  	v54 =	vld.idx.msk [tilespmem:v47+s14+$0x0], $0xffff;
	v52 =	vor.u32 v6, v45;
	v25 =	vadd.f32 v25, v33;
	v31 =	vmul.f32 v31, v34  }
0x379: {  	v56 =	vld.idx.msk [tilespmem:v19+s14+$0x0], $0xffff;
	v36 =	vshll.u32 v36, $0x7;
	v12 =	vadd.f32 $9.550000000e+01, v26;
	v24 =	vadd.f32 v30, v24  }
0x37a: {  	v19 =	vld.idx.msk [tilespmem:v19+s4+$0x0], $0xffff;
	v55 =	vshll.u32 v23, $0x7;
	v23 =	vadd.f32 $9.550000000e+01, v53;
	[tilespmem:s1+$0x180C0] =	vst v25;
	v17 =	vadd.f32 v31, v17  }
0x37b: {  	v14 =	vadd.f32 v14, v28;
	v38 =	vmul.f32 v38, v13;
	v16 =	vcvt.f32.s32 v16;
	v26 =	vld.idx.msk [tilespmem:v47+s4+$0x0], $0xffff;
	[tilespmem:s1+$0x18140] =	vst v24  }
0x37c: {  	v57 =	vtrunc.f32 v12;
	v58 =	vtrunc.f32 v23;
	v24 =	vadd.f32 $9.550000000e+01, v59;
	v60 =	vld.idx.msk [tilespmem:v32+s14+$0x0], $0xffff;
	[tilespmem:s1+$0x181D0] =	vst v17  }
0x37d: {  	v36 =	vor.u32 v6, v36;
	v28 =	vcvt.f32.s32 v58;
	v41 =	vmul.f32 v54, v51;
	v25 =	vld.idx.msk [tilespmem:v52+s14+$0x0], $0xffff  }
0x37e: {  	[tilespmem:s0+$0x18160] =	vst v14;
	v14 =	vtrunc.f32 v24;
	v31 =	vld.idx.msk [tilespmem:v15+s4+$0x0], $0xffff;
	v15 =	vshll.u32 v16, $0x7;
	v16 =	vtrunc.f32 v11  }
0x37f: {  	v13 =	vshll.u32 v28, $0x7;
	v28 =	vcvt.f32.s32 v14;
	v30 =	vcvt.f32.s32 v16;
	v34 =	vld.idx.msk [tilespmem:v52+s4+$0x0], $0xffff  }
0x380: {  	v37 =	vcvt.f32.s32 v57;
	v61 =	vld.idx.msk [tilespmem:v35+s14+$0x0], $0xffff;
	v16 =	vor.u32 v6, v15  }
0x381: {  	[tilespmem:s0+$0x181F0] =	vst v22;
	v32 =	vld.idx.msk [tilespmem:v32+s4+$0x0], $0xffff;
	v22 =	vshll.u32 v28, $0x7;
	v15 =	vshll.u32 v30, $0x7;
	v30 =	vadd.f32 v41, v26  }
0x382: {  	v18 =	vmul.f32 v56, v18;
	v26 =	vld.idx.msk [tilespmem:v35+s4+$0x0], $0xffff;
	v28 =	vor.u32 v7, v22;
	v62 =	vmul.f32 v25, v43  }
0x383: {  	v37 =	vshll.u32 v37, $0x7;
	v13 =	vor.u32 v7, v13;
	[tilespmem:s1+$0x18050] =	vst v30;
	v31 =	vadd.f32 v38, v31;
	v25 =	vld.idx.msk [tilespmem:v20+s14+$0x0], $0xffff  }
0x384: {  	v14 =	vor.u32 v7, v37;
	v63 =	vmul.f32 v60, v29;
	v30 =	vld.idx.msk [tilespmem:v36+s14+$0x0], $0xffff;
	v34 =	vadd.f32 v62, v34  }
0x385: {  	v17 =	vor.u32 v6, v55;
	v27 =	vmul.f32 v61, v27;
	v29 =	vld.idx.msk [tilespmem:v36+s4+$0x0], $0xffff;
	[tilespmem:s0+$0x18070] =	vst v31  }
0x386: {  	s6 =	simm.s32 $0x4;
	s7 =	simm.s32 $0x1000;
	v15 =	vor.u32 v7, v15;
	v22 =	vadd.f32 v63, v32;
	v20 =	vld.idx.msk [tilespmem:v20+s4+$0x0], $0xffff;
	[tilespmem:s1+$0x181E0] =	vst v34  }
.LBB2_5:
0x387: {  	s8 =	sshra.s32 s7, $0x2;
	v26 =	vadd.f32 v27, v26;
	v27 =	vld.idx.msk [tilespmem:v28+s14+$0x0], $0xffff  }
0x388: {  	s6 =	sadd.s32 $0x4, s6;
	v31 =	vld [tilespmem:s8+$0x10180];
	[tilespmem:s1+$0x180D0] =	vst v22;
	v22 =	vmul.f32 v25, v8;
	v8 =	vmov v23  }
0x389: {  	p0 =	slt.u32 s6, $0x7C;
	v21 =	vmul.f32 v30, v21;
	[tilespmem:s1+$0x18150] =	vst v26;
	v23 =	vld.idx.msk [tilespmem:v28+s4+$0x0], $0xffff  }
0x38a: {  	v25 =	vld [tilespmem:s8+$0x10000]  }
0x38b: {  	v21 =	vadd.f32 v21, v29;
	v18 =	vadd.f32 v18, v19;
	v26 =	vld [tilespmem:s8+$0x10080]  }
0x38c: {  	v20 =	vadd.f32 v22, v20;
	v19 =	vld [tilespmem:s8+$0x10100]  }
0x38d: {  	v22 =	vld [tilespmem:s8+$0x10010];
	[tilespmem:s1+$0x18060] =	vst v21;
	v21 =	vmul.f32 v27, v24  }
0x38e: {  	v27 =	vmul.f32 $7.875000000e+00, v31;
	v24 =	vld [tilespmem:s8+$0x10090];
	[tilespmem:s0+$0x180F0] =	vst v18  }
0x38f: {  	v18 =	vmul.f32 $7.875000000e+00, v25;
	v25 =	vld [tilespmem:s8+$0x10110];
	v21 =	vadd.f32 v21, v23;
	[tilespmem:s0+$0x18170] =	vst v20;
	s0 =	smov.u32 s1;
	s1 =	smov.u32 s8  }
0x390: {  	v20 =	vld [tilespmem:s1+$0x10020];
	v23 =	vmul.f32 $7.875000000e+00, v26;
	v26 =	vadd.f32 $9.550000000e+01, v27  }
0x391: {  	v18 =	vadd.f32 $9.550000000e+01, v18;
	v27 =	vld [tilespmem:s1+$0x100A0];
	v19 =	vmul.f32 $7.875000000e+00, v19;
	[tilespmem:s0+$0x181F0] =	vst v21  }
0x392: {  	v21 =	vmul.f32 $7.875000000e+00, v22;
	v28 =	vadd.f32 $9.550000000e+01, v23;
	v22 =	vld [tilespmem:s1+$0x10120];
	v23 =	vtrunc.f32 v26  }
0x393: {  	v29 =	vtrunc.f32 v18;
	v30 =	vld [tilespmem:s1+$0x10030];
	v19 =	vadd.f32 $9.550000000e+01, v19;
	v31 =	vcvt.f32.s32 v23  }
0x394: {  	v29 =	vcvt.f32.s32 v29;
	v23 =	vadd.f32 $9.550000000e+01, v21;
	v21 =	vtrunc.f32 v28;
	v32 =	vld [tilespmem:s1+$0x10190]  }
0x395: {  	v21 =	vcvt.f32.s32 v21;
	v35 =	vld [tilespmem:s1+$0x100B0];
	v33 =	vtrunc.f32 v19;
	v31 =	vshll.u32 v31, $0x7  }
0x396: {  	v29 =	vshll.u32 v29, $0x7;
	v33 =	vcvt.f32.s32 v33;
	v36 =	vld [tilespmem:s1+$0x10130];
	v31 =	vor.u32 v0, v31  }
0x397: {  	v24 =	vmul.f32 $7.875000000e+00, v24;
	v29 =	vor.u32 v0, v29;
	v37 =	vld [tilespmem:s1+$0x10040];
	v21 =	vshll.u32 v21, $0x7  }
0x398: {  	v25 =	vmul.f32 $7.875000000e+00, v25;
	v34 =	vor.u32 v0, v21;
	v38 =	vld [tilespmem:s1+$0x100C0];
	v21 =	vshll.u32 v33, $0x7  }
0x399: {  	v24 =	vadd.f32 $9.550000000e+01, v24;
	v33 =	vor.u32 v0, v21;
	v39 =	vld [tilespmem:s1+$0x10140];
	v32 =	vmul.f32 $7.875000000e+00, v32  }
0x39a: {  	v20 =	vmul.f32 $7.875000000e+00, v20;
	v40 =	vtrunc.f32 v23;
	v25 =	vadd.f32 $9.550000000e+01, v25;
	v21 =	vld [tilespmem:s1+$0x10050]  }
0x39b: {  	v40 =	vcvt.f32.s32 v40;
	v41 =	vtrunc.f32 v24;
	v42 =	vld.idx.msk [tilespmem:v31+s14+$0x0], $0xffff;
	v43 =	vadd.f32 $9.550000000e+01, v32  }
0x39c: {  	v20 =	vadd.f32 $9.550000000e+01, v20;
	v41 =	vcvt.f32.s32 v41;
	v44 =	vtrunc.f32 v25;
	v32 =	vld.idx.msk [tilespmem:v29+s14+$0x0], $0xffff  }
0x39d: {  	v40 =	vshll.u32 v40, $0x7;
	v44 =	vcvt.f32.s32 v44;
	v31 =	vld.idx.msk [tilespmem:v31+s4+$0x0], $0xffff;
	v45 =	vtrunc.f32 v43  }
0x39e: {  	v40 =	vor.u32 v1, v40;
	v41 =	vshll.u32 v41, $0x7;
	v46 =	vld.idx.msk [tilespmem:v34+s14+$0x0], $0xffff;
	v45 =	vcvt.f32.s32 v45  }
0x39f: {  	v27 =	vmul.f32 $7.875000000e+00, v27;
	v41 =	vor.u32 v1, v41;
	v44 =	vshll.u32 v44, $0x7;
	v47 =	vld [tilespmem:s1+$0x101A0]  }
0x3a0: {  	v49 =	vmul.f32 $7.875000000e+00, v22;
	v44 =	vor.u32 v1, v44;
	v48 =	vld.idx.msk [tilespmem:v33+s14+$0x0], $0xffff;
	v45 =	vshll.u32 v45, $0x7  }
0x3a1: {  	v22 =	vadd.f32 $9.550000000e+01, v27;
	v26 =	vmul.f32 v42, v26;
	v29 =	vld.idx.msk [tilespmem:v29+s4+$0x0], $0xffff;
	v27 =	vor.u32 v1, v45  }
0x3a2: {  	v42 =	vtrunc.f32 v20;
	v18 =	vmul.f32 v32, v18;
	v32 =	vadd.f32 $9.550000000e+01, v49;
	v45 =	vld.idx.msk [tilespmem:v34+s4+$0x0], $0xffff  }
0x3a3: {  	v34 =	vcvt.f32.s32 v42;
	v42 =	vtrunc.f32 v22;
	v26 =	vadd.f32 v26, v31;
	v49 =	vld.idx.msk [tilespmem:v33+s4+$0x0], $0xffff  }
0x3a4: {  	v28 =	vmul.f32 v46, v28;
	v33 =	vld [tilespmem:s1+$0x100D0];
	v31 =	vmul.f32 $7.875000000e+00, v47  }
0x3a5: {  	v42 =	vcvt.f32.s32 v42;
	v46 =	vshll.u32 v34, $0x7;
	v47 =	vtrunc.f32 v32;
	v34 =	vld [tilespmem:s1+$0x10150];
	[tilespmem:s1+$0x18180] =	vst v26  }
0x3a6: {  	v19 =	vmul.f32 v48, v19;
	v26 =	vcvt.f32.s32 v47;
	v47 =	vld.idx.msk [tilespmem:v27+s14+$0x0], $0xffff;
	v48 =	vadd.f32 $9.550000000e+01, v31  }
0x3a7: {  	v46 =	vor.u32 v2, v46;
	v18 =	vadd.f32 v18, v29;
	v29 =	vshll.u32 v42, $0x7;
	v31 =	vld [tilespmem:s1+$0x10060]  }
0x3a8: {  	v28 =	vadd.f32 v28, v45;
	v26 =	vshll.u32 v26, $0x7;
	v42 =	vld.idx.msk [tilespmem:v27+s4+$0x0], $0xffff;
	v45 =	vtrunc.f32 v48  }
0x3a9: {  	v50 =	vor.u32 v2, v29;
	[tilespmem:s1+$0x18000] =	vst v18;
	v27 =	vld [tilespmem:s1+$0x100E0];
	v18 =	vadd.f32 v19, v49;
	v19 =	vcvt.f32.s32 v45  }
0x3aa: {  	v29 =	vmul.f32 $7.875000000e+00, v30;
	[tilespmem:s1+$0x18080] =	vst v28;
	v28 =	vmul.f32 $7.875000000e+00, v35;
	v35 =	vor.u32 v2, v26;
	v45 =	vld [tilespmem:s1+$0x101B0]  }
0x3ab: {  	v37 =	vmul.f32 $7.875000000e+00, v37;
	v49 =	vld.idx.msk [tilespmem:v40+s14+$0x0], $0xffff;
	[tilespmem:s1+$0x18100] =	vst v18;
	v18 =	vmul.f32 $7.875000000e+00, v36;
	v19 =	vshll.u32 v19, $0x7  }
0x3ac: {  	v29 =	vadd.f32 $9.550000000e+01, v29;
	v43 =	vmul.f32 v47, v43;
	v36 =	vld.idx.msk [tilespmem:v41+s14+$0x0], $0xffff;
	v47 =	vor.u32 v2, v19  }
0x3ad: {  	v30 =	vadd.f32 $9.550000000e+01, v28;
	v28 =	vmul.f32 $7.875000000e+00, v38;
	v38 =	vld.idx.msk [tilespmem:v44+s14+$0x0], $0xffff;
	v26 =	vadd.f32 $9.550000000e+01, v18  }
0x3ae: {  	v39 =	vmul.f32 $7.875000000e+00, v39;
	v18 =	vtrunc.f32 v29;
	v42 =	vadd.f32 v43, v42;
	v40 =	vld.idx.msk [tilespmem:v40+s4+$0x0], $0xffff  }
0x3af: {  	v19 =	vadd.f32 $9.550000000e+01, v37;
	v37 =	vld.idx.msk [tilespmem:v41+s4+$0x0], $0xffff;
	v41 =	vtrunc.f32 v30;
	v43 =	vmul.f32 $7.875000000e+00, v45  }
0x3b0: {  	v45 =	vcvt.f32.s32 v18;
	v18 =	vadd.f32 $9.550000000e+01, v28;
	v28 =	vtrunc.f32 v26;
	v44 =	vld.idx.msk [tilespmem:v44+s4+$0x0], $0xffff;
	[tilespmem:s1+$0x18190] =	vst v42  }
0x3b1: {  	v23 =	vmul.f32 v49, v23;
	v41 =	vcvt.f32.s32 v41;
	v42 =	vld.idx.msk [tilespmem:v47+s14+$0x0], $0xffff;
	v43 =	vadd.f32 $9.550000000e+01, v43  }
0x3b2: {  	v28 =	vcvt.f32.s32 v28;
	v45 =	vshll.u32 v45, $0x7;
	v24 =	vmul.f32 v36, v24;
	v36 =	vld [tilespmem:s1+$0x10160]  }
0x3b3: {  	v41 =	vshll.u32 v41, $0x7;
	v25 =	vmul.f32 v38, v25;
	v38 =	vld.idx.msk [tilespmem:v47+s4+$0x0], $0xffff;
	v47 =	vtrunc.f32 v43  }
0x3b4: {  	v49 =	vshll.u32 v28, $0x7;
	v40 =	vadd.f32 v23, v40;
	v23 =	vld [tilespmem:s1+$0x10070];
	v47 =	vcvt.f32.s32 v47  }
0x3b5: {  	v45 =	vor.u32 v3, v45;
	v24 =	vadd.f32 v24, v37;
	v37 =	vor.u32 v3, v41;
	v41 =	vld [tilespmem:s1+$0x101C0]  }
0x3b6: {  	v25 =	vadd.f32 v25, v44;
	[tilespmem:s1+$0x18010] =	vst v40;
	v28 =	vld [tilespmem:s1+$0x100F0];
	v40 =	vor.u32 v3, v49;
	v44 =	vshll.u32 v47, $0x7  }
0x3b7: {  	v47 =	vld.idx.msk [tilespmem:v46+s14+$0x0], $0xffff;
	[tilespmem:s1+$0x18090] =	vst v24;
	v24 =	vadd.f32 $9.550000000e+01, v39;
	v39 =	vmul.f32 v42, v48;
	v42 =	vor.u32 v3, v44  }
0x3b8: {  	v49 =	vtrunc.f32 v18;
	v44 =	vtrunc.f32 v19;
	v48 =	vld.idx.msk [tilespmem:v50+s14+$0x0], $0xffff;
	[tilespmem:s1+$0x18110] =	vst v25  }
0x3b9: {  	v25 =	vcvt.f32.s32 v44;
	v44 =	vld.idx.msk [tilespmem:v35+s14+$0x0], $0xffff;
	v51 =	vtrunc.f32 v24;
	v38 =	vadd.f32 v39, v38  }
0x3ba: {  	v39 =	vld.idx.msk [tilespmem:v46+s4+$0x0], $0xffff;
	v46 =	vcvt.f32.s32 v49;
	v41 =	vmul.f32 $7.875000000e+00, v41  }
0x3bb: {  	v21 =	vmul.f32 $7.875000000e+00, v21;
	v25 =	vshll.u32 v25, $0x7;
	v49 =	vld.idx.msk [tilespmem:v50+s4+$0x0], $0xffff;
	v50 =	vcvt.f32.s32 v51;
	[tilespmem:s1+$0x181A0] =	vst v38  }
0x3bc: {  	v38 =	vor.u32 v4, v25;
	v25 =	vshll.u32 v46, $0x7;
	v46 =	vld.idx.msk [tilespmem:v42+s14+$0x0], $0xffff;
	v41 =	vadd.f32 $9.550000000e+01, v41  }
0x3bd: {  	v20 =	vmul.f32 v47, v20;
	v47 =	vor.u32 v4, v25;
	v51 =	vld.idx.msk [tilespmem:v35+s4+$0x0], $0xffff;
	v25 =	vshll.u32 v50, $0x7  }
0x3be: {  	v22 =	vmul.f32 v48, v22;
	v35 =	vor.u32 v4, v25;
	v42 =	vld.idx.msk [tilespmem:v42+s4+$0x0], $0xffff;
	v48 =	vtrunc.f32 v41  }
0x3bf: {  	v25 =	vadd.f32 $9.550000000e+01, v21;
	v21 =	vmul.f32 v44, v32;
	v32 =	vld [tilespmem:s1+$0x10170];
	v44 =	vcvt.f32.s32 v48  }
0x3c0: {  	v33 =	vmul.f32 $7.875000000e+00, v33;
	v34 =	vmul.f32 $7.875000000e+00, v34;
	v20 =	vadd.f32 v20, v39;
	v39 =	vld [tilespmem:s1+$0x101D0]  }
0x3c1: {  	v48 =	vtrunc.f32 v25;
	v22 =	vadd.f32 v22, v49;
	v44 =	vshll.u32 v44, $0x7;
	v49 =	vld.idx.msk [tilespmem:v17+s14+$0x0], $0xffff  }
0x3c2: {  	[tilespmem:s1+$0x18020] =	vst v20;
	v20 =	vadd.f32 $9.550000000e+01, v33;
	v33 =	vmul.f32 v46, v43;
	v43 =	vor.u32 v4, v44;
	v44 =	vld.idx.msk [tilespmem:v16+s14+$0x0], $0xffff  }
0x3c3: {  	v48 =	vcvt.f32.s32 v48;
	v21 =	vadd.f32 v21, v51;
	v46 =	vld.idx.msk [tilespmem:v45+s14+$0x0], $0xffff;
	[tilespmem:s1+$0x180A0] =	vst v22;
	v22 =	vadd.f32 $9.550000000e+01, v34  }
0x3c4: {  	v31 =	vmul.f32 $7.875000000e+00, v31;
	v34 =	vld.idx.msk [tilespmem:v37+s14+$0x0], $0xffff;
	v50 =	vtrunc.f32 v20;
	v33 =	vadd.f32 v33, v42  }
0x3c5: {  	v42 =	vld.idx.msk [tilespmem:v45+s4+$0x0], $0xffff;
	v45 =	vshll.u32 v48, $0x7;
	[tilespmem:s1+$0x18120] =	vst v21;
	v21 =	vtrunc.f32 v22;
	v39 =	vmul.f32 $7.875000000e+00, v39  }
0x3c6: {  	v48 =	vcvt.f32.s32 v50;
	v45 =	vor.u32 v5, v45;
	v50 =	vld.idx.msk [tilespmem:v40+s14+$0x0], $0xffff;
	v51 =	vcvt.f32.s32 v21;
	[tilespmem:s1+$0x181B0] =	vst v33  }
0x3c7: {  	v36 =	vmul.f32 $7.875000000e+00, v36;
	v33 =	vmul.f32 $7.875000000e+00, v27;
	v52 =	vld.idx.msk [tilespmem:v43+s14+$0x0], $0xffff;
	v39 =	vadd.f32 $9.550000000e+01, v39  }
0x3c8: {  	v21 =	vadd.f32 $9.550000000e+01, v31;
	v27 =	vshll.u32 v48, $0x7;
	v31 =	vld.idx.msk [tilespmem:v37+s4+$0x0], $0xffff;
	v37 =	vshll.u32 v51, $0x7  }
0x3c9: {  	v29 =	vmul.f32 v46, v29;
	v27 =	vor.u32 v5, v27;
	v43 =	vld.idx.msk [tilespmem:v43+s4+$0x0], $0xffff;
	v46 =	vtrunc.f32 v39  }
0x3ca: {  	v30 =	vmul.f32 v34, v30;
	v37 =	vor.u32 v5, v37;
	v34 =	vld.idx.msk [tilespmem:v40+s4+$0x0], $0xffff;
	v40 =	vcvt.f32.s32 v46  }
0x3cb: {  	v33 =	vadd.f32 $9.550000000e+01, v33;
	v29 =	vadd.f32 v29, v42;
	v42 =	vtrunc.f32 v21;
	v46 =	vld [tilespmem:s1+$0x101E0]  }
0x3cc: {  	v36 =	vadd.f32 $9.550000000e+01, v36;
	v26 =	vmul.f32 v50, v26;
	v40 =	vshll.u32 v40, $0x7;
	v48 =	vld.idx.msk [tilespmem:v17+s4+$0x0], $0xffff  }
0x3cd: {  	v17 =	vtrunc.f32 v33;
	[tilespmem:s1+$0x18030] =	vst v29;
	v29 =	vmul.f32 v52, v41;
	v40 =	vor.u32 v5, v40;
	v41 =	vld.idx.msk [tilespmem:v16+s4+$0x0], $0xffff  }
0x3ce: {  	v16 =	vcvt.f32.s32 v42;
	v30 =	vadd.f32 v30, v31;
	v31 =	vtrunc.f32 v36;
	v50 =	vld.idx.msk [tilespmem:v38+s14+$0x0], $0xffff  }
0x3cf: {  	v17 =	vcvt.f32.s32 v17;
	v31 =	vcvt.f32.s32 v31;
	v38 =	vld.idx.msk [tilespmem:v38+s4+$0x0], $0xffff;
	v29 =	vadd.f32 v29, v43  }
0x3d0: {  	v16 =	vshll.u32 v16, $0x7;
	v26 =	vadd.f32 v26, v34;
	[tilespmem:s1+$0x180B0] =	vst v30;
	v30 =	vmul.f32 $7.875000000e+00, v46;
	v34 =	vld.idx.msk [tilespmem:v15+s14+$0x0], $0xffff  }
0x3d1: {  	v42 =	vor.u32 v6, v16;
	v16 =	vshll.u32 v17, $0x7;
	v31 =	vshll.u32 v31, $0x7;
	v43 =	vld.idx.msk [tilespmem:v47+s14+$0x0], $0xffff;
	[tilespmem:s1+$0x181C0] =	vst v29  }
0x3d2: {  	v17 =	vor.u32 v6, v16;
	v16 =	vor.u32 v6, v31;
	[tilespmem:s1+$0x18130] =	vst v26;
	v26 =	vld.idx.msk [tilespmem:v40+s14+$0x0], $0xffff;
	v29 =	vadd.f32 $9.550000000e+01, v30  }
0x3d3: {  	v23 =	vmul.f32 $7.875000000e+00, v23;
	v28 =	vmul.f32 $7.875000000e+00, v28;
	v30 =	vld.idx.msk [tilespmem:v35+s14+$0x0], $0xffff  }
0x3d4: {  	v19 =	vmul.f32 v50, v19;
	v31 =	vld.idx.msk [tilespmem:v40+s4+$0x0], $0xffff;
	v40 =	vtrunc.f32 v29  }
0x3d5: {  	v46 =	vadd.f32 $9.550000000e+01, v23;
	v23 =	vmul.f32 $7.875000000e+00, v32;
	v47 =	vld.idx.msk [tilespmem:v47+s4+$0x0], $0xffff;
	v32 =	vcvt.f32.s32 v40  }
0x3d6: {  	v28 =	vadd.f32 $9.550000000e+01, v28;
	v19 =	vadd.f32 v19, v38;
	v40 =	vmul.f32 v49, v9;
	v9 =	vmovc v33;
	v38 =	vld [tilespmem:s1+$0x101F0]  }
0x3d7: {  	v23 =	vadd.f32 $9.550000000e+01, v23;
	v18 =	vmul.f32 v43, v18;
	v33 =	vld.idx.msk [tilespmem:v35+s4+$0x0], $0xffff;
	v32 =	vshll.u32 v32, $0x7  }
0x3d8: {  	[tilespmem:s1+$0x18040] =	vst v19;
	v19 =	vmul.f32 v26, v39;
	v26 =	vor.u32 v6, v32;
	v32 =	vmul.f32 v44, v10  }
0x3d9: {  	v39 =	vtrunc.f32 v46;
	v24 =	vmul.f32 v30, v24;
	v30 =	vadd.f32 v40, v48;
	v10 =	vmovc v36;
	v35 =	vld.idx.msk [tilespmem:v45+s14+$0x0], $0xffff  }
0x3da: {  	v43 =	vtrunc.f32 v23;
	v40 =	vtrunc.f32 v28;
	v36 =	vld.idx.msk [tilespmem:v45+s4+$0x0], $0xffff;
	v19 =	vadd.f32 v19, v31  }
0x3db: {  	v31 =	vcvt.f32.s32 v39;
	v18 =	vadd.f32 v18, v47;
	v38 =	vmul.f32 $7.875000000e+00, v38;
	v39 =	vld.idx.msk [tilespmem:v15+s4+$0x0], $0xffff;
	[tilespmem:s0+$0x180E0] =	vst v30  }
0x3dc: {  	v32 =	vadd.f32 v32, v41;
	v30 =	vcvt.f32.s32 v40;
	v40 =	vcvt.f32.s32 v43;
	[tilespmem:s1+$0x181D0] =	vst v19;
	v19 =	vld.idx.msk [tilespmem:v14+s14+$0x0], $0xffff  }
0x3dd: {  	v15 =	vshll.u32 v31, $0x7;
	[tilespmem:s1+$0x180C0] =	vst v18;
	v18 =	vadd.f32 v24, v33;
	v31 =	vld.idx.msk [tilespmem:v26+s14+$0x0], $0xffff;
	v24 =	vadd.f32 $9.550000000e+01, v38  }
0x3de: {  	v15 =	vor.u32 v7, v15;
	v30 =	vshll.u32 v30, $0x7;
	v38 =	vshll.u32 v40, $0x7;
	v33 =	vld.idx.msk [tilespmem:v27+s14+$0x0], $0xffff;
	[tilespmem:s0+$0x18160] =	vst v32  }
0x3df: {  	v25 =	vmul.f32 v35, v25;
	v32 =	vor.u32 v7, v30;
	[tilespmem:s1+$0x18140] =	vst v18;
	v35 =	vld.idx.msk [tilespmem:v26+s4+$0x0], $0xffff;
	v18 =	vtrunc.f32 v24  }
0x3e0: {  	v38 =	vor.u32 v7, v38;
	v30 =	vmul.f32 v34, v11;
	v11 =	vmovc v46;
	v40 =	vld.idx.msk [tilespmem:v37+s14+$0x0], $0xffff;
	v18 =	vcvt.f32.s32 v18  }
0x3e1: {  	v25 =	vadd.f32 v25, v36;
	v34 =	vld.idx.msk [tilespmem:v27+s4+$0x0], $0xffff  }
0x3e2: {  	v36 =	vadd.f32 v30, v39;
	v26 =	vld.idx.msk [tilespmem:v37+s4+$0x0], $0xffff;
	v27 =	vshll.u32 v18, $0x7;
	v18 =	vmul.f32 v19, v12;
	v12 =	vmovc v28  }
.Ltmp1:
0x3e3: {  	v19 =	vmul.f32 v31, v29;
	[tilespmem:s1+$0x18050] =	vst v25;
	v28 =	vor.u32 v7, v27;
	v25 =	vld.idx.msk [tilespmem:v13+s14+$0x0], $0xffff;
	(pc) =	sbr.rel @p0 .LBB2_5-.Ltmp1, $4  }
0x3e4: {  	v20 =	vmul.f32 v33, v20;
	v30 =	vld.idx.msk [tilespmem:v42+s14+$0x0], $0xffff;
	[tilespmem:s0+$0x18070] =	vst v36  }
0x3e5: {  	v31 =	vadd.f32 v19, v35;
	v29 =	vld.idx.msk [tilespmem:v42+s4+$0x0], $0xffff  }
0x3e6: {  	v27 =	vmul.f32 v40, v22;
	v19 =	vld.idx.msk [tilespmem:v14+s4+$0x0], $0xffff;
	v14 =	vmov v32  }
0x3e7: {  	s7 =	sadd.s32 $0x800, s7;
	v22 =	vadd.f32 v20, v34;
	[tilespmem:s1+$0x181E0] =	vst v31;
	v20 =	vld.idx.msk [tilespmem:v13+s4+$0x0], $0xffff;
	v13 =	vmov v38  }
0x3e8: {  	_ =	sdelay $0x1  }
0x3e9: {  	v26 =	vadd.f32 v27, v26  }
0x3ea: {  	[tilespmem:s1+$0x180D0] =	vst v22  }
0x3eb: {  	[tilespmem:s1+$0x18150] =	vst v26;
	v22 =	vld.idx.msk [tilespmem:v17+s14+$0x0], $0xffff  }
0x3ec: {  	v26 =	vld.idx.msk [tilespmem:v16+s14+$0x0], $0xffff  }
0x3ed: {  	v53 =	vld.idx.msk [tilespmem:v17+s4+$0x0], $0xffff  }
0x3ee: {  	v21 =	vmul.f32 v30, v21;
	v54 =	vld.idx.msk [tilespmem:v16+s4+$0x0], $0xffff;
	_ =	sdelay $0x1  }
0x3ef: {  	v21 =	vadd.f32 v21, v29;
	v9 =	vmul.f32 v22, v9  }
0x3f0: {  	v55 =	vld.idx.msk [tilespmem:v28+s14+$0x0], $0xffff;
	v10 =	vmul.f32 v26, v10  }
0x3f1: {  	v56 =	vld.idx.msk [tilespmem:v28+s4+$0x0], $0xffff;
	[tilespmem:s1+$0x18060] =	vst v21;
	v9 =	vadd.f32 v9, v53  }
0x3f2: {  	v57 =	vld.idx.msk [tilespmem:v15+s14+$0x0], $0xffff;
	v10 =	vadd.f32 v10, v54  }
0x3f3: {  	v58 =	vld.idx.msk [tilespmem:v15+s4+$0x0], $0xffff;
	[tilespmem:s1+$0x180E0] =	vst v9  }
0x3f4: {  	v9 =	vld.idx.msk [tilespmem:v14+s14+$0x0], $0xffff;
	[tilespmem:s1+$0x18160] =	vst v10  }
0x3f5: {  	v10 =	vld.idx.msk [tilespmem:v13+s14+$0x0], $0xffff  }
0x3f6: {  	v8 =	vmul.f32 v25, v8;
	v59 =	vld.idx.msk [tilespmem:v14+s4+$0x0], $0xffff  }
0x3f7: {  	v60 =	vadd.f32 v18, v19;
	v61 =	vmul.f32 v55, v24;
	v62 =	vld.idx.msk [tilespmem:v13+s4+$0x0], $0xffff  }
0x3f8: {  	v8 =	vadd.f32 v8, v20;
	v11 =	vmul.f32 v57, v11  }
0x3f9: {  	s24 =	sadd.s32 $0x1, s24;
	[tilespmem:s0+$0x180F0] =	vst v60;
	v63 =	vadd.f32 v61, v56;
	v9 =	vmul.f32 v9, v12  }
0x3fa: {  	p0 =	sne.s32 s24, $0x40;
	[tilespmem:s0+$0x18170] =	vst v8;
	v8 =	vadd.f32 v11, v58;
	v10 =	vmul.f32 v10, v23  }
.Ltmp2:
0x3fb: {  	[tilespmem:s1+$0x181F0] =	vst v63;
	v9 =	vadd.f32 v9, v59;
	(pc) =	sbr.rel @p0 .LBB2_2-.Ltmp2, $4  }
0x3fc: {  	[tilespmem:s1+$0x18070] =	vst v8;
	v8 =	vadd.f32 v10, v62  }
0x3fd: {  	[tilespmem:s1+$0x180F0] =	vst v9  }
0x3fe: {  	s31 =	sadd.s32 s3, s25;
	[tilespmem:s1+$0x18170] =	vst v8  }
0x3ff: {  	[hbm4b:s31+s11] =	stream.strided.scatter [tilespmem:s20], [sflag:$0x4], $0x4000, s12, s11, $0x38;
	[tilespmem:$0x1C000] =	vst v63  }
0x400: {  	_ =	swait.ge [sflag:s21], $0x4000  }
0x401: {  	[sflag:s21] =	ssyncset.done $0x0  }
0x402: {  	[sflag:s21] =	ssyncadd.s32 $0xFFFFC000  }
0x403: {  	_ =	swait.ge [sflag:s22], $0x4000  }
0x404: {  	s23 =	sadd.s32 $0x1, s23;
	s0 =	rddreg [dreg:$0x7]  }
0x405: {  	p0 =	sne.s32 s23, s0  }
.Ltmp3:
0x406: {  	_ = 	snop;
	(pc) =	sbr.rel @p0 .LBB2_1-.Ltmp3, $3  }
0x407: {  	_ =	sdelay $0x1  }
0x408: {  	[sflag:s22] =	ssyncset.done $0x0  }
0x409: {  	[sflag:s22] =	ssyncadd.s32 $0xFFFFC000  }
0x40a: {  	_ =	sfence.sel $0x180000  }
0x40b: {  	[bflag:$0x0] =	sbarrier.arrive $0xFFFF  }
0x40c: {  	_ =	strace $0x90000047  }
0x40d: {  	s0 =	stileid.u32;
	[bflag:$0x2] =	sbarrier.arrive $0xFFFF  }
0x40e: {  	p0 =	sne.s32 s0, $0x0;
	s0 =	rddreg [dreg:$0x3]  }
0x40f: {  	s0 =	sadd.s32 @!p0 $0x100000, s0  }
0x410: {  	[sflag:s0] =	ssyncadd.tile.s32 @!p0 $0x1;
	_ =	shalt  }
.Lfunc_end2:
_tile_overlayer_lowered:
.L_overlay_start_2:
0x411: {  	(tag) =	ssettag $0x2  }
0x412: {  	s0 =	rddreg [dreg:$0x0];
	s2 =	stileid.u32  }
0x413: {  	s1 =	rddreg [dreg:$0x1];
	p0 =	sne.s32 s2, $0x0  }
0x414: {  	s3 =	rddreg [dreg:$0x2];
	[bflag:$0x3] =	sbarrier.arrive $0xFFFF;
	s2 =	simm.s32 @!p0 $0x1C05  }
0x415: {  	[timem:s3], [sflag:s2] =	dma.local @!p0 [hbm:s0], s1  }
0x416: {  	s0 =	simm.s32 @!p0 $0x5  }
0x417: {  	_ =	swait.ge @!p0 [sflag:s0], s1  }
0x418: {  	s1 =	ssub.s32 @!p0 $0x0, s1;
	[sflag:s0] =	ssyncset.done @!p0 $0x0  }
0x419: {  	[sflag:s0] =	ssyncadd.s32 @!p0 s1  }
0x41a: {  	[bflag:$0x3] =	sbarrier.arrive $0xFFFF  }
0x41b: {  	_ =	shalt  }

</sc_bundles>
